<compile_context>
chip_gen: v7x
topology: tpu7x:2x2x1
jax: 0.10.2.dev20260603
libtpu: 0.0.44.dev20260713+nightly
codegen_flags: <defaults>
</compile_context>

<pallas_src>
import functools

import jax
import jax.numpy as jnp
from jax import lax
from jax.experimental import pallas as pl
from jax.experimental.pallas import tpu as pltpu
from jax.experimental.pallas import tpu_sc as plsc

_N = 10000
_P = 2
_E = 320000
_F = 128
_SH = 64
_KC = 32
_NT = 16
_C = 125
_NCH = _E // (_NT * _C)
_BC = 10
_NBLK = _NCH // _BC
_RPT = _N // _NT


def _pre_matmul(x1, x2, W):
    def body(x1_ref, x2_ref, w_ref, o1_ref, o2_ref):
        w = w_ref[...]
        o1_ref[...] = jnp.dot(x1_ref[...], w, preferred_element_type=jnp.float32)
        o2_ref[...] = jnp.dot(x2_ref[...], w, preferred_element_type=jnp.float32)

    return pl.pallas_call(
        body,
        out_shape=(jax.ShapeDtypeStruct((_N, _F), jnp.float32),
                   jax.ShapeDtypeStruct((_N, _F), jnp.float32)),
    )(x1, x2, W)


def _sc_msgpass(xw1, xw2, adjs_r, ones16):
    mesh = plsc.VectorSubcoreMesh(core_axis_name="c", subcore_axis_name="s",
                                  num_cores=2, num_subcores=_NT)

    @functools.partial(
        pl.kernel,
        out_type=(jax.ShapeDtypeStruct((2, _P, _N, _F), jnp.float32),
                  jax.ShapeDtypeStruct((_P, _N, 16), jnp.float32)),
        mesh=mesh,
        scratch_types=[
            pltpu.VMEM_SHARED((_N, _F), jnp.float32),
            pltpu.VMEM_SHARED((_N, 16), jnp.float32),
            pltpu.VMEM((_BC, _C), jnp.int32),
            pltpu.VMEM((_BC, _C), jnp.int32),
            pltpu.VMEM((_BC, _C), jnp.int32),
            pltpu.VMEM((_BC, _C), jnp.int32),
            pltpu.VMEM((_C, _F), jnp.float32),
            pltpu.VMEM((_C, _F), jnp.float32),
            pltpu.VMEM((_C, 16), jnp.float32),
            pltpu.SemaphoreType.DMA,
            pltpu.SemaphoreType.DMA,
            pltpu.SemaphoreType.DMA,
            pltpu.SemaphoreType.DMA,
            pltpu.SemaphoreType.DMA,
        ],
        compiler_params=pltpu.CompilerParams(use_tc_tiling_on_sc=False),
    )
    def k(xw1_hbm, xw2_hbm, adj_hbm, ones_hbm, out_hbm, deg_hbm,
          acc, dacc, src0_v, dst0_v, src1_v, dst1_v, rows0_v, rows1_v, ones_v,
          gsem0, gsem1, isem0, isem1, dsem):
        rel = lax.axis_index("c")
        tid = lax.axis_index("s")
        rows = pl.ds(tid * _RPT, _RPT)

        def stage_idx(b, src_v, dst_v, isem):
            pltpu.async_copy(adj_hbm.at[rel, 0, tid, pl.ds(b * _BC, _BC)],
                             src_v, isem)
            pltpu.async_copy(adj_hbm.at[rel, 1, tid, pl.ds(b * _BC, _BC)],
                             dst_v, isem)

        def wait_idx(b, src_v, dst_v, isem):
            pltpu.make_async_copy(adj_hbm.at[rel, 0, tid, pl.ds(b * _BC, _BC)],
                                  src_v, isem).wait()
            pltpu.make_async_copy(adj_hbm.at[rel, 1, tid, pl.ds(b * _BC, _BC)],
                                  dst_v, isem).wait()

        def run_block(xw_hbm, src_v, dst_v, with_deg):
            pltpu.async_copy(xw_hbm.at[src_v.at[0]], rows0_v, gsem0)

            @pl.loop(0, _BC, step=2)
            def _(j):
                pltpu.async_copy(xw_hbm.at[src_v.at[j + 1]], rows1_v, gsem1)
                pltpu.make_async_copy(xw_hbm.at[src_v.at[j]], rows0_v,
                                      gsem0).wait()
                pltpu.sync_copy(rows0_v, acc.at[dst_v.at[j]], add=True)
                if with_deg:
                    pltpu.async_copy(ones_v, dacc.at[dst_v.at[j]], dsem,
                                     add=True)

                @pl.when(j + 2 < _BC)
                def _():
                    pltpu.async_copy(xw_hbm.at[src_v.at[j + 2]], rows0_v,
                                     gsem0)

                pltpu.make_async_copy(xw_hbm.at[src_v.at[j + 1]], rows1_v,
                                      gsem1).wait()
                pltpu.sync_copy(rows1_v, acc.at[dst_v.at[j + 1]], add=True)
                if with_deg:
                    pltpu.async_copy(ones_v, dacc.at[dst_v.at[j + 1]],
                                     dsem, add=True)

        def edge_pass(xw_hbm, with_deg):
            stage_idx(0, src0_v, dst0_v, isem0)

            @pl.loop(0, _NBLK, step=2)
            def _(b):
                stage_idx(b + 1, src1_v, dst1_v, isem1)
                wait_idx(b, src0_v, dst0_v, isem0)
                run_block(xw_hbm, src0_v, dst0_v, with_deg)

                @pl.when(b + 2 < _NBLK)
                def _():
                    stage_idx(b + 2, src0_v, dst0_v, isem0)

                wait_idx(b + 1, src1_v, dst1_v, isem1)
                run_block(xw_hbm, src1_v, dst1_v, with_deg)

            if with_deg:
                @pl.loop(0, _NBLK * _BC)
                def _(i):
                    pltpu.make_async_copy(ones_v, dacc.at[dst1_v.at[0]],
                                          dsem).wait()

        pltpu.sync_copy(ones_hbm.at[pl.ds(0, _C)], ones_v)
        pltpu.sync_copy(xw1_hbm.at[rows], acc.at[rows])
        pltpu.sync_copy(ones_hbm.at[rows], dacc.at[rows])
        plsc.subcore_barrier()
        edge_pass(xw1_hbm, with_deg=True)
        plsc.subcore_barrier()
        pltpu.sync_copy(acc.at[rows], out_hbm.at[0, rel, rows])
        pltpu.sync_copy(dacc.at[rows], deg_hbm.at[rel, rows])
        pltpu.sync_copy(xw2_hbm.at[rows], acc.at[rows])
        plsc.subcore_barrier()
        edge_pass(xw2_hbm, with_deg=False)
        plsc.subcore_barrier()
        pltpu.sync_copy(acc.at[rows], out_hbm.at[1, rel, rows])

    return k(xw1, xw2, adjs_r, ones16)


def _att(sums, degP, Wsem, q2):
    def body(s_ref, d_ref, wsem_ref, q_ref, h_ref, sm_ref):
        dinv = 1.0 / d_ref[0]
        h = jnp.maximum(s_ref[0, 0] * dinv, 0.0)
        h_ref[0, 0] = h
        t = jnp.tanh(jnp.dot(h, wsem_ref[...], preferred_element_type=jnp.float32))
        att = jnp.dot(t, q_ref[...], preferred_element_type=jnp.float32)
        sm_ref[0, 0] = jnp.mean(att, axis=0, keepdims=True)

    return pl.pallas_call(
        body,
        grid=(2, _P),
        in_specs=[
            pl.BlockSpec((1, 1, _N, _F), lambda si, p: (si, p, 0, 0)),
            pl.BlockSpec((1, _N, 1), lambda si, p: (p, 0, 0)),
            pl.BlockSpec((_F, _SH), lambda si, p: (0, 0)),
            pl.BlockSpec((_SH, 1), lambda si, p: (0, 0)),
        ],
        out_specs=[
            pl.BlockSpec((1, 1, _N, _F), lambda si, p: (si, p, 0, 0)),
            pl.BlockSpec((1, 1, 1, 1), lambda si, p: (si, p, 0, 0)),
        ],
        out_shape=(jax.ShapeDtypeStruct((2, _P, _N, _F), jnp.float32),
                   jax.ShapeDtypeStruct((2, _P, 1, 1), jnp.float32)),
    )(sums, degP, Wsem, q2)


def _combine(hst, sm, init0, ct):
    def body(h_ref, sm_ref, mu0_ref, ct_ref,
             h1_ref, h2_ref, c_ref, mu_ref, r_ref, dist_ref):
        h1 = None
        for si in range(2):
            s0 = sm_ref[si, 0]
            s1 = sm_ref[si, 1]
            m = jnp.maximum(s0, s1)
            e0 = jnp.exp(s0 - m)
            e1 = jnp.exp(s1 - m)
            h = (e0 * h_ref[si, 0] + e1 * h_ref[si, 1]) / (e0 + e1)
            if si == 0:
                h1 = h
                h1_ref[...] = h
                c_ref[...] = jax.nn.sigmoid(jnp.mean(h, axis=0, keepdims=True))
            else:
                h2_ref[...] = h
        ct = ct_ref[...]

        nrm = lax.rsqrt(jnp.sum(h1 * h1, axis=1, keepdims=True))
        data = h1 * nrm
        ones_col = jnp.ones((_N, 1), jnp.float32)
        mu = mu0_ref[...]
        for _ in range(2):
            dist = lax.dot_general(data, mu, (((1,), (1,)), ((), ())),
                                   preferred_element_type=jnp.float32)
            z = ct * dist
            ex = jnp.exp(z - jnp.max(z, axis=1, keepdims=True))
            r = ex / jnp.sum(ex, axis=1, keepdims=True)
            cm = lax.dot_general(r, data, (((0,), (0,)), ((), ())),
                                 preferred_element_type=jnp.float32)
            cr = lax.dot_general(r, ones_col, (((0,), (0,)), ((), ())),
                                 preferred_element_type=jnp.float32)
            mu = cm / cr
        dist = lax.dot_general(data, mu, (((1,), (1,)), ((), ())),
                               preferred_element_type=jnp.float32)
        z = ct * dist
        ex = jnp.exp(z - jnp.max(z, axis=1, keepdims=True))
        r = ex / jnp.sum(ex, axis=1, keepdims=True)
        mu_ref[...] = mu
        r_ref[...] = r
        dist_ref[...] = dist

    return pl.pallas_call(
        body,
        out_shape=(jax.ShapeDtypeStruct((_N, _F), jnp.float32),
                   jax.ShapeDtypeStruct((_N, _F), jnp.float32),
                   jax.ShapeDtypeStruct((1, _F), jnp.float32),
                   jax.ShapeDtypeStruct((_KC, _F), jnp.float32),
                   jax.ShapeDtypeStruct((_N, _KC), jnp.float32),
                   jax.ShapeDtypeStruct((_N, _KC), jnp.float32)),
        compiler_params=pltpu.CompilerParams(vmem_limit_bytes=63 << 20),
    )(hst, sm, init0, ct)


def kernel(seq1, seq2, adjs, sparse, msk, samp_bias1, samp_bias2, K,
           cluster_temp, W, Wsem, q):
    x1 = seq1[0]
    x2 = seq2[0]
    xw1, xw2 = _pre_matmul(x1, x2, W)
    adjs_r = adjs.reshape(_P, 2, _NT, _NCH, _C)
    ones16 = jnp.ones((_N, 16), jnp.float32)
    sums, degs = _sc_msgpass(xw1, xw2, adjs_r, ones16)
    degP = degs[:, :, 0:1]
    ct = jnp.asarray(cluster_temp, jnp.float32).reshape(1, 1)
    init0 = jax.random.uniform(jax.random.key(42), (_KC, _F), dtype=jnp.float32)
    hst, sm = _att(sums, degP, Wsem, q.reshape(_SH, 1))
    h1, h2, c, mu, r, dist = _combine(hst, sm, init0, ct)
    return (h1[None], h2[None], c, mu, r, dist)

# --- scband reference (transcript-rebuilt; emitter-appended) ---
"""Pipeline reference for scband-dgi-80427557585376 (READ-ONLY COPY).

The authoritative reference and input builder live on the scoring server;
editing this copy changes nothing except your own understanding.
"""

import jax, jax.numpy as jnp
import numpy as np

N = 10000
P = 2
E = 320000
NFEAT = 128
NHID = 128
SHID = 64
K_CLUSTERS = 32
CLUSTER_TEMP = 30


def setup_inputs(seed: int = 0) -> dict:
    key = jax.random.key(seed)
    ks = jax.random.split(key, 8)
    seq1 = jax.random.normal(ks[0], (1, N, NFEAT), dtype=jnp.float32)
    seq2 = jax.random.normal(ks[1], (1, N, NFEAT), dtype=jnp.float32)
    adjs = jax.random.randint(ks[2], (P, 2, E), 0, N, dtype=jnp.int32)
    msk = jnp.ones((1, N), dtype=jnp.float32)
    samp_bias1 = jnp.zeros((1, N), dtype=jnp.float32)
    samp_bias2 = jnp.zeros((1, N), dtype=jnp.float32)
    W = jax.random.normal(ks[3], (NFEAT, NHID), dtype=jnp.float32) * 0.05
    Wsem = jax.random.normal(ks[4], (NHID, SHID), dtype=jnp.float32) * 0.05
    q = jax.random.normal(ks[5], (SHID,), dtype=jnp.float32) * 0.05
    return {"seq1": seq1, "seq2": seq2, "adjs": adjs, "sparse": 1, "msk": msk,
            "samp_bias1": samp_bias1, "samp_bias2": samp_bias2, "K": K_CLUSTERS,
            "cluster_temp": CLUSTER_TEMP, "W": W, "Wsem": Wsem, "q": q}


def _hgcn(seq, adjs, W, Wsem, q):
    # per-relation GCN (sparse message passing via gather + segment_sum)
    # followed by semantic-level attention over the P relations (HAN-style).
    x = seq[0]
    xw = x @ W
    hs = []
    for p in range(P):
        src = adjs[p, 0]
        dst = adjs[p, 1]
        msg = jnp.take(xw, src, axis=0)
        agg = jax.ops.segment_sum(msg, dst, num_segments=N)
        deg = jax.ops.segment_sum(jnp.ones((E,), dtype=xw.dtype), dst, num_segments=N)
        h_p = jax.nn.relu((agg + xw) / (deg[:, None] + 1.0))
        hs.append(h_p)
    hstack = jnp.stack(hs)  # [P, N, nhid]
    att = jnp.tanh(hstack @ Wsem) @ q  # [P, N]
    s = att.mean(axis=1)  # [P]
    beta = jax.nn.softmax(s)
    h = jnp.einsum('p,pnd->nd', beta, hstack)
    return h[None]  # [1, N, nhid]


def _avg_readout(h, msk):
    w = msk[..., None]
    return (h * w).sum(axis=1) / w.sum(axis=1)


def _cluster_net(data, k, temp, num_iter, cluster_temp, init):
    data = jnp.squeeze(data)
    data = data / jnp.linalg.norm(data, axis=1, keepdims=True)
    mu = init
    for _ in range(num_iter):
        dist = data @ mu.T
        r = jax.nn.softmax(cluster_temp * dist, axis=1)
        cluster_r = r.sum(axis=0)
        cluster_mean = r.T @ data
        mu = cluster_mean / cluster_r[:, None]
    dist = data @ mu.T
    r = jax.nn.softmax(cluster_temp * dist, axis=1)
    return mu, r, dist


def reference(seq1, seq2, adjs, sparse, msk, samp_bias1, samp_bias2, K, cluster_temp, W, Wsem, q):
    h_1 = _hgcn(seq1, adjs, W, Wsem, q)
    c = jax.nn.sigmoid(_avg_readout(h_1, msk))
    h_2 = _hgcn(seq2, adjs, W, Wsem, q)
    init0 = jax.random.uniform(jax.random.key(42), (K_CLUSTERS, h_1.shape[-1]), dtype=jnp.float32) + 0 * K
    mu_init, _, _ = _cluster_net(h_1, K, 1, 1, cluster_temp, init0)
    mu, r, dist = _cluster_net(h_1, K, 1, 1, cluster_temp, mu_init)
    return (h_1, h_2, c, mu, r, dist)

if __name__ == "__main__":
    import jax
    _d = setup_inputs()
    print(jax.jit(kernel)(*tuple(_d.values())))

</pallas_src>

<mosaic_0001>
#map = affine_map<(d0, d1) -> (0, 0)>
#map1 = affine_map<(d0, d1) -> (0, 0, 0, 0, 0)>
#map2 = affine_map<(d0, d1) -> (0, 0, 0, 0)>
#map3 = affine_map<(d0, d1) -> (0, 0, 0)>
module attributes {stable_mosaic.version = 14 : i64} {
  func.func @k(%arg0: i32, %arg1: i32, %arg2: memref<10000x128xf32, #tpu.memory_space<hbm>>, %arg3: memref<10000x128xf32, #tpu.memory_space<hbm>>, %arg4: memref<2x2x16x160x125xi32, #tpu.memory_space<hbm>>, %arg5: memref<10000x16xf32, #tpu.memory_space<hbm>>, %arg6: memref<2x2x10000x128xf32, #tpu.memory_space<hbm>>, %arg7: memref<2x10000x16xf32, #tpu.memory_space<hbm>>, %arg8: memref<10000x128xf32, #tpu.memory_space<vmem_shared>>, %arg9: memref<10000x16xf32, #tpu.memory_space<vmem_shared>>, %arg10: memref<10x125xi32, #tpu.memory_space<vmem>>, %arg11: memref<10x125xi32, #tpu.memory_space<vmem>>, %arg12: memref<10x125xi32, #tpu.memory_space<vmem>>, %arg13: memref<10x125xi32, #tpu.memory_space<vmem>>, %arg14: memref<125x128xf32, #tpu.memory_space<vmem>>, %arg15: memref<125x128xf32, #tpu.memory_space<vmem>>, %arg16: memref<125x16xf32, #tpu.memory_space<vmem>>, %arg17: memref<!tpu.dma_semaphore, #tpu.memory_space<semaphore_mem>>, %arg18: memref<!tpu.dma_semaphore, #tpu.memory_space<semaphore_mem>>, %arg19: memref<!tpu.dma_semaphore, #tpu.memory_space<semaphore_mem>>, %arg20: memref<!tpu.dma_semaphore, #tpu.memory_space<semaphore_mem>>, %arg21: memref<!tpu.dma_semaphore, #tpu.memory_space<semaphore_mem>>) attributes {dimension_semantics = [#tpu.dimension_semantics<core_parallel>, #tpu.dimension_semantics<subcore_parallel>], iteration_bounds = array<i64: 2, 16>, scalar_prefetch = 0 : i64, scratch_operands = 14 : i64, tpu.core_type = #tpu.core_type<sc_vector_subcore>, window_params = [{transform_indices = #map}, {transform_indices = #map}, {transform_indices = #map1}, {transform_indices = #map}, {transform_indices = #map2}, {transform_indices = #map3}]} {
    %mul3A = arith.constant 625 : i32
    %mul3A_0 = arith.muli %arg1, %mul3A : i32
    "tpu.region"() ({
      %run_scoped3A_54 = tpu.sem_alloc : memref<!tpu.dma_semaphore, #tpu.memory_space<semaphore_mem>>
      %dma_start3A_55 = arith.constant 0 : i32
      %dma_start3A_56 = arith.constant 0 : i32
      %dma_start3A_57 = tpu.memref_slice %arg5[%dma_start3A_55, %dma_start3A_56] : memref<10000x16xf32, #tpu.memory_space<hbm>> -> memref<125x16xf32, #tpu.memory_space<hbm>>
      %dma_start3A_58 = arith.constant 0 : i32
      %dma_start3A_59 = arith.constant 0 : i32
      %dma_start3A_60 = tpu.memref_slice %arg5[%dma_start3A_58, %dma_start3A_59] : memref<10000x16xf32, #tpu.memory_space<hbm>> -> memref<125x16xf32, #tpu.memory_space<hbm>>
      tpu.enqueue_dma source(%dma_start3A_60 : memref<125x16xf32, #tpu.memory_space<hbm>>) target(%arg16 : memref<125x16xf32, #tpu.memory_space<vmem>>) target_semaphore(%run_scoped3A_54 : memref<!tpu.dma_semaphore, #tpu.memory_space<semaphore_mem>>)
      %dma_wait3A = arith.constant 0 : i32
      %dma_wait3A_61 = arith.constant 0 : i32
      %dma_wait3A_62 = tpu.memref_slice %arg5[%dma_wait3A, %dma_wait3A_61] : memref<10000x16xf32, #tpu.memory_space<hbm>> -> memref<125x16xf32, #tpu.memory_space<hbm>>
      %dma_wait3A_63 = arith.constant 0 : i32
      %dma_wait3A_64 = arith.constant 0 : i32
      %dma_wait3A_65 = tpu.memref_slice %arg5[%dma_wait3A_63, %dma_wait3A_64] : memref<10000x16xf32, #tpu.memory_space<hbm>> -> memref<125x16xf32, #tpu.memory_space<hbm>>
      tpu.wait_dma2 semaphore(%run_scoped3A_54 : memref<!tpu.dma_semaphore, #tpu.memory_space<semaphore_mem>>) src(%dma_wait3A_65 : memref<125x16xf32, #tpu.memory_space<hbm>>) dst(%arg16 : memref<125x16xf32, #tpu.memory_space<vmem>>)
      tpu.yield
    }) : () -> ()
    "tpu.region"() ({
      %run_scoped3A_54 = tpu.sem_alloc : memref<!tpu.dma_semaphore, #tpu.memory_space<semaphore_mem>>
      %dma_start3A_55 = arith.constant 0 : i32
      %dma_start3A_56 = tpu.memref_slice %arg8[%mul3A_0, %dma_start3A_55] : memref<10000x128xf32, #tpu.memory_space<vmem_shared>> -> memref<625x128xf32, #tpu.memory_space<vmem_shared>>
      %dma_start3A_57 = arith.constant 0 : i32
      %dma_start3A_58 = tpu.memref_slice %arg2[%mul3A_0, %dma_start3A_57] : memref<10000x128xf32, #tpu.memory_space<hbm>> -> memref<625x128xf32, #tpu.memory_space<hbm>>
      tpu.enqueue_dma source(%dma_start3A_58 : memref<625x128xf32, #tpu.memory_space<hbm>>) target(%dma_start3A_56 : memref<625x128xf32, #tpu.memory_space<vmem_shared>>) target_semaphore(%run_scoped3A_54 : memref<!tpu.dma_semaphore, #tpu.memory_space<semaphore_mem>>)
      %dma_wait3A = arith.constant 0 : i32
      %dma_wait3A_59 = tpu.memref_slice %arg8[%mul3A_0, %dma_wait3A] : memref<10000x128xf32, #tpu.memory_space<vmem_shared>> -> memref<625x128xf32, #tpu.memory_space<vmem_shared>>
      %dma_wait3A_60 = arith.constant 0 : i32
      %dma_wait3A_61 = tpu.memref_slice %arg2[%mul3A_0, %dma_wait3A_60] : memref<10000x128xf32, #tpu.memory_space<hbm>> -> memref<625x128xf32, #tpu.memory_space<hbm>>
      tpu.wait_dma2 semaphore(%run_scoped3A_54 : memref<!tpu.dma_semaphore, #tpu.memory_space<semaphore_mem>>) src(%dma_wait3A_61 : memref<625x128xf32, #tpu.memory_space<hbm>>) dst(%dma_wait3A_59 : memref<625x128xf32, #tpu.memory_space<vmem_shared>>)
      tpu.yield
    }) : () -> ()
    "tpu.region"() ({
      %run_scoped3A_54 = tpu.sem_alloc : memref<!tpu.dma_semaphore, #tpu.memory_space<semaphore_mem>>
      %dma_start3A_55 = arith.constant 0 : i32
      %dma_start3A_56 = tpu.memref_slice %arg9[%mul3A_0, %dma_start3A_55] : memref<10000x16xf32, #tpu.memory_space<vmem_shared>> -> memref<625x16xf32, #tpu.memory_space<vmem_shared>>
      %dma_start3A_57 = arith.constant 0 : i32
      %dma_start3A_58 = tpu.memref_slice %arg5[%mul3A_0, %dma_start3A_57] : memref<10000x16xf32, #tpu.memory_space<hbm>> -> memref<625x16xf32, #tpu.memory_space<hbm>>
      tpu.enqueue_dma source(%dma_start3A_58 : memref<625x16xf32, #tpu.memory_space<hbm>>) target(%dma_start3A_56 : memref<625x16xf32, #tpu.memory_space<vmem_shared>>) target_semaphore(%run_scoped3A_54 : memref<!tpu.dma_semaphore, #tpu.memory_space<semaphore_mem>>)
      %dma_wait3A = arith.constant 0 : i32
      %dma_wait3A_59 = tpu.memref_slice %arg9[%mul3A_0, %dma_wait3A] : memref<10000x16xf32, #tpu.memory_space<vmem_shared>> -> memref<625x16xf32, #tpu.memory_space<vmem_shared>>
      %dma_wait3A_60 = arith.constant 0 : i32
      %dma_wait3A_61 = tpu.memref_slice %arg5[%mul3A_0, %dma_wait3A_60] : memref<10000x16xf32, #tpu.memory_space<hbm>> -> memref<625x16xf32, #tpu.memory_space<hbm>>
      tpu.wait_dma2 semaphore(%run_scoped3A_54 : memref<!tpu.dma_semaphore, #tpu.memory_space<semaphore_mem>>) src(%dma_wait3A_61 : memref<625x16xf32, #tpu.memory_space<hbm>>) dst(%dma_wait3A_59 : memref<625x16xf32, #tpu.memory_space<vmem_shared>>)
      tpu.yield
    }) : () -> ()
    %barrier3A = arith.constant 0 : index
    tpu.barrier barrier_id(%barrier3A)
    %dma_start3A = arith.constant 0 : i32
    %dma_start3A_1 = arith.constant 0 : i32
    %dma_start3A_2 = arith.constant 0 : i32
    %dma_start3A_3 = tpu.memref_slice %arg4[%arg0, %dma_start3A, %arg1, %dma_start3A_1, %dma_start3A_2] : memref<2x2x16x160x125xi32, #tpu.memory_space<hbm>> -> memref<1x1x1x10x125xi32, #tpu.memory_space<hbm>>
    %dma_start3A_4 = tpu.memref_squeeze %dma_start3A_3 : memref<1x1x1x10x125xi32, #tpu.memory_space<hbm>> -> memref<10x125xi32, #tpu.memory_space<hbm>>
    %dma_start3A_5 = arith.constant 0 : i32
    %dma_start3A_6 = arith.constant 0 : i32
    %dma_start3A_7 = tpu.memref_slice %arg4[%arg0, %dma_start3A, %arg1, %dma_start3A_5, %dma_start3A_6] : memref<2x2x16x160x125xi32, #tpu.memory_space<hbm>> -> memref<1x1x1x10x125xi32, #tpu.memory_space<hbm>>
    %dma_start3A_8 = tpu.memref_squeeze %dma_start3A_7 : memref<1x1x1x10x125xi32, #tpu.memory_space<hbm>> -> memref<10x125xi32, #tpu.memory_space<hbm>>
    tpu.enqueue_dma source(%dma_start3A_8 : memref<10x125xi32, #tpu.memory_space<hbm>>) target(%arg10 : memref<10x125xi32, #tpu.memory_space<vmem>>) target_semaphore(%arg19 : memref<!tpu.dma_semaphore, #tpu.memory_space<semaphore_mem>>)
    %dma_start3A_9 = arith.constant 1 : i32
    %dma_start3A_10 = arith.constant 0 : i32
    %dma_start3A_11 = arith.constant 0 : i32
    %dma_start3A_12 = tpu.memref_slice %arg4[%arg0, %dma_start3A_9, %arg1, %dma_start3A_10, %dma_start3A_11] : memref<2x2x16x160x125xi32, #tpu.memory_space<hbm>> -> memref<1x1x1x10x125xi32, #tpu.memory_space<hbm>>
    %dma_start3A_13 = tpu.memref_squeeze %dma_start3A_12 : memref<1x1x1x10x125xi32, #tpu.memory_space<hbm>> -> memref<10x125xi32, #tpu.memory_space<hbm>>
    %dma_start3A_14 = arith.constant 0 : i32
    %dma_start3A_15 = arith.constant 0 : i32
    %dma_start3A_16 = tpu.memref_slice %arg4[%arg0, %dma_start3A_9, %arg1, %dma_start3A_14, %dma_start3A_15] : memref<2x2x16x160x125xi32, #tpu.memory_space<hbm>> -> memref<1x1x1x10x125xi32, #tpu.memory_space<hbm>>
    %dma_start3A_17 = tpu.memref_squeeze %dma_start3A_16 : memref<1x1x1x10x125xi32, #tpu.memory_space<hbm>> -> memref<10x125xi32, #tpu.memory_space<hbm>>
    tpu.enqueue_dma source(%dma_start3A_17 : memref<10x125xi32, #tpu.memory_space<hbm>>) target(%arg11 : memref<10x125xi32, #tpu.memory_space<vmem>>) target_semaphore(%arg19 : memref<!tpu.dma_semaphore, #tpu.memory_space<semaphore_mem>>)
    %scan3A = arith.constant 0 : i32
    %scan3A_18 = arith.constant 8 : i32
    %scan3A_19 = arith.addi %scan3A, %scan3A_18 : i32
    %scan3A_20 = arith.constant 1 : i32
    scf.for %scan3A_54 = %scan3A to %scan3A_19 step %scan3A_20  : i32 {
      %mul3A_55 = arith.constant 2 : i32
      %mul3A_56 = arith.muli %scan3A_54, %mul3A_55 : i32
      %add3A = arith.constant 0 : i32
      %add3A_57 = arith.addi %add3A, %mul3A_56 : i32
      %add3A_58 = arith.constant 1 : i32
      %add3A_59 = arith.addi %add3A_57, %add3A_58 : i32
      %mul3A_60 = arith.constant 10 : i32
      %mul3A_61 = arith.muli %add3A_59, %mul3A_60 : i32
      %dma_start3A_62 = arith.constant 0 : i32
      %dma_start3A_63 = arith.constant 0 : i32
      %dma_start3A_64 = tpu.memref_slice %arg4[%arg0, %dma_start3A_62, %arg1, %mul3A_61, %dma_start3A_63] : memref<2x2x16x160x125xi32, #tpu.memory_space<hbm>> -> memref<1x1x1x10x125xi32, #tpu.memory_space<hbm>>
      %dma_start3A_65 = tpu.memref_squeeze %dma_start3A_64 : memref<1x1x1x10x125xi32, #tpu.memory_space<hbm>> -> memref<10x125xi32, #tpu.memory_space<hbm>>
      %dma_start3A_66 = arith.constant 0 : i32
      %dma_start3A_67 = tpu.memref_slice %arg4[%arg0, %dma_start3A_62, %arg1, %mul3A_61, %dma_start3A_66] : memref<2x2x16x160x125xi32, #tpu.memory_space<hbm>> -> memref<1x1x1x10x125xi32, #tpu.memory_space<hbm>>
      %dma_start3A_68 = tpu.memref_squeeze %dma_start3A_67 : memref<1x1x1x10x125xi32, #tpu.memory_space<hbm>> -> memref<10x125xi32, #tpu.memory_space<hbm>>
      tpu.enqueue_dma source(%dma_start3A_68 : memref<10x125xi32, #tpu.memory_space<hbm>>) target(%arg12 : memref<10x125xi32, #tpu.memory_space<vmem>>) target_semaphore(%arg20 : memref<!tpu.dma_semaphore, #tpu.memory_space<semaphore_mem>>)
      %mul3A_69 = arith.constant 10 : i32
      %mul3A_70 = arith.muli %add3A_59, %mul3A_69 : i32
      %dma_start3A_71 = arith.constant 1 : i32
      %dma_start3A_72 = arith.constant 0 : i32
      %dma_start3A_73 = tpu.memref_slice %arg4[%arg0, %dma_start3A_71, %arg1, %mul3A_70, %dma_start3A_72] : memref<2x2x16x160x125xi32, #tpu.memory_space<hbm>> -> memref<1x1x1x10x125xi32, #tpu.memory_space<hbm>>
      %dma_start3A_74 = tpu.memref_squeeze %dma_start3A_73 : memref<1x1x1x10x125xi32, #tpu.memory_space<hbm>> -> memref<10x125xi32, #tpu.memory_space<hbm>>
      %dma_start3A_75 = arith.constant 0 : i32
      %dma_start3A_76 = tpu.memref_slice %arg4[%arg0, %dma_start3A_71, %arg1, %mul3A_70, %dma_start3A_75] : memref<2x2x16x160x125xi32, #tpu.memory_space<hbm>> -> memref<1x1x1x10x125xi32, #tpu.memory_space<hbm>>
      %dma_start3A_77 = tpu.memref_squeeze %dma_start3A_76 : memref<1x1x1x10x125xi32, #tpu.memory_space<hbm>> -> memref<10x125xi32, #tpu.memory_space<hbm>>
      tpu.enqueue_dma source(%dma_start3A_77 : memref<10x125xi32, #tpu.memory_space<hbm>>) target(%arg13 : memref<10x125xi32, #tpu.memory_space<vmem>>) target_semaphore(%arg20 : memref<!tpu.dma_semaphore, #tpu.memory_space<semaphore_mem>>)
      %mul3A_78 = arith.constant 10 : i32
      %mul3A_79 = arith.muli %add3A_57, %mul3A_78 : i32
      %dma_wait3A = arith.constant 0 : i32
      %dma_wait3A_80 = arith.constant 0 : i32
      %dma_wait3A_81 = tpu.memref_slice %arg4[%arg0, %dma_wait3A, %arg1, %mul3A_79, %dma_wait3A_80] : memref<2x2x16x160x125xi32, #tpu.memory_space<hbm>> -> memref<1x1x1x10x125xi32, #tpu.memory_space<hbm>>
      %dma_wait3A_82 = tpu.memref_squeeze %dma_wait3A_81 : memref<1x1x1x10x125xi32, #tpu.memory_space<hbm>> -> memref<10x125xi32, #tpu.memory_space<hbm>>
      %dma_wait3A_83 = arith.constant 0 : i32
      %dma_wait3A_84 = tpu.memref_slice %arg4[%arg0, %dma_wait3A, %arg1, %mul3A_79, %dma_wait3A_83] : memref<2x2x16x160x125xi32, #tpu.memory_space<hbm>> -> memref<1x1x1x10x125xi32, #tpu.memory_space<hbm>>
      %dma_wait3A_85 = tpu.memref_squeeze %dma_wait3A_84 : memref<1x1x1x10x125xi32, #tpu.memory_space<hbm>> -> memref<10x125xi32, #tpu.memory_space<hbm>>
      tpu.wait_dma2 semaphore(%arg19 : memref<!tpu.dma_semaphore, #tpu.memory_space<semaphore_mem>>) src(%dma_wait3A_85 : memref<10x125xi32, #tpu.memory_space<hbm>>) dst(%arg10 : memref<10x125xi32, #tpu.memory_space<vmem>>)
      %mul3A_86 = arith.constant 10 : i32
      %mul3A_87 = arith.muli %add3A_57, %mul3A_86 : i32
      %dma_wait3A_88 = arith.constant 1 : i32
      %dma_wait3A_89 = arith.constant 0 : i32
      %dma_wait3A_90 = tpu.memref_slice %arg4[%arg0, %dma_wait3A_88, %arg1, %mul3A_87, %dma_wait3A_89] : memref<2x2x16x160x125xi32, #tpu.memory_space<hbm>> -> memref<1x1x1x10x125xi32, #tpu.memory_space<hbm>>
      %dma_wait3A_91 = tpu.memref_squeeze %dma_wait3A_90 : memref<1x1x1x10x125xi32, #tpu.memory_space<hbm>> -> memref<10x125xi32, #tpu.memory_space<hbm>>
      %dma_wait3A_92 = arith.constant 0 : i32
      %dma_wait3A_93 = tpu.memref_slice %arg4[%arg0, %dma_wait3A_88, %arg1, %mul3A_87, %dma_wait3A_92] : memref<2x2x16x160x125xi32, #tpu.memory_space<hbm>> -> memref<1x1x1x10x125xi32, #tpu.memory_space<hbm>>
      %dma_wait3A_94 = tpu.memref_squeeze %dma_wait3A_93 : memref<1x1x1x10x125xi32, #tpu.memory_space<hbm>> -> memref<10x125xi32, #tpu.memory_space<hbm>>
      tpu.wait_dma2 semaphore(%arg19 : memref<!tpu.dma_semaphore, #tpu.memory_space<semaphore_mem>>) src(%dma_wait3A_94 : memref<10x125xi32, #tpu.memory_space<hbm>>) dst(%arg11 : memref<10x125xi32, #tpu.memory_space<vmem>>)
      %dma_start3A_95 = arith.constant 0 : i32
      %dma_start3A_96 = arith.constant 0 : i32
      %dma_start3A_97 = tpu.memref_slice %arg10[%dma_start3A_95, %dma_start3A_96] : memref<10x125xi32, #tpu.memory_space<vmem>> -> memref<1x125xi32, #tpu.memory_space<vmem>>
      %dma_start3A_98 = tpu.memref_squeeze %dma_start3A_97 : memref<1x125xi32, #tpu.memory_space<vmem>> -> memref<125xi32, #tpu.memory_space<vmem>>
      %dma_start3A_99 = arith.constant 0 : i32
      %dma_start3A_100 = arith.constant 0 : i32
      %dma_start3A_101 = tpu.memref_slice %arg2[%dma_start3A_99, %dma_start3A_100] : memref<10000x128xf32, #tpu.memory_space<hbm>> -> memref<10000x128xf32, #tpu.memory_space<hbm>>
      tpu.enqueue_indirect_dma source(%dma_start3A_101 : memref<10000x128xf32, #tpu.memory_space<hbm>>) target(%arg14 : memref<125x128xf32, #tpu.memory_space<vmem>>) offsets(%dma_start3A_98 : memref<125xi32, #tpu.memory_space<vmem>>) semaphore(%arg17 : memref<!tpu.dma_semaphore, #tpu.memory_space<semaphore_mem>>)
      %scan3A_102 = arith.constant 0 : i32
      %scan3A_103 = arith.constant 5 : i32
      %scan3A_104 = arith.addi %scan3A_102, %scan3A_103 : i32
      %scan3A_105 = arith.constant 1 : i32
      scf.for %scan3A_143 = %scan3A_102 to %scan3A_104 step %scan3A_105  : i32 {
        %mul3A_144 = arith.constant 2 : i32
        %mul3A_145 = arith.muli %scan3A_143, %mul3A_144 : i32
        %add3A_146 = arith.constant 0 : i32
        %add3A_147 = arith.addi %add3A_146, %mul3A_145 : i32
        %add3A_148 = arith.constant 1 : i32
        %add3A_149 = arith.addi %add3A_147, %add3A_148 : i32
        %dma_start3A_150 = arith.constant 0 : i32
        %dma_start3A_151 = tpu.memref_slice %arg10[%add3A_149, %dma_start3A_150] : memref<10x125xi32, #tpu.memory_space<vmem>> -> memref<1x125xi32, #tpu.memory_space<vmem>>
        %dma_start3A_152 = tpu.memref_squeeze %dma_start3A_151 : memref<1x125xi32, #tpu.memory_space<vmem>> -> memref<125xi32, #tpu.memory_space<vmem>>
        %dma_start3A_153 = arith.constant 0 : i32
        %dma_start3A_154 = arith.constant 0 : i32
        %dma_start3A_155 = tpu.memref_slice %arg2[%dma_start3A_153, %dma_start3A_154] : memref<10000x128xf32, #tpu.memory_space<hbm>> -> memref<10000x128xf32, #tpu.memory_space<hbm>>
        tpu.enqueue_indirect_dma source(%dma_start3A_155 : memref<10000x128xf32, #tpu.memory_space<hbm>>) target(%arg15 : memref<125x128xf32, #tpu.memory_space<vmem>>) offsets(%dma_start3A_152 : memref<125xi32, #tpu.memory_space<vmem>>) semaphore(%arg18 : memref<!tpu.dma_semaphore, #tpu.memory_space<semaphore_mem>>)
        %dma_wait3A_156 = arith.constant 0 : i32
        %dma_wait3A_157 = tpu.memref_slice %arg10[%add3A_147, %dma_wait3A_156] : memref<10x125xi32, #tpu.memory_space<vmem>> -> memref<1x125xi32, #tpu.memory_space<vmem>>
        %dma_wait3A_158 = tpu.memref_squeeze %dma_wait3A_157 : memref<1x125xi32, #tpu.memory_space<vmem>> -> memref<125xi32, #tpu.memory_space<vmem>>
        %dma_wait3A_159 = arith.constant 0 : i32
        %dma_wait3A_160 = arith.constant 0 : i32
        %dma_wait3A_161 = tpu.memref_slice %arg2[%dma_wait3A_159, %dma_wait3A_160] : memref<10000x128xf32, #tpu.memory_space<hbm>> -> memref<10000x128xf32, #tpu.memory_space<hbm>>
        tpu.wait_indirect_dma semaphore(%arg17 : memref<!tpu.dma_semaphore, #tpu.memory_space<semaphore_mem>>) src(%dma_wait3A_161 : memref<10000x128xf32, #tpu.memory_space<hbm>>) dst(%arg14 : memref<125x128xf32, #tpu.memory_space<vmem>>)
        "tpu.region"() ({
          %run_scoped3A_193 = tpu.sem_alloc : memref<!tpu.dma_semaphore, #tpu.memory_space<semaphore_mem>>
          %dma_start3A_194 = arith.constant 0 : i32
          %dma_start3A_195 = tpu.memref_slice %arg11[%add3A_147, %dma_start3A_194] : memref<10x125xi32, #tpu.memory_space<vmem>> -> memref<1x125xi32, #tpu.memory_space<vmem>>
          %dma_start3A_196 = tpu.memref_squeeze %dma_start3A_195 : memref<1x125xi32, #tpu.memory_space<vmem>> -> memref<125xi32, #tpu.memory_space<vmem>>
          %dma_start3A_197 = arith.constant 0 : i32
          %dma_start3A_198 = arith.constant 0 : i32
          %dma_start3A_199 = tpu.memref_slice %arg8[%dma_start3A_197, %dma_start3A_198] : memref<10000x128xf32, #tpu.memory_space<vmem_shared>> -> memref<10000x128xf32, #tpu.memory_space<vmem_shared>>
          tpu.enqueue_indirect_dma source(%arg14 : memref<125x128xf32, #tpu.memory_space<vmem>>) target(%dma_start3A_199 : memref<10000x128xf32, #tpu.memory_space<vmem_shared>>) offsets(%dma_start3A_196 : memref<125xi32, #tpu.memory_space<vmem>>) semaphore(%run_scoped3A_193 : memref<!tpu.dma_semaphore, #tpu.memory_space<semaphore_mem>>) {add = true}
          %dma_wait3A_200 = arith.constant 0 : i32
          %dma_wait3A_201 = tpu.memref_slice %arg11[%add3A_147, %dma_wait3A_200] : memref<10x125xi32, #tpu.memory_space<vmem>> -> memref<1x125xi32, #tpu.memory_space<vmem>>
          %dma_wait3A_202 = tpu.memref_squeeze %dma_wait3A_201 : memref<1x125xi32, #tpu.memory_space<vmem>> -> memref<125xi32, #tpu.memory_space<vmem>>
          %dma_wait3A_203 = arith.constant 0 : i32
          %dma_wait3A_204 = arith.constant 0 : i32
          %dma_wait3A_205 = tpu.memref_slice %arg8[%dma_wait3A_203, %dma_wait3A_204] : memref<10000x128xf32, #tpu.memory_space<vmem_shared>> -> memref<10000x128xf32, #tpu.memory_space<vmem_shared>>
          tpu.wait_indirect_dma semaphore(%run_scoped3A_193 : memref<!tpu.dma_semaphore, #tpu.memory_space<semaphore_mem>>) src(%arg14 : memref<125x128xf32, #tpu.memory_space<vmem>>) dst(%dma_wait3A_205 : memref<10000x128xf32, #tpu.memory_space<vmem_shared>>)
          tpu.yield
        }) : () -> ()
        %dma_start3A_162 = arith.constant 0 : i32
        %dma_start3A_163 = tpu.memref_slice %arg11[%add3A_147, %dma_start3A_162] : memref<10x125xi32, #tpu.memory_space<vmem>> -> memref<1x125xi32, #tpu.memory_space<vmem>>
        %dma_start3A_164 = tpu.memref_squeeze %dma_start3A_163 : memref<1x125xi32, #tpu.memory_space<vmem>> -> memref<125xi32, #tpu.memory_space<vmem>>
        %dma_start3A_165 = arith.constant 0 : i32
        %dma_start3A_166 = arith.constant 0 : i32
        %dma_start3A_167 = tpu.memref_slice %arg9[%dma_start3A_165, %dma_start3A_166] : memref<10000x16xf32, #tpu.memory_space<vmem_shared>> -> memref<10000x16xf32, #tpu.memory_space<vmem_shared>>
        tpu.enqueue_indirect_dma source(%arg16 : memref<125x16xf32, #tpu.memory_space<vmem>>) target(%dma_start3A_167 : memref<10000x16xf32, #tpu.memory_space<vmem_shared>>) offsets(%dma_start3A_164 : memref<125xi32, #tpu.memory_space<vmem>>) semaphore(%arg21 : memref<!tpu.dma_semaphore, #tpu.memory_space<semaphore_mem>>) {add = true}
        %add3A_168 = arith.constant 2 : i32
        %add3A_169 = arith.addi %add3A_147, %add3A_168 : i32
        %lt3A_170 = arith.constant 10 : i32
        %lt3A_171 = arith.cmpi slt, %add3A_169, %lt3A_170 : i32
        %convert_element_type3A_172 = arith.extui %lt3A_171 : i1 to i32
        %cond3A_173 = arith.constant 0 : i32
        %cond3A_174 = arith.cmpi ne, %convert_element_type3A_172, %cond3A_173 : i32
        scf.if %cond3A_174 {
          %add3A_193 = arith.constant 2 : i32
          %add3A_194 = arith.addi %add3A_147, %add3A_193 : i32
          %dma_start3A_195 = arith.constant 0 : i32
          %dma_start3A_196 = tpu.memref_slice %arg10[%add3A_194, %dma_start3A_195] : memref<10x125xi32, #tpu.memory_space<vmem>> -> memref<1x125xi32, #tpu.memory_space<vmem>>
          %dma_start3A_197 = tpu.memref_squeeze %dma_start3A_196 : memref<1x125xi32, #tpu.memory_space<vmem>> -> memref<125xi32, #tpu.memory_space<vmem>>
          %dma_start3A_198 = arith.constant 0 : i32
          %dma_start3A_199 = arith.constant 0 : i32
          %dma_start3A_200 = tpu.memref_slice %arg2[%dma_start3A_198, %dma_start3A_199] : memref<10000x128xf32, #tpu.memory_space<hbm>> -> memref<10000x128xf32, #tpu.memory_space<hbm>>
          tpu.enqueue_indirect_dma source(%dma_start3A_200 : memref<10000x128xf32, #tpu.memory_space<hbm>>) target(%arg14 : memref<125x128xf32, #tpu.memory_space<vmem>>) offsets(%dma_start3A_197 : memref<125xi32, #tpu.memory_space<vmem>>) semaphore(%arg17 : memref<!tpu.dma_semaphore, #tpu.memory_space<semaphore_mem>>)
        } else {
        }
        %add3A_175 = arith.constant 1 : i32
        %add3A_176 = arith.addi %add3A_147, %add3A_175 : i32
        %dma_wait3A_177 = arith.constant 0 : i32
        %dma_wait3A_178 = tpu.memref_slice %arg10[%add3A_176, %dma_wait3A_177] : memref<10x125xi32, #tpu.memory_space<vmem>> -> memref<1x125xi32, #tpu.memory_space<vmem>>
        %dma_wait3A_179 = tpu.memref_squeeze %dma_wait3A_178 : memref<1x125xi32, #tpu.memory_space<vmem>> -> memref<125xi32, #tpu.memory_space<vmem>>
        %dma_wait3A_180 = arith.constant 0 : i32
        %dma_wait3A_181 = arith.constant 0 : i32
        %dma_wait3A_182 = tpu.memref_slice %arg2[%dma_wait3A_180, %dma_wait3A_181] : memref<10000x128xf32, #tpu.memory_space<hbm>> -> memref<10000x128xf32, #tpu.memory_space<hbm>>
        tpu.wait_indirect_dma semaphore(%arg18 : memref<!tpu.dma_semaphore, #tpu.memory_space<semaphore_mem>>) src(%dma_wait3A_182 : memref<10000x128xf32, #tpu.memory_space<hbm>>) dst(%arg15 : memref<125x128xf32, #tpu.memory_space<vmem>>)
        %add3A_183 = arith.constant 1 : i32
        %add3A_184 = arith.addi %add3A_147, %add3A_183 : i32
        "tpu.region"() ({
          %run_scoped3A_193 = tpu.sem_alloc : memref<!tpu.dma_semaphore, #tpu.memory_space<semaphore_mem>>
          %dma_start3A_194 = arith.constant 0 : i32
          %dma_start3A_195 = tpu.memref_slice %arg11[%add3A_184, %dma_start3A_194] : memref<10x125xi32, #tpu.memory_space<vmem>> -> memref<1x125xi32, #tpu.memory_space<vmem>>
          %dma_start3A_196 = tpu.memref_squeeze %dma_start3A_195 : memref<1x125xi32, #tpu.memory_space<vmem>> -> memref<125xi32, #tpu.memory_space<vmem>>
          %dma_start3A_197 = arith.constant 0 : i32
          %dma_start3A_198 = arith.constant 0 : i32
          %dma_start3A_199 = tpu.memref_slice %arg8[%dma_start3A_197, %dma_start3A_198] : memref<10000x128xf32, #tpu.memory_space<vmem_shared>> -> memref<10000x128xf32, #tpu.memory_space<vmem_shared>>
          tpu.enqueue_indirect_dma source(%arg15 : memref<125x128xf32, #tpu.memory_space<vmem>>) target(%dma_start3A_199 : memref<10000x128xf32, #tpu.memory_space<vmem_shared>>) offsets(%dma_start3A_196 : memref<125xi32, #tpu.memory_space<vmem>>) semaphore(%run_scoped3A_193 : memref<!tpu.dma_semaphore, #tpu.memory_space<semaphore_mem>>) {add = true}
          %dma_wait3A_200 = arith.constant 0 : i32
          %dma_wait3A_201 = tpu.memref_slice %arg11[%add3A_184, %dma_wait3A_200] : memref<10x125xi32, #tpu.memory_space<vmem>> -> memref<1x125xi32, #tpu.memory_space<vmem>>
          %dma_wait3A_202 = tpu.memref_squeeze %dma_wait3A_201 : memref<1x125xi32, #tpu.memory_space<vmem>> -> memref<125xi32, #tpu.memory_space<vmem>>
          %dma_wait3A_203 = arith.constant 0 : i32
          %dma_wait3A_204 = arith.constant 0 : i32
          %dma_wait3A_205 = tpu.memref_slice %arg8[%dma_wait3A_203, %dma_wait3A_204] : memref<10000x128xf32, #tpu.memory_space<vmem_shared>> -> memref<10000x128xf32, #tpu.memory_space<vmem_shared>>
          tpu.wait_indirect_dma semaphore(%run_scoped3A_193 : memref<!tpu.dma_semaphore, #tpu.memory_space<semaphore_mem>>) src(%arg15 : memref<125x128xf32, #tpu.memory_space<vmem>>) dst(%dma_wait3A_205 : memref<10000x128xf32, #tpu.memory_space<vmem_shared>>)
          tpu.yield
        }) : () -> ()
        %add3A_185 = arith.constant 1 : i32
        %add3A_186 = arith.addi %add3A_147, %add3A_185 : i32
        %dma_start3A_187 = arith.constant 0 : i32
        %dma_start3A_188 = tpu.memref_slice %arg11[%add3A_186, %dma_start3A_187] : memref<10x125xi32, #tpu.memory_space<vmem>> -> memref<1x125xi32, #tpu.memory_space<vmem>>
        %dma_start3A_189 = tpu.memref_squeeze %dma_start3A_188 : memref<1x125xi32, #tpu.memory_space<vmem>> -> memref<125xi32, #tpu.memory_space<vmem>>
        %dma_start3A_190 = arith.constant 0 : i32
        %dma_start3A_191 = arith.constant 0 : i32
        %dma_start3A_192 = tpu.memref_slice %arg9[%dma_start3A_190, %dma_start3A_191] : memref<10000x16xf32, #tpu.memory_space<vmem_shared>> -> memref<10000x16xf32, #tpu.memory_space<vmem_shared>>
        tpu.enqueue_indirect_dma source(%arg16 : memref<125x16xf32, #tpu.memory_space<vmem>>) target(%dma_start3A_192 : memref<10000x16xf32, #tpu.memory_space<vmem_shared>>) offsets(%dma_start3A_189 : memref<125xi32, #tpu.memory_space<vmem>>) semaphore(%arg21 : memref<!tpu.dma_semaphore, #tpu.memory_space<semaphore_mem>>) {add = true}
      }
      %scan3A_106 = arith.constant 5 : i32
      %add3A_107 = arith.constant 2 : i32
      %add3A_108 = arith.addi %add3A_57, %add3A_107 : i32
      %lt3A = arith.constant 16 : i32
      %lt3A_109 = arith.cmpi slt, %add3A_108, %lt3A : i32
      %convert_element_type3A = arith.extui %lt3A_109 : i1 to i32
      %cond3A = arith.constant 0 : i32
      %cond3A_110 = arith.cmpi ne, %convert_element_type3A, %cond3A : i32
      scf.if %cond3A_110 {
        %add3A_143 = arith.constant 2 : i32
        %add3A_144 = arith.addi %add3A_57, %add3A_143 : i32
        %mul3A_145 = arith.constant 10 : i32
        %mul3A_146 = arith.muli %add3A_144, %mul3A_145 : i32
        %dma_start3A_147 = arith.constant 0 : i32
        %dma_start3A_148 = arith.constant 0 : i32
        %dma_start3A_149 = tpu.memref_slice %arg4[%arg0, %dma_start3A_147, %arg1, %mul3A_146, %dma_start3A_148] : memref<2x2x16x160x125xi32, #tpu.memory_space<hbm>> -> memref<1x1x1x10x125xi32, #tpu.memory_space<hbm>>
        %dma_start3A_150 = tpu.memref_squeeze %dma_start3A_149 : memref<1x1x1x10x125xi32, #tpu.memory_space<hbm>> -> memref<10x125xi32, #tpu.memory_space<hbm>>
        %dma_start3A_151 = arith.constant 0 : i32
        %dma_start3A_152 = tpu.memref_slice %arg4[%arg0, %dma_start3A_147, %arg1, %mul3A_146, %dma_start3A_151] : memref<2x2x16x160x125xi32, #tpu.memory_space<hbm>> -> memref<1x1x1x10x125xi32, #tpu.memory_space<hbm>>
        %dma_start3A_153 = tpu.memref_squeeze %dma_start3A_152 : memref<1x1x1x10x125xi32, #tpu.memory_space<hbm>> -> memref<10x125xi32, #tpu.memory_space<hbm>>
        tpu.enqueue_dma source(%dma_start3A_153 : memref<10x125xi32, #tpu.memory_space<hbm>>) target(%arg10 : memref<10x125xi32, #tpu.memory_space<vmem>>) target_semaphore(%arg19 : memref<!tpu.dma_semaphore, #tpu.memory_space<semaphore_mem>>)
        %mul3A_154 = arith.constant 10 : i32
        %mul3A_155 = arith.muli %add3A_144, %mul3A_154 : i32
        %dma_start3A_156 = arith.constant 1 : i32
        %dma_start3A_157 = arith.constant 0 : i32
        %dma_start3A_158 = tpu.memref_slice %arg4[%arg0, %dma_start3A_156, %arg1, %mul3A_155, %dma_start3A_157] : memref<2x2x16x160x125xi32, #tpu.memory_space<hbm>> -> memref<1x1x1x10x125xi32, #tpu.memory_space<hbm>>
        %dma_start3A_159 = tpu.memref_squeeze %dma_start3A_158 : memref<1x1x1x10x125xi32, #tpu.memory_space<hbm>> -> memref<10x125xi32, #tpu.memory_space<hbm>>
        %dma_start3A_160 = arith.constant 0 : i32
        %dma_start3A_161 = tpu.memref_slice %arg4[%arg0, %dma_start3A_156, %arg1, %mul3A_155, %dma_start3A_160] : memref<2x2x16x160x125xi32, #tpu.memory_space<hbm>> -> memref<1x1x1x10x125xi32, #tpu.memory_space<hbm>>
        %dma_start3A_162 = tpu.memref_squeeze %dma_start3A_161 : memref<1x1x1x10x125xi32, #tpu.memory_space<hbm>> -> memref<10x125xi32, #tpu.memory_space<hbm>>
        tpu.enqueue_dma source(%dma_start3A_162 : memref<10x125xi32, #tpu.memory_space<hbm>>) target(%arg11 : memref<10x125xi32, #tpu.memory_space<vmem>>) target_semaphore(%arg19 : memref<!tpu.dma_semaphore, #tpu.memory_space<semaphore_mem>>)
      } else {
      }
      %add3A_111 = arith.constant 1 : i32
      %add3A_112 = arith.addi %add3A_57, %add3A_111 : i32
      %mul3A_113 = arith.constant 10 : i32
      %mul3A_114 = arith.muli %add3A_112, %mul3A_113 : i32
      %dma_wait3A_115 = arith.constant 0 : i32
      %dma_wait3A_116 = arith.constant 0 : i32
      %dma_wait3A_117 = tpu.memref_slice %arg4[%arg0, %dma_wait3A_115, %arg1, %mul3A_114, %dma_wait3A_116] : memref<2x2x16x160x125xi32, #tpu.memory_space<hbm>> -> memref<1x1x1x10x125xi32, #tpu.memory_space<hbm>>
      %dma_wait3A_118 = tpu.memref_squeeze %dma_wait3A_117 : memref<1x1x1x10x125xi32, #tpu.memory_space<hbm>> -> memref<10x125xi32, #tpu.memory_space<hbm>>
      %dma_wait3A_119 = arith.constant 0 : i32
      %dma_wait3A_120 = tpu.memref_slice %arg4[%arg0, %dma_wait3A_115, %arg1, %mul3A_114, %dma_wait3A_119] : memref<2x2x16x160x125xi32, #tpu.memory_space<hbm>> -> memref<1x1x1x10x125xi32, #tpu.memory_space<hbm>>
      %dma_wait3A_121 = tpu.memref_squeeze %dma_wait3A_120 : memref<1x1x1x10x125xi32, #tpu.memory_space<hbm>> -> memref<10x125xi32, #tpu.memory_space<hbm>>
      tpu.wait_dma2 semaphore(%arg20 : memref<!tpu.dma_semaphore, #tpu.memory_space<semaphore_mem>>) src(%dma_wait3A_121 : memref<10x125xi32, #tpu.memory_space<hbm>>) dst(%arg12 : memref<10x125xi32, #tpu.memory_space<vmem>>)
      %mul3A_122 = arith.constant 10 : i32
      %mul3A_123 = arith.muli %add3A_112, %mul3A_122 : i32
      %dma_wait3A_124 = arith.constant 1 : i32
      %dma_wait3A_125 = arith.constant 0 : i32
      %dma_wait3A_126 = tpu.memref_slice %arg4[%arg0, %dma_wait3A_124, %arg1, %mul3A_123, %dma_wait3A_125] : memref<2x2x16x160x125xi32, #tpu.memory_space<hbm>> -> memref<1x1x1x10x125xi32, #tpu.memory_space<hbm>>
      %dma_wait3A_127 = tpu.memref_squeeze %dma_wait3A_126 : memref<1x1x1x10x125xi32, #tpu.memory_space<hbm>> -> memref<10x125xi32, #tpu.memory_space<hbm>>
      %dma_wait3A_128 = arith.constant 0 : i32
      %dma_wait3A_129 = tpu.memref_slice %arg4[%arg0, %dma_wait3A_124, %arg1, %mul3A_123, %dma_wait3A_128] : memref<2x2x16x160x125xi32, #tpu.memory_space<hbm>> -> memref<1x1x1x10x125xi32, #tpu.memory_space<hbm>>
      %dma_wait3A_130 = tpu.memref_squeeze %dma_wait3A_129 : memref<1x1x1x10x125xi32, #tpu.memory_space<hbm>> -> memref<10x125xi32, #tpu.memory_space<hbm>>
      tpu.wait_dma2 semaphore(%arg20 : memref<!tpu.dma_semaphore, #tpu.memory_space<semaphore_mem>>) src(%dma_wait3A_130 : memref<10x125xi32, #tpu.memory_space<hbm>>) dst(%arg13 : memref<10x125xi32, #tpu.memory_space<vmem>>)
      %dma_start3A_131 = arith.constant 0 : i32
      %dma_start3A_132 = arith.constant 0 : i32
      %dma_start3A_133 = tpu.memref_slice %arg12[%dma_start3A_131, %dma_start3A_132] : memref<10x125xi32, #tpu.memory_space<vmem>> -> memref<1x125xi32, #tpu.memory_space<vmem>>
      %dma_start3A_134 = tpu.memref_squeeze %dma_start3A_133 : memref<1x125xi32, #tpu.memory_space<vmem>> -> memref<125xi32, #tpu.memory_space<vmem>>
      %dma_start3A_135 = arith.constant 0 : i32
      %dma_start3A_136 = arith.constant 0 : i32
      %dma_start3A_137 = tpu.memref_slice %arg2[%dma_start3A_135, %dma_start3A_136] : memref<10000x128xf32, #tpu.memory_space<hbm>> -> memref<10000x128xf32, #tpu.memory_space<hbm>>
      tpu.enqueue_indirect_dma source(%dma_start3A_137 : memref<10000x128xf32, #tpu.memory_space<hbm>>) target(%arg14 : memref<125x128xf32, #tpu.memory_space<vmem>>) offsets(%dma_start3A_134 : memref<125xi32, #tpu.memory_space<vmem>>) semaphore(%arg17 : memref<!tpu.dma_semaphore, #tpu.memory_space<semaphore_mem>>)
      %scan3A_138 = arith.constant 0 : i32
      %scan3A_139 = arith.constant 5 : i32
      %scan3A_140 = arith.addi %scan3A_138, %scan3A_139 : i32
      %scan3A_141 = arith.constant 1 : i32
      scf.for %scan3A_143 = %scan3A_138 to %scan3A_140 step %scan3A_141  : i32 {
        %mul3A_144 = arith.constant 2 : i32
        %mul3A_145 = arith.muli %scan3A_143, %mul3A_144 : i32
        %add3A_146 = arith.constant 0 : i32
        %add3A_147 = arith.addi %add3A_146, %mul3A_145 : i32
        %add3A_148 = arith.constant 1 : i32
        %add3A_149 = arith.addi %add3A_147, %add3A_148 : i32
        %dma_start3A_150 = arith.constant 0 : i32
        %dma_start3A_151 = tpu.memref_slice %arg12[%add3A_149, %dma_start3A_150] : memref<10x125xi32, #tpu.memory_space<vmem>> -> memref<1x125xi32, #tpu.memory_space<vmem>>
        %dma_start3A_152 = tpu.memref_squeeze %dma_start3A_151 : memref<1x125xi32, #tpu.memory_space<vmem>> -> memref<125xi32, #tpu.memory_space<vmem>>
        %dma_start3A_153 = arith.constant 0 : i32
        %dma_start3A_154 = arith.constant 0 : i32
        %dma_start3A_155 = tpu.memref_slice %arg2[%dma_start3A_153, %dma_start3A_154] : memref<10000x128xf32, #tpu.memory_space<hbm>> -> memref<10000x128xf32, #tpu.memory_space<hbm>>
        tpu.enqueue_indirect_dma source(%dma_start3A_155 : memref<10000x128xf32, #tpu.memory_space<hbm>>) target(%arg15 : memref<125x128xf32, #tpu.memory_space<vmem>>) offsets(%dma_start3A_152 : memref<125xi32, #tpu.memory_space<vmem>>) semaphore(%arg18 : memref<!tpu.dma_semaphore, #tpu.memory_space<semaphore_mem>>)
        %dma_wait3A_156 = arith.constant 0 : i32
        %dma_wait3A_157 = tpu.memref_slice %arg12[%add3A_147, %dma_wait3A_156] : memref<10x125xi32, #tpu.memory_space<vmem>> -> memref<1x125xi32, #tpu.memory_space<vmem>>
        %dma_wait3A_158 = tpu.memref_squeeze %dma_wait3A_157 : memref<1x125xi32, #tpu.memory_space<vmem>> -> memref<125xi32, #tpu.memory_space<vmem>>
        %dma_wait3A_159 = arith.constant 0 : i32
        %dma_wait3A_160 = arith.constant 0 : i32
        %dma_wait3A_161 = tpu.memref_slice %arg2[%dma_wait3A_159, %dma_wait3A_160] : memref<10000x128xf32, #tpu.memory_space<hbm>> -> memref<10000x128xf32, #tpu.memory_space<hbm>>
        tpu.wait_indirect_dma semaphore(%arg17 : memref<!tpu.dma_semaphore, #tpu.memory_space<semaphore_mem>>) src(%dma_wait3A_161 : memref<10000x128xf32, #tpu.memory_space<hbm>>) dst(%arg14 : memref<125x128xf32, #tpu.memory_space<vmem>>)
        "tpu.region"() ({
          %run_scoped3A_193 = tpu.sem_alloc : memref<!tpu.dma_semaphore, #tpu.memory_space<semaphore_mem>>
          %dma_start3A_194 = arith.constant 0 : i32
          %dma_start3A_195 = tpu.memref_slice %arg13[%add3A_147, %dma_start3A_194] : memref<10x125xi32, #tpu.memory_space<vmem>> -> memref<1x125xi32, #tpu.memory_space<vmem>>
          %dma_start3A_196 = tpu.memref_squeeze %dma_start3A_195 : memref<1x125xi32, #tpu.memory_space<vmem>> -> memref<125xi32, #tpu.memory_space<vmem>>
          %dma_start3A_197 = arith.constant 0 : i32
          %dma_start3A_198 = arith.constant 0 : i32
          %dma_start3A_199 = tpu.memref_slice %arg8[%dma_start3A_197, %dma_start3A_198] : memref<10000x128xf32, #tpu.memory_space<vmem_shared>> -> memref<10000x128xf32, #tpu.memory_space<vmem_shared>>
          tpu.enqueue_indirect_dma source(%arg14 : memref<125x128xf32, #tpu.memory_space<vmem>>) target(%dma_start3A_199 : memref<10000x128xf32, #tpu.memory_space<vmem_shared>>) offsets(%dma_start3A_196 : memref<125xi32, #tpu.memory_space<vmem>>) semaphore(%run_scoped3A_193 : memref<!tpu.dma_semaphore, #tpu.memory_space<semaphore_mem>>) {add = true}
          %dma_wait3A_200 = arith.constant 0 : i32
          %dma_wait3A_201 = tpu.memref_slice %arg13[%add3A_147, %dma_wait3A_200] : memref<10x125xi32, #tpu.memory_space<vmem>> -> memref<1x125xi32, #tpu.memory_space<vmem>>
          %dma_wait3A_202 = tpu.memref_squeeze %dma_wait3A_201 : memref<1x125xi32, #tpu.memory_space<vmem>> -> memref<125xi32, #tpu.memory_space<vmem>>
          %dma_wait3A_203 = arith.constant 0 : i32
          %dma_wait3A_204 = arith.constant 0 : i32
          %dma_wait3A_205 = tpu.memref_slice %arg8[%dma_wait3A_203, %dma_wait3A_204] : memref<10000x128xf32, #tpu.memory_space<vmem_shared>> -> memref<10000x128xf32, #tpu.memory_space<vmem_shared>>
          tpu.wait_indirect_dma semaphore(%run_scoped3A_193 : memref<!tpu.dma_semaphore, #tpu.memory_space<semaphore_mem>>) src(%arg14 : memref<125x128xf32, #tpu.memory_space<vmem>>) dst(%dma_wait3A_205 : memref<10000x128xf32, #tpu.memory_space<vmem_shared>>)
          tpu.yield
        }) : () -> ()
        %dma_start3A_162 = arith.constant 0 : i32
        %dma_start3A_163 = tpu.memref_slice %arg13[%add3A_147, %dma_start3A_162] : memref<10x125xi32, #tpu.memory_space<vmem>> -> memref<1x125xi32, #tpu.memory_space<vmem>>
        %dma_start3A_164 = tpu.memref_squeeze %dma_start3A_163 : memref<1x125xi32, #tpu.memory_space<vmem>> -> memref<125xi32, #tpu.memory_space<vmem>>
        %dma_start3A_165 = arith.constant 0 : i32
        %dma_start3A_166 = arith.constant 0 : i32
        %dma_start3A_167 = tpu.memref_slice %arg9[%dma_start3A_165, %dma_start3A_166] : memref<10000x16xf32, #tpu.memory_space<vmem_shared>> -> memref<10000x16xf32, #tpu.memory_space<vmem_shared>>
        tpu.enqueue_indirect_dma source(%arg16 : memref<125x16xf32, #tpu.memory_space<vmem>>) target(%dma_start3A_167 : memref<10000x16xf32, #tpu.memory_space<vmem_shared>>) offsets(%dma_start3A_164 : memref<125xi32, #tpu.memory_space<vmem>>) semaphore(%arg21 : memref<!tpu.dma_semaphore, #tpu.memory_space<semaphore_mem>>) {add = true}
        %add3A_168 = arith.constant 2 : i32
        %add3A_169 = arith.addi %add3A_147, %add3A_168 : i32
        %lt3A_170 = arith.constant 10 : i32
        %lt3A_171 = arith.cmpi slt, %add3A_169, %lt3A_170 : i32
        %convert_element_type3A_172 = arith.extui %lt3A_171 : i1 to i32
        %cond3A_173 = arith.constant 0 : i32
        %cond3A_174 = arith.cmpi ne, %convert_element_type3A_172, %cond3A_173 : i32
        scf.if %cond3A_174 {
          %add3A_193 = arith.constant 2 : i32
          %add3A_194 = arith.addi %add3A_147, %add3A_193 : i32
          %dma_start3A_195 = arith.constant 0 : i32
          %dma_start3A_196 = tpu.memref_slice %arg12[%add3A_194, %dma_start3A_195] : memref<10x125xi32, #tpu.memory_space<vmem>> -> memref<1x125xi32, #tpu.memory_space<vmem>>
          %dma_start3A_197 = tpu.memref_squeeze %dma_start3A_196 : memref<1x125xi32, #tpu.memory_space<vmem>> -> memref<125xi32, #tpu.memory_space<vmem>>
          %dma_start3A_198 = arith.constant 0 : i32
          %dma_start3A_199 = arith.constant 0 : i32
          %dma_start3A_200 = tpu.memref_slice %arg2[%dma_start3A_198, %dma_start3A_199] : memref<10000x128xf32, #tpu.memory_space<hbm>> -> memref<10000x128xf32, #tpu.memory_space<hbm>>
          tpu.enqueue_indirect_dma source(%dma_start3A_200 : memref<10000x128xf32, #tpu.memory_space<hbm>>) target(%arg14 : memref<125x128xf32, #tpu.memory_space<vmem>>) offsets(%dma_start3A_197 : memref<125xi32, #tpu.memory_space<vmem>>) semaphore(%arg17 : memref<!tpu.dma_semaphore, #tpu.memory_space<semaphore_mem>>)
        } else {
        }
        %add3A_175 = arith.constant 1 : i32
        %add3A_176 = arith.addi %add3A_147, %add3A_175 : i32
        %dma_wait3A_177 = arith.constant 0 : i32
        %dma_wait3A_178 = tpu.memref_slice %arg12[%add3A_176, %dma_wait3A_177] : memref<10x125xi32, #tpu.memory_space<vmem>> -> memref<1x125xi32, #tpu.memory_space<vmem>>
        %dma_wait3A_179 = tpu.memref_squeeze %dma_wait3A_178 : memref<1x125xi32, #tpu.memory_space<vmem>> -> memref<125xi32, #tpu.memory_space<vmem>>
        %dma_wait3A_180 = arith.constant 0 : i32
        %dma_wait3A_181 = arith.constant 0 : i32
        %dma_wait3A_182 = tpu.memref_slice %arg2[%dma_wait3A_180, %dma_wait3A_181] : memref<10000x128xf32, #tpu.memory_space<hbm>> -> memref<10000x128xf32, #tpu.memory_space<hbm>>
        tpu.wait_indirect_dma semaphore(%arg18 : memref<!tpu.dma_semaphore, #tpu.memory_space<semaphore_mem>>) src(%dma_wait3A_182 : memref<10000x128xf32, #tpu.memory_space<hbm>>) dst(%arg15 : memref<125x128xf32, #tpu.memory_space<vmem>>)
        %add3A_183 = arith.constant 1 : i32
        %add3A_184 = arith.addi %add3A_147, %add3A_183 : i32
        "tpu.region"() ({
          %run_scoped3A_193 = tpu.sem_alloc : memref<!tpu.dma_semaphore, #tpu.memory_space<semaphore_mem>>
          %dma_start3A_194 = arith.constant 0 : i32
          %dma_start3A_195 = tpu.memref_slice %arg13[%add3A_184, %dma_start3A_194] : memref<10x125xi32, #tpu.memory_space<vmem>> -> memref<1x125xi32, #tpu.memory_space<vmem>>
          %dma_start3A_196 = tpu.memref_squeeze %dma_start3A_195 : memref<1x125xi32, #tpu.memory_space<vmem>> -> memref<125xi32, #tpu.memory_space<vmem>>
          %dma_start3A_197 = arith.constant 0 : i32
          %dma_start3A_198 = arith.constant 0 : i32
          %dma_start3A_199 = tpu.memref_slice %arg8[%dma_start3A_197, %dma_start3A_198] : memref<10000x128xf32, #tpu.memory_space<vmem_shared>> -> memref<10000x128xf32, #tpu.memory_space<vmem_shared>>
          tpu.enqueue_indirect_dma source(%arg15 : memref<125x128xf32, #tpu.memory_space<vmem>>) target(%dma_start3A_199 : memref<10000x128xf32, #tpu.memory_space<vmem_shared>>) offsets(%dma_start3A_196 : memref<125xi32, #tpu.memory_space<vmem>>) semaphore(%run_scoped3A_193 : memref<!tpu.dma_semaphore, #tpu.memory_space<semaphore_mem>>) {add = true}
          %dma_wait3A_200 = arith.constant 0 : i32
          %dma_wait3A_201 = tpu.memref_slice %arg13[%add3A_184, %dma_wait3A_200] : memref<10x125xi32, #tpu.memory_space<vmem>> -> memref<1x125xi32, #tpu.memory_space<vmem>>
          %dma_wait3A_202 = tpu.memref_squeeze %dma_wait3A_201 : memref<1x125xi32, #tpu.memory_space<vmem>> -> memref<125xi32, #tpu.memory_space<vmem>>
          %dma_wait3A_203 = arith.constant 0 : i32
          %dma_wait3A_204 = arith.constant 0 : i32
          %dma_wait3A_205 = tpu.memref_slice %arg8[%dma_wait3A_203, %dma_wait3A_204] : memref<10000x128xf32, #tpu.memory_space<vmem_shared>> -> memref<10000x128xf32, #tpu.memory_space<vmem_shared>>
          tpu.wait_indirect_dma semaphore(%run_scoped3A_193 : memref<!tpu.dma_semaphore, #tpu.memory_space<semaphore_mem>>) src(%arg15 : memref<125x128xf32, #tpu.memory_space<vmem>>) dst(%dma_wait3A_205 : memref<10000x128xf32, #tpu.memory_space<vmem_shared>>)
          tpu.yield
        }) : () -> ()
        %add3A_185 = arith.constant 1 : i32
        %add3A_186 = arith.addi %add3A_147, %add3A_185 : i32
        %dma_start3A_187 = arith.constant 0 : i32
        %dma_start3A_188 = tpu.memref_slice %arg13[%add3A_186, %dma_start3A_187] : memref<10x125xi32, #tpu.memory_space<vmem>> -> memref<1x125xi32, #tpu.memory_space<vmem>>
        %dma_start3A_189 = tpu.memref_squeeze %dma_start3A_188 : memref<1x125xi32, #tpu.memory_space<vmem>> -> memref<125xi32, #tpu.memory_space<vmem>>
        %dma_start3A_190 = arith.constant 0 : i32
        %dma_start3A_191 = arith.constant 0 : i32
        %dma_start3A_192 = tpu.memref_slice %arg9[%dma_start3A_190, %dma_start3A_191] : memref<10000x16xf32, #tpu.memory_space<vmem_shared>> -> memref<10000x16xf32, #tpu.memory_space<vmem_shared>>
        tpu.enqueue_indirect_dma source(%arg16 : memref<125x16xf32, #tpu.memory_space<vmem>>) target(%dma_start3A_192 : memref<10000x16xf32, #tpu.memory_space<vmem_shared>>) offsets(%dma_start3A_189 : memref<125xi32, #tpu.memory_space<vmem>>) semaphore(%arg21 : memref<!tpu.dma_semaphore, #tpu.memory_space<semaphore_mem>>) {add = true}
      }
      %scan3A_142 = arith.constant 5 : i32
    }
    %scan3A_21 = arith.constant 8 : i32
    %scan3A_22 = arith.constant 0 : i32
    %scan3A_23 = arith.constant 160 : i32
    %scan3A_24 = arith.addi %scan3A_22, %scan3A_23 : i32
    %scan3A_25 = arith.constant 1 : i32
    scf.for %scan3A_54 = %scan3A_22 to %scan3A_24 step %scan3A_25  : i32 {
      %mul3A_55 = arith.constant 1 : i32
      %mul3A_56 = arith.muli %scan3A_54, %mul3A_55 : i32
      %add3A = arith.constant 0 : i32
      %add3A_57 = arith.addi %add3A, %mul3A_56 : i32
      %dma_wait3A = arith.constant 0 : i32
      %dma_wait3A_58 = arith.constant 0 : i32
      %dma_wait3A_59 = tpu.memref_slice %arg13[%dma_wait3A, %dma_wait3A_58] : memref<10x125xi32, #tpu.memory_space<vmem>> -> memref<1x125xi32, #tpu.memory_space<vmem>>
      %dma_wait3A_60 = tpu.memref_squeeze %dma_wait3A_59 : memref<1x125xi32, #tpu.memory_space<vmem>> -> memref<125xi32, #tpu.memory_space<vmem>>
      %dma_wait3A_61 = arith.constant 0 : i32
      %dma_wait3A_62 = arith.constant 0 : i32
      %dma_wait3A_63 = tpu.memref_slice %arg9[%dma_wait3A_61, %dma_wait3A_62] : memref<10000x16xf32, #tpu.memory_space<vmem_shared>> -> memref<10000x16xf32, #tpu.memory_space<vmem_shared>>
      tpu.wait_indirect_dma semaphore(%arg21 : memref<!tpu.dma_semaphore, #tpu.memory_space<semaphore_mem>>) src(%arg16 : memref<125x16xf32, #tpu.memory_space<vmem>>) dst(%dma_wait3A_63 : memref<10000x16xf32, #tpu.memory_space<vmem_shared>>)
    }
    %scan3A_26 = arith.constant 160 : i32
    %barrier3A_27 = arith.constant 0 : index
    tpu.barrier barrier_id(%barrier3A_27)
    %run_scoped3A = arith.constant 0 : i32
    "tpu.region"() ({
      %run_scoped3A_54 = tpu.sem_alloc : memref<!tpu.dma_semaphore, #tpu.memory_space<semaphore_mem>>
      %dma_start3A_55 = arith.constant 0 : i32
      %dma_start3A_56 = tpu.memref_slice %arg6[%run_scoped3A, %arg0, %mul3A_0, %dma_start3A_55] : memref<2x2x10000x128xf32, #tpu.memory_space<hbm>> -> memref<1x1x625x128xf32, #tpu.memory_space<hbm>>
      %dma_start3A_57 = tpu.memref_squeeze %dma_start3A_56 : memref<1x1x625x128xf32, #tpu.memory_space<hbm>> -> memref<625x128xf32, #tpu.memory_space<hbm>>
      %dma_start3A_58 = arith.constant 0 : i32
      %dma_start3A_59 = tpu.memref_slice %arg8[%mul3A_0, %dma_start3A_58] : memref<10000x128xf32, #tpu.memory_space<vmem_shared>> -> memref<625x128xf32, #tpu.memory_space<vmem_shared>>
      tpu.enqueue_dma source(%dma_start3A_59 : memref<625x128xf32, #tpu.memory_space<vmem_shared>>) target(%dma_start3A_57 : memref<625x128xf32, #tpu.memory_space<hbm>>) target_semaphore(%run_scoped3A_54 : memref<!tpu.dma_semaphore, #tpu.memory_space<semaphore_mem>>)
      %dma_wait3A = arith.constant 0 : i32
      %dma_wait3A_60 = tpu.memref_slice %arg6[%run_scoped3A, %arg0, %mul3A_0, %dma_wait3A] : memref<2x2x10000x128xf32, #tpu.memory_space<hbm>> -> memref<1x1x625x128xf32, #tpu.memory_space<hbm>>
      %dma_wait3A_61 = tpu.memref_squeeze %dma_wait3A_60 : memref<1x1x625x128xf32, #tpu.memory_space<hbm>> -> memref<625x128xf32, #tpu.memory_space<hbm>>
      %dma_wait3A_62 = arith.constant 0 : i32
      %dma_wait3A_63 = tpu.memref_slice %arg8[%mul3A_0, %dma_wait3A_62] : memref<10000x128xf32, #tpu.memory_space<vmem_shared>> -> memref<625x128xf32, #tpu.memory_space<vmem_shared>>
      tpu.wait_dma2 semaphore(%run_scoped3A_54 : memref<!tpu.dma_semaphore, #tpu.memory_space<semaphore_mem>>) src(%dma_wait3A_63 : memref<625x128xf32, #tpu.memory_space<vmem_shared>>) dst(%dma_wait3A_61 : memref<625x128xf32, #tpu.memory_space<hbm>>)
      tpu.yield
    }) : () -> ()
    "tpu.region"() ({
      %run_scoped3A_54 = tpu.sem_alloc : memref<!tpu.dma_semaphore, #tpu.memory_space<semaphore_mem>>
      %dma_start3A_55 = arith.constant 0 : i32
      %dma_start3A_56 = tpu.memref_slice %arg7[%arg0, %mul3A_0, %dma_start3A_55] : memref<2x10000x16xf32, #tpu.memory_space<hbm>> -> memref<1x625x16xf32, #tpu.memory_space<hbm>>
      %dma_start3A_57 = tpu.memref_squeeze %dma_start3A_56 : memref<1x625x16xf32, #tpu.memory_space<hbm>> -> memref<625x16xf32, #tpu.memory_space<hbm>>
      %dma_start3A_58 = arith.constant 0 : i32
      %dma_start3A_59 = tpu.memref_slice %arg9[%mul3A_0, %dma_start3A_58] : memref<10000x16xf32, #tpu.memory_space<vmem_shared>> -> memref<625x16xf32, #tpu.memory_space<vmem_shared>>
      tpu.enqueue_dma source(%dma_start3A_59 : memref<625x16xf32, #tpu.memory_space<vmem_shared>>) target(%dma_start3A_57 : memref<625x16xf32, #tpu.memory_space<hbm>>) target_semaphore(%run_scoped3A_54 : memref<!tpu.dma_semaphore, #tpu.memory_space<semaphore_mem>>)
      %dma_wait3A = arith.constant 0 : i32
      %dma_wait3A_60 = tpu.memref_slice %arg7[%arg0, %mul3A_0, %dma_wait3A] : memref<2x10000x16xf32, #tpu.memory_space<hbm>> -> memref<1x625x16xf32, #tpu.memory_space<hbm>>
      %dma_wait3A_61 = tpu.memref_squeeze %dma_wait3A_60 : memref<1x625x16xf32, #tpu.memory_space<hbm>> -> memref<625x16xf32, #tpu.memory_space<hbm>>
      %dma_wait3A_62 = arith.constant 0 : i32
      %dma_wait3A_63 = tpu.memref_slice %arg9[%mul3A_0, %dma_wait3A_62] : memref<10000x16xf32, #tpu.memory_space<vmem_shared>> -> memref<625x16xf32, #tpu.memory_space<vmem_shared>>
      tpu.wait_dma2 semaphore(%run_scoped3A_54 : memref<!tpu.dma_semaphore, #tpu.memory_space<semaphore_mem>>) src(%dma_wait3A_63 : memref<625x16xf32, #tpu.memory_space<vmem_shared>>) dst(%dma_wait3A_61 : memref<625x16xf32, #tpu.memory_space<hbm>>)
      tpu.yield
    }) : () -> ()
    "tpu.region"() ({
      %run_scoped3A_54 = tpu.sem_alloc : memref<!tpu.dma_semaphore, #tpu.memory_space<semaphore_mem>>
      %dma_start3A_55 = arith.constant 0 : i32
      %dma_start3A_56 = tpu.memref_slice %arg8[%mul3A_0, %dma_start3A_55] : memref<10000x128xf32, #tpu.memory_space<vmem_shared>> -> memref<625x128xf32, #tpu.memory_space<vmem_shared>>
      %dma_start3A_57 = arith.constant 0 : i32
      %dma_start3A_58 = tpu.memref_slice %arg3[%mul3A_0, %dma_start3A_57] : memref<10000x128xf32, #tpu.memory_space<hbm>> -> memref<625x128xf32, #tpu.memory_space<hbm>>
      tpu.enqueue_dma source(%dma_start3A_58 : memref<625x128xf32, #tpu.memory_space<hbm>>) target(%dma_start3A_56 : memref<625x128xf32, #tpu.memory_space<vmem_shared>>) target_semaphore(%run_scoped3A_54 : memref<!tpu.dma_semaphore, #tpu.memory_space<semaphore_mem>>)
      %dma_wait3A = arith.constant 0 : i32
      %dma_wait3A_59 = tpu.memref_slice %arg8[%mul3A_0, %dma_wait3A] : memref<10000x128xf32, #tpu.memory_space<vmem_shared>> -> memref<625x128xf32, #tpu.memory_space<vmem_shared>>
      %dma_wait3A_60 = arith.constant 0 : i32
      %dma_wait3A_61 = tpu.memref_slice %arg3[%mul3A_0, %dma_wait3A_60] : memref<10000x128xf32, #tpu.memory_space<hbm>> -> memref<625x128xf32, #tpu.memory_space<hbm>>
      tpu.wait_dma2 semaphore(%run_scoped3A_54 : memref<!tpu.dma_semaphore, #tpu.memory_space<semaphore_mem>>) src(%dma_wait3A_61 : memref<625x128xf32, #tpu.memory_space<hbm>>) dst(%dma_wait3A_59 : memref<625x128xf32, #tpu.memory_space<vmem_shared>>)
      tpu.yield
    }) : () -> ()
    %barrier3A_28 = arith.constant 0 : index
    tpu.barrier barrier_id(%barrier3A_28)
    %dma_start3A_29 = arith.constant 0 : i32
    %dma_start3A_30 = arith.constant 0 : i32
    %dma_start3A_31 = arith.constant 0 : i32
    %dma_start3A_32 = tpu.memref_slice %arg4[%arg0, %dma_start3A_29, %arg1, %dma_start3A_30, %dma_start3A_31] : memref<2x2x16x160x125xi32, #tpu.memory_space<hbm>> -> memref<1x1x1x10x125xi32, #tpu.memory_space<hbm>>
    %dma_start3A_33 = tpu.memref_squeeze %dma_start3A_32 : memref<1x1x1x10x125xi32, #tpu.memory_space<hbm>> -> memref<10x125xi32, #tpu.memory_space<hbm>>
    %dma_start3A_34 = arith.constant 0 : i32
    %dma_start3A_35 = arith.constant 0 : i32
    %dma_start3A_36 = tpu.memref_slice %arg4[%arg0, %dma_start3A_29, %arg1, %dma_start3A_34, %dma_start3A_35] : memref<2x2x16x160x125xi32, #tpu.memory_space<hbm>> -> memref<1x1x1x10x125xi32, #tpu.memory_space<hbm>>
    %dma_start3A_37 = tpu.memref_squeeze %dma_start3A_36 : memref<1x1x1x10x125xi32, #tpu.memory_space<hbm>> -> memref<10x125xi32, #tpu.memory_space<hbm>>
    tpu.enqueue_dma source(%dma_start3A_37 : memref<10x125xi32, #tpu.memory_space<hbm>>) target(%arg10 : memref<10x125xi32, #tpu.memory_space<vmem>>) target_semaphore(%arg19 : memref<!tpu.dma_semaphore, #tpu.memory_space<semaphore_mem>>)
    %dma_start3A_38 = arith.constant 1 : i32
    %dma_start3A_39 = arith.constant 0 : i32
    %dma_start3A_40 = arith.constant 0 : i32
    %dma_start3A_41 = tpu.memref_slice %arg4[%arg0, %dma_start3A_38, %arg1, %dma_start3A_39, %dma_start3A_40] : memref<2x2x16x160x125xi32, #tpu.memory_space<hbm>> -> memref<1x1x1x10x125xi32, #tpu.memory_space<hbm>>
    %dma_start3A_42 = tpu.memref_squeeze %dma_start3A_41 : memref<1x1x1x10x125xi32, #tpu.memory_space<hbm>> -> memref<10x125xi32, #tpu.memory_space<hbm>>
    %dma_start3A_43 = arith.constant 0 : i32
    %dma_start3A_44 = arith.constant 0 : i32
    %dma_start3A_45 = tpu.memref_slice %arg4[%arg0, %dma_start3A_38, %arg1, %dma_start3A_43, %dma_start3A_44] : memref<2x2x16x160x125xi32, #tpu.memory_space<hbm>> -> memref<1x1x1x10x125xi32, #tpu.memory_space<hbm>>
    %dma_start3A_46 = tpu.memref_squeeze %dma_start3A_45 : memref<1x1x1x10x125xi32, #tpu.memory_space<hbm>> -> memref<10x125xi32, #tpu.memory_space<hbm>>
    tpu.enqueue_dma source(%dma_start3A_46 : memref<10x125xi32, #tpu.memory_space<hbm>>) target(%arg11 : memref<10x125xi32, #tpu.memory_space<vmem>>) target_semaphore(%arg19 : memref<!tpu.dma_semaphore, #tpu.memory_space<semaphore_mem>>)
    %scan3A_47 = arith.constant 0 : i32
    %scan3A_48 = arith.constant 8 : i32
    %scan3A_49 = arith.addi %scan3A_47, %scan3A_48 : i32
    %scan3A_50 = arith.constant 1 : i32
    scf.for %scan3A_54 = %scan3A_47 to %scan3A_49 step %scan3A_50  : i32 {
      %mul3A_55 = arith.constant 2 : i32
      %mul3A_56 = arith.muli %scan3A_54, %mul3A_55 : i32
      %add3A = arith.constant 0 : i32
      %add3A_57 = arith.addi %add3A, %mul3A_56 : i32
      %add3A_58 = arith.constant 1 : i32
      %add3A_59 = arith.addi %add3A_57, %add3A_58 : i32
      %mul3A_60 = arith.constant 10 : i32
      %mul3A_61 = arith.muli %add3A_59, %mul3A_60 : i32
      %dma_start3A_62 = arith.constant 0 : i32
      %dma_start3A_63 = arith.constant 0 : i32
      %dma_start3A_64 = tpu.memref_slice %arg4[%arg0, %dma_start3A_62, %arg1, %mul3A_61, %dma_start3A_63] : memref<2x2x16x160x125xi32, #tpu.memory_space<hbm>> -> memref<1x1x1x10x125xi32, #tpu.memory_space<hbm>>
      %dma_start3A_65 = tpu.memref_squeeze %dma_start3A_64 : memref<1x1x1x10x125xi32, #tpu.memory_space<hbm>> -> memref<10x125xi32, #tpu.memory_space<hbm>>
      %dma_start3A_66 = arith.constant 0 : i32
      %dma_start3A_67 = tpu.memref_slice %arg4[%arg0, %dma_start3A_62, %arg1, %mul3A_61, %dma_start3A_66] : memref<2x2x16x160x125xi32, #tpu.memory_space<hbm>> -> memref<1x1x1x10x125xi32, #tpu.memory_space<hbm>>
      %dma_start3A_68 = tpu.memref_squeeze %dma_start3A_67 : memref<1x1x1x10x125xi32, #tpu.memory_space<hbm>> -> memref<10x125xi32, #tpu.memory_space<hbm>>
      tpu.enqueue_dma source(%dma_start3A_68 : memref<10x125xi32, #tpu.memory_space<hbm>>) target(%arg12 : memref<10x125xi32, #tpu.memory_space<vmem>>) target_semaphore(%arg20 : memref<!tpu.dma_semaphore, #tpu.memory_space<semaphore_mem>>)
      %mul3A_69 = arith.constant 10 : i32
      %mul3A_70 = arith.muli %add3A_59, %mul3A_69 : i32
      %dma_start3A_71 = arith.constant 1 : i32
      %dma_start3A_72 = arith.constant 0 : i32
      %dma_start3A_73 = tpu.memref_slice %arg4[%arg0, %dma_start3A_71, %arg1, %mul3A_70, %dma_start3A_72] : memref<2x2x16x160x125xi32, #tpu.memory_space<hbm>> -> memref<1x1x1x10x125xi32, #tpu.memory_space<hbm>>
      %dma_start3A_74 = tpu.memref_squeeze %dma_start3A_73 : memref<1x1x1x10x125xi32, #tpu.memory_space<hbm>> -> memref<10x125xi32, #tpu.memory_space<hbm>>
      %dma_start3A_75 = arith.constant 0 : i32
      %dma_start3A_76 = tpu.memref_slice %arg4[%arg0, %dma_start3A_71, %arg1, %mul3A_70, %dma_start3A_75] : memref<2x2x16x160x125xi32, #tpu.memory_space<hbm>> -> memref<1x1x1x10x125xi32, #tpu.memory_space<hbm>>
      %dma_start3A_77 = tpu.memref_squeeze %dma_start3A_76 : memref<1x1x1x10x125xi32, #tpu.memory_space<hbm>> -> memref<10x125xi32, #tpu.memory_space<hbm>>
      tpu.enqueue_dma source(%dma_start3A_77 : memref<10x125xi32, #tpu.memory_space<hbm>>) target(%arg13 : memref<10x125xi32, #tpu.memory_space<vmem>>) target_semaphore(%arg20 : memref<!tpu.dma_semaphore, #tpu.memory_space<semaphore_mem>>)
      %mul3A_78 = arith.constant 10 : i32
      %mul3A_79 = arith.muli %add3A_57, %mul3A_78 : i32
      %dma_wait3A = arith.constant 0 : i32
      %dma_wait3A_80 = arith.constant 0 : i32
      %dma_wait3A_81 = tpu.memref_slice %arg4[%arg0, %dma_wait3A, %arg1, %mul3A_79, %dma_wait3A_80] : memref<2x2x16x160x125xi32, #tpu.memory_space<hbm>> -> memref<1x1x1x10x125xi32, #tpu.memory_space<hbm>>
      %dma_wait3A_82 = tpu.memref_squeeze %dma_wait3A_81 : memref<1x1x1x10x125xi32, #tpu.memory_space<hbm>> -> memref<10x125xi32, #tpu.memory_space<hbm>>
      %dma_wait3A_83 = arith.constant 0 : i32
      %dma_wait3A_84 = tpu.memref_slice %arg4[%arg0, %dma_wait3A, %arg1, %mul3A_79, %dma_wait3A_83] : memref<2x2x16x160x125xi32, #tpu.memory_space<hbm>> -> memref<1x1x1x10x125xi32, #tpu.memory_space<hbm>>
      %dma_wait3A_85 = tpu.memref_squeeze %dma_wait3A_84 : memref<1x1x1x10x125xi32, #tpu.memory_space<hbm>> -> memref<10x125xi32, #tpu.memory_space<hbm>>
      tpu.wait_dma2 semaphore(%arg19 : memref<!tpu.dma_semaphore, #tpu.memory_space<semaphore_mem>>) src(%dma_wait3A_85 : memref<10x125xi32, #tpu.memory_space<hbm>>) dst(%arg10 : memref<10x125xi32, #tpu.memory_space<vmem>>)
      %mul3A_86 = arith.constant 10 : i32
      %mul3A_87 = arith.muli %add3A_57, %mul3A_86 : i32
      %dma_wait3A_88 = arith.constant 1 : i32
      %dma_wait3A_89 = arith.constant 0 : i32
      %dma_wait3A_90 = tpu.memref_slice %arg4[%arg0, %dma_wait3A_88, %arg1, %mul3A_87, %dma_wait3A_89] : memref<2x2x16x160x125xi32, #tpu.memory_space<hbm>> -> memref<1x1x1x10x125xi32, #tpu.memory_space<hbm>>
      %dma_wait3A_91 = tpu.memref_squeeze %dma_wait3A_90 : memref<1x1x1x10x125xi32, #tpu.memory_space<hbm>> -> memref<10x125xi32, #tpu.memory_space<hbm>>
      %dma_wait3A_92 = arith.constant 0 : i32
      %dma_wait3A_93 = tpu.memref_slice %arg4[%arg0, %dma_wait3A_88, %arg1, %mul3A_87, %dma_wait3A_92] : memref<2x2x16x160x125xi32, #tpu.memory_space<hbm>> -> memref<1x1x1x10x125xi32, #tpu.memory_space<hbm>>
      %dma_wait3A_94 = tpu.memref_squeeze %dma_wait3A_93 : memref<1x1x1x10x125xi32, #tpu.memory_space<hbm>> -> memref<10x125xi32, #tpu.memory_space<hbm>>
      tpu.wait_dma2 semaphore(%arg19 : memref<!tpu.dma_semaphore, #tpu.memory_space<semaphore_mem>>) src(%dma_wait3A_94 : memref<10x125xi32, #tpu.memory_space<hbm>>) dst(%arg11 : memref<10x125xi32, #tpu.memory_space<vmem>>)
      %dma_start3A_95 = arith.constant 0 : i32
      %dma_start3A_96 = arith.constant 0 : i32
      %dma_start3A_97 = tpu.memref_slice %arg10[%dma_start3A_95, %dma_start3A_96] : memref<10x125xi32, #tpu.memory_space<vmem>> -> memref<1x125xi32, #tpu.memory_space<vmem>>
      %dma_start3A_98 = tpu.memref_squeeze %dma_start3A_97 : memref<1x125xi32, #tpu.memory_space<vmem>> -> memref<125xi32, #tpu.memory_space<vmem>>
      %dma_start3A_99 = arith.constant 0 : i32
      %dma_start3A_100 = arith.constant 0 : i32
      %dma_start3A_101 = tpu.memref_slice %arg3[%dma_start3A_99, %dma_start3A_100] : memref<10000x128xf32, #tpu.memory_space<hbm>> -> memref<10000x128xf32, #tpu.memory_space<hbm>>
      tpu.enqueue_indirect_dma source(%dma_start3A_101 : memref<10000x128xf32, #tpu.memory_space<hbm>>) target(%arg14 : memref<125x128xf32, #tpu.memory_space<vmem>>) offsets(%dma_start3A_98 : memref<125xi32, #tpu.memory_space<vmem>>) semaphore(%arg17 : memref<!tpu.dma_semaphore, #tpu.memory_space<semaphore_mem>>)
      %scan3A_102 = arith.constant 0 : i32
      %scan3A_103 = arith.constant 5 : i32
      %scan3A_104 = arith.addi %scan3A_102, %scan3A_103 : i32
      %scan3A_105 = arith.constant 1 : i32
      scf.for %scan3A_143 = %scan3A_102 to %scan3A_104 step %scan3A_105  : i32 {
        %mul3A_144 = arith.constant 2 : i32
        %mul3A_145 = arith.muli %scan3A_143, %mul3A_144 : i32
        %add3A_146 = arith.constant 0 : i32
        %add3A_147 = arith.addi %add3A_146, %mul3A_145 : i32
        %add3A_148 = arith.constant 1 : i32
        %add3A_149 = arith.addi %add3A_147, %add3A_148 : i32
        %dma_start3A_150 = arith.constant 0 : i32
        %dma_start3A_151 = tpu.memref_slice %arg10[%add3A_149, %dma_start3A_150] : memref<10x125xi32, #tpu.memory_space<vmem>> -> memref<1x125xi32, #tpu.memory_space<vmem>>
        %dma_start3A_152 = tpu.memref_squeeze %dma_start3A_151 : memref<1x125xi32, #tpu.memory_space<vmem>> -> memref<125xi32, #tpu.memory_space<vmem>>
        %dma_start3A_153 = arith.constant 0 : i32
        %dma_start3A_154 = arith.constant 0 : i32
        %dma_start3A_155 = tpu.memref_slice %arg3[%dma_start3A_153, %dma_start3A_154] : memref<10000x128xf32, #tpu.memory_space<hbm>> -> memref<10000x128xf32, #tpu.memory_space<hbm>>
        tpu.enqueue_indirect_dma source(%dma_start3A_155 : memref<10000x128xf32, #tpu.memory_space<hbm>>) target(%arg15 : memref<125x128xf32, #tpu.memory_space<vmem>>) offsets(%dma_start3A_152 : memref<125xi32, #tpu.memory_space<vmem>>) semaphore(%arg18 : memref<!tpu.dma_semaphore, #tpu.memory_space<semaphore_mem>>)
        %dma_wait3A_156 = arith.constant 0 : i32
        %dma_wait3A_157 = tpu.memref_slice %arg10[%add3A_147, %dma_wait3A_156] : memref<10x125xi32, #tpu.memory_space<vmem>> -> memref<1x125xi32, #tpu.memory_space<vmem>>
        %dma_wait3A_158 = tpu.memref_squeeze %dma_wait3A_157 : memref<1x125xi32, #tpu.memory_space<vmem>> -> memref<125xi32, #tpu.memory_space<vmem>>
        %dma_wait3A_159 = arith.constant 0 : i32
        %dma_wait3A_160 = arith.constant 0 : i32
        %dma_wait3A_161 = tpu.memref_slice %arg3[%dma_wait3A_159, %dma_wait3A_160] : memref<10000x128xf32, #tpu.memory_space<hbm>> -> memref<10000x128xf32, #tpu.memory_space<hbm>>
        tpu.wait_indirect_dma semaphore(%arg17 : memref<!tpu.dma_semaphore, #tpu.memory_space<semaphore_mem>>) src(%dma_wait3A_161 : memref<10000x128xf32, #tpu.memory_space<hbm>>) dst(%arg14 : memref<125x128xf32, #tpu.memory_space<vmem>>)
        "tpu.region"() ({
          %run_scoped3A_179 = tpu.sem_alloc : memref<!tpu.dma_semaphore, #tpu.memory_space<semaphore_mem>>
          %dma_start3A_180 = arith.constant 0 : i32
          %dma_start3A_181 = tpu.memref_slice %arg11[%add3A_147, %dma_start3A_180] : memref<10x125xi32, #tpu.memory_space<vmem>> -> memref<1x125xi32, #tpu.memory_space<vmem>>
          %dma_start3A_182 = tpu.memref_squeeze %dma_start3A_181 : memref<1x125xi32, #tpu.memory_space<vmem>> -> memref<125xi32, #tpu.memory_space<vmem>>
          %dma_start3A_183 = arith.constant 0 : i32
          %dma_start3A_184 = arith.constant 0 : i32
          %dma_start3A_185 = tpu.memref_slice %arg8[%dma_start3A_183, %dma_start3A_184] : memref<10000x128xf32, #tpu.memory_space<vmem_shared>> -> memref<10000x128xf32, #tpu.memory_space<vmem_shared>>
          tpu.enqueue_indirect_dma source(%arg14 : memref<125x128xf32, #tpu.memory_space<vmem>>) target(%dma_start3A_185 : memref<10000x128xf32, #tpu.memory_space<vmem_shared>>) offsets(%dma_start3A_182 : memref<125xi32, #tpu.memory_space<vmem>>) semaphore(%run_scoped3A_179 : memref<!tpu.dma_semaphore, #tpu.memory_space<semaphore_mem>>) {add = true}
          %dma_wait3A_186 = arith.constant 0 : i32
          %dma_wait3A_187 = tpu.memref_slice %arg11[%add3A_147, %dma_wait3A_186] : memref<10x125xi32, #tpu.memory_space<vmem>> -> memref<1x125xi32, #tpu.memory_space<vmem>>
          %dma_wait3A_188 = tpu.memref_squeeze %dma_wait3A_187 : memref<1x125xi32, #tpu.memory_space<vmem>> -> memref<125xi32, #tpu.memory_space<vmem>>
          %dma_wait3A_189 = arith.constant 0 : i32
          %dma_wait3A_190 = arith.constant 0 : i32
          %dma_wait3A_191 = tpu.memref_slice %arg8[%dma_wait3A_189, %dma_wait3A_190] : memref<10000x128xf32, #tpu.memory_space<vmem_shared>> -> memref<10000x128xf32, #tpu.memory_space<vmem_shared>>
          tpu.wait_indirect_dma semaphore(%run_scoped3A_179 : memref<!tpu.dma_semaphore, #tpu.memory_space<semaphore_mem>>) src(%arg14 : memref<125x128xf32, #tpu.memory_space<vmem>>) dst(%dma_wait3A_191 : memref<10000x128xf32, #tpu.memory_space<vmem_shared>>)
          tpu.yield
        }) : () -> ()
        %add3A_162 = arith.constant 2 : i32
        %add3A_163 = arith.addi %add3A_147, %add3A_162 : i32
        %lt3A_164 = arith.constant 10 : i32
        %lt3A_165 = arith.cmpi slt, %add3A_163, %lt3A_164 : i32
        %convert_element_type3A_166 = arith.extui %lt3A_165 : i1 to i32
        %cond3A_167 = arith.constant 0 : i32
        %cond3A_168 = arith.cmpi ne, %convert_element_type3A_166, %cond3A_167 : i32
        scf.if %cond3A_168 {
          %add3A_179 = arith.constant 2 : i32
          %add3A_180 = arith.addi %add3A_147, %add3A_179 : i32
          %dma_start3A_181 = arith.constant 0 : i32
          %dma_start3A_182 = tpu.memref_slice %arg10[%add3A_180, %dma_start3A_181] : memref<10x125xi32, #tpu.memory_space<vmem>> -> memref<1x125xi32, #tpu.memory_space<vmem>>
          %dma_start3A_183 = tpu.memref_squeeze %dma_start3A_182 : memref<1x125xi32, #tpu.memory_space<vmem>> -> memref<125xi32, #tpu.memory_space<vmem>>
          %dma_start3A_184 = arith.constant 0 : i32
          %dma_start3A_185 = arith.constant 0 : i32
          %dma_start3A_186 = tpu.memref_slice %arg3[%dma_start3A_184, %dma_start3A_185] : memref<10000x128xf32, #tpu.memory_space<hbm>> -> memref<10000x128xf32, #tpu.memory_space<hbm>>
          tpu.enqueue_indirect_dma source(%dma_start3A_186 : memref<10000x128xf32, #tpu.memory_space<hbm>>) target(%arg14 : memref<125x128xf32, #tpu.memory_space<vmem>>) offsets(%dma_start3A_183 : memref<125xi32, #tpu.memory_space<vmem>>) semaphore(%arg17 : memref<!tpu.dma_semaphore, #tpu.memory_space<semaphore_mem>>)
        } else {
        }
        %add3A_169 = arith.constant 1 : i32
        %add3A_170 = arith.addi %add3A_147, %add3A_169 : i32
        %dma_wait3A_171 = arith.constant 0 : i32
        %dma_wait3A_172 = tpu.memref_slice %arg10[%add3A_170, %dma_wait3A_171] : memref<10x125xi32, #tpu.memory_space<vmem>> -> memref<1x125xi32, #tpu.memory_space<vmem>>
        %dma_wait3A_173 = tpu.memref_squeeze %dma_wait3A_172 : memref<1x125xi32, #tpu.memory_space<vmem>> -> memref<125xi32, #tpu.memory_space<vmem>>
        %dma_wait3A_174 = arith.constant 0 : i32
        %dma_wait3A_175 = arith.constant 0 : i32
        %dma_wait3A_176 = tpu.memref_slice %arg3[%dma_wait3A_174, %dma_wait3A_175] : memref<10000x128xf32, #tpu.memory_space<hbm>> -> memref<10000x128xf32, #tpu.memory_space<hbm>>
        tpu.wait_indirect_dma semaphore(%arg18 : memref<!tpu.dma_semaphore, #tpu.memory_space<semaphore_mem>>) src(%dma_wait3A_176 : memref<10000x128xf32, #tpu.memory_space<hbm>>) dst(%arg15 : memref<125x128xf32, #tpu.memory_space<vmem>>)
        %add3A_177 = arith.constant 1 : i32
        %add3A_178 = arith.addi %add3A_147, %add3A_177 : i32
        "tpu.region"() ({
          %run_scoped3A_179 = tpu.sem_alloc : memref<!tpu.dma_semaphore, #tpu.memory_space<semaphore_mem>>
          %dma_start3A_180 = arith.constant 0 : i32
          %dma_start3A_181 = tpu.memref_slice %arg11[%add3A_178, %dma_start3A_180] : memref<10x125xi32, #tpu.memory_space<vmem>> -> memref<1x125xi32, #tpu.memory_space<vmem>>
          %dma_start3A_182 = tpu.memref_squeeze %dma_start3A_181 : memref<1x125xi32, #tpu.memory_space<vmem>> -> memref<125xi32, #tpu.memory_space<vmem>>
          %dma_start3A_183 = arith.constant 0 : i32
          %dma_start3A_184 = arith.constant 0 : i32
          %dma_start3A_185 = tpu.memref_slice %arg8[%dma_start3A_183, %dma_start3A_184] : memref<10000x128xf32, #tpu.memory_space<vmem_shared>> -> memref<10000x128xf32, #tpu.memory_space<vmem_shared>>
          tpu.enqueue_indirect_dma source(%arg15 : memref<125x128xf32, #tpu.memory_space<vmem>>) target(%dma_start3A_185 : memref<10000x128xf32, #tpu.memory_space<vmem_shared>>) offsets(%dma_start3A_182 : memref<125xi32, #tpu.memory_space<vmem>>) semaphore(%run_scoped3A_179 : memref<!tpu.dma_semaphore, #tpu.memory_space<semaphore_mem>>) {add = true}
          %dma_wait3A_186 = arith.constant 0 : i32
          %dma_wait3A_187 = tpu.memref_slice %arg11[%add3A_178, %dma_wait3A_186] : memref<10x125xi32, #tpu.memory_space<vmem>> -> memref<1x125xi32, #tpu.memory_space<vmem>>
          %dma_wait3A_188 = tpu.memref_squeeze %dma_wait3A_187 : memref<1x125xi32, #tpu.memory_space<vmem>> -> memref<125xi32, #tpu.memory_space<vmem>>
          %dma_wait3A_189 = arith.constant 0 : i32
          %dma_wait3A_190 = arith.constant 0 : i32
          %dma_wait3A_191 = tpu.memref_slice %arg8[%dma_wait3A_189, %dma_wait3A_190] : memref<10000x128xf32, #tpu.memory_space<vmem_shared>> -> memref<10000x128xf32, #tpu.memory_space<vmem_shared>>
          tpu.wait_indirect_dma semaphore(%run_scoped3A_179 : memref<!tpu.dma_semaphore, #tpu.memory_space<semaphore_mem>>) src(%arg15 : memref<125x128xf32, #tpu.memory_space<vmem>>) dst(%dma_wait3A_191 : memref<10000x128xf32, #tpu.memory_space<vmem_shared>>)
          tpu.yield
        }) : () -> ()
      }
      %scan3A_106 = arith.constant 5 : i32
      %add3A_107 = arith.constant 2 : i32
      %add3A_108 = arith.addi %add3A_57, %add3A_107 : i32
      %lt3A = arith.constant 16 : i32
      %lt3A_109 = arith.cmpi slt, %add3A_108, %lt3A : i32
      %convert_element_type3A = arith.extui %lt3A_109 : i1 to i32
      %cond3A = arith.constant 0 : i32
      %cond3A_110 = arith.cmpi ne, %convert_element_type3A, %cond3A : i32
      scf.if %cond3A_110 {
        %add3A_143 = arith.constant 2 : i32
        %add3A_144 = arith.addi %add3A_57, %add3A_143 : i32
        %mul3A_145 = arith.constant 10 : i32
        %mul3A_146 = arith.muli %add3A_144, %mul3A_145 : i32
        %dma_start3A_147 = arith.constant 0 : i32
        %dma_start3A_148 = arith.constant 0 : i32
        %dma_start3A_149 = tpu.memref_slice %arg4[%arg0, %dma_start3A_147, %arg1, %mul3A_146, %dma_start3A_148] : memref<2x2x16x160x125xi32, #tpu.memory_space<hbm>> -> memref<1x1x1x10x125xi32, #tpu.memory_space<hbm>>
        %dma_start3A_150 = tpu.memref_squeeze %dma_start3A_149 : memref<1x1x1x10x125xi32, #tpu.memory_space<hbm>> -> memref<10x125xi32, #tpu.memory_space<hbm>>
        %dma_start3A_151 = arith.constant 0 : i32
        %dma_start3A_152 = tpu.memref_slice %arg4[%arg0, %dma_start3A_147, %arg1, %mul3A_146, %dma_start3A_151] : memref<2x2x16x160x125xi32, #tpu.memory_space<hbm>> -> memref<1x1x1x10x125xi32, #tpu.memory_space<hbm>>
        %dma_start3A_153 = tpu.memref_squeeze %dma_start3A_152 : memref<1x1x1x10x125xi32, #tpu.memory_space<hbm>> -> memref<10x125xi32, #tpu.memory_space<hbm>>
        tpu.enqueue_dma source(%dma_start3A_153 : memref<10x125xi32, #tpu.memory_space<hbm>>) target(%arg10 : memref<10x125xi32, #tpu.memory_space<vmem>>) target_semaphore(%arg19 : memref<!tpu.dma_semaphore, #tpu.memory_space<semaphore_mem>>)
        %mul3A_154 = arith.constant 10 : i32
        %mul3A_155 = arith.muli %add3A_144, %mul3A_154 : i32
        %dma_start3A_156 = arith.constant 1 : i32
        %dma_start3A_157 = arith.constant 0 : i32
        %dma_start3A_158 = tpu.memref_slice %arg4[%arg0, %dma_start3A_156, %arg1, %mul3A_155, %dma_start3A_157] : memref<2x2x16x160x125xi32, #tpu.memory_space<hbm>> -> memref<1x1x1x10x125xi32, #tpu.memory_space<hbm>>
        %dma_start3A_159 = tpu.memref_squeeze %dma_start3A_158 : memref<1x1x1x10x125xi32, #tpu.memory_space<hbm>> -> memref<10x125xi32, #tpu.memory_space<hbm>>
        %dma_start3A_160 = arith.constant 0 : i32
        %dma_start3A_161 = tpu.memref_slice %arg4[%arg0, %dma_start3A_156, %arg1, %mul3A_155, %dma_start3A_160] : memref<2x2x16x160x125xi32, #tpu.memory_space<hbm>> -> memref<1x1x1x10x125xi32, #tpu.memory_space<hbm>>
        %dma_start3A_162 = tpu.memref_squeeze %dma_start3A_161 : memref<1x1x1x10x125xi32, #tpu.memory_space<hbm>> -> memref<10x125xi32, #tpu.memory_space<hbm>>
        tpu.enqueue_dma source(%dma_start3A_162 : memref<10x125xi32, #tpu.memory_space<hbm>>) target(%arg11 : memref<10x125xi32, #tpu.memory_space<vmem>>) target_semaphore(%arg19 : memref<!tpu.dma_semaphore, #tpu.memory_space<semaphore_mem>>)
      } else {
      }
      %add3A_111 = arith.constant 1 : i32
      %add3A_112 = arith.addi %add3A_57, %add3A_111 : i32
      %mul3A_113 = arith.constant 10 : i32
      %mul3A_114 = arith.muli %add3A_112, %mul3A_113 : i32
      %dma_wait3A_115 = arith.constant 0 : i32
      %dma_wait3A_116 = arith.constant 0 : i32
      %dma_wait3A_117 = tpu.memref_slice %arg4[%arg0, %dma_wait3A_115, %arg1, %mul3A_114, %dma_wait3A_116] : memref<2x2x16x160x125xi32, #tpu.memory_space<hbm>> -> memref<1x1x1x10x125xi32, #tpu.memory_space<hbm>>
      %dma_wait3A_118 = tpu.memref_squeeze %dma_wait3A_117 : memref<1x1x1x10x125xi32, #tpu.memory_space<hbm>> -> memref<10x125xi32, #tpu.memory_space<hbm>>
      %dma_wait3A_119 = arith.constant 0 : i32
      %dma_wait3A_120 = tpu.memref_slice %arg4[%arg0, %dma_wait3A_115, %arg1, %mul3A_114, %dma_wait3A_119] : memref<2x2x16x160x125xi32, #tpu.memory_space<hbm>> -> memref<1x1x1x10x125xi32, #tpu.memory_space<hbm>>
      %dma_wait3A_121 = tpu.memref_squeeze %dma_wait3A_120 : memref<1x1x1x10x125xi32, #tpu.memory_space<hbm>> -> memref<10x125xi32, #tpu.memory_space<hbm>>
      tpu.wait_dma2 semaphore(%arg20 : memref<!tpu.dma_semaphore, #tpu.memory_space<semaphore_mem>>) src(%dma_wait3A_121 : memref<10x125xi32, #tpu.memory_space<hbm>>) dst(%arg12 : memref<10x125xi32, #tpu.memory_space<vmem>>)
      %mul3A_122 = arith.constant 10 : i32
      %mul3A_123 = arith.muli %add3A_112, %mul3A_122 : i32
      %dma_wait3A_124 = arith.constant 1 : i32
      %dma_wait3A_125 = arith.constant 0 : i32
      %dma_wait3A_126 = tpu.memref_slice %arg4[%arg0, %dma_wait3A_124, %arg1, %mul3A_123, %dma_wait3A_125] : memref<2x2x16x160x125xi32, #tpu.memory_space<hbm>> -> memref<1x1x1x10x125xi32, #tpu.memory_space<hbm>>
      %dma_wait3A_127 = tpu.memref_squeeze %dma_wait3A_126 : memref<1x1x1x10x125xi32, #tpu.memory_space<hbm>> -> memref<10x125xi32, #tpu.memory_space<hbm>>
      %dma_wait3A_128 = arith.constant 0 : i32
      %dma_wait3A_129 = tpu.memref_slice %arg4[%arg0, %dma_wait3A_124, %arg1, %mul3A_123, %dma_wait3A_128] : memref<2x2x16x160x125xi32, #tpu.memory_space<hbm>> -> memref<1x1x1x10x125xi32, #tpu.memory_space<hbm>>
      %dma_wait3A_130 = tpu.memref_squeeze %dma_wait3A_129 : memref<1x1x1x10x125xi32, #tpu.memory_space<hbm>> -> memref<10x125xi32, #tpu.memory_space<hbm>>
      tpu.wait_dma2 semaphore(%arg20 : memref<!tpu.dma_semaphore, #tpu.memory_space<semaphore_mem>>) src(%dma_wait3A_130 : memref<10x125xi32, #tpu.memory_space<hbm>>) dst(%arg13 : memref<10x125xi32, #tpu.memory_space<vmem>>)
      %dma_start3A_131 = arith.constant 0 : i32
      %dma_start3A_132 = arith.constant 0 : i32
      %dma_start3A_133 = tpu.memref_slice %arg12[%dma_start3A_131, %dma_start3A_132] : memref<10x125xi32, #tpu.memory_space<vmem>> -> memref<1x125xi32, #tpu.memory_space<vmem>>
      %dma_start3A_134 = tpu.memref_squeeze %dma_start3A_133 : memref<1x125xi32, #tpu.memory_space<vmem>> -> memref<125xi32, #tpu.memory_space<vmem>>
      %dma_start3A_135 = arith.constant 0 : i32
      %dma_start3A_136 = arith.constant 0 : i32
      %dma_start3A_137 = tpu.memref_slice %arg3[%dma_start3A_135, %dma_start3A_136] : memref<10000x128xf32, #tpu.memory_space<hbm>> -> memref<10000x128xf32, #tpu.memory_space<hbm>>
      tpu.enqueue_indirect_dma source(%dma_start3A_137 : memref<10000x128xf32, #tpu.memory_space<hbm>>) target(%arg14 : memref<125x128xf32, #tpu.memory_space<vmem>>) offsets(%dma_start3A_134 : memref<125xi32, #tpu.memory_space<vmem>>) semaphore(%arg17 : memref<!tpu.dma_semaphore, #tpu.memory_space<semaphore_mem>>)
      %scan3A_138 = arith.constant 0 : i32
      %scan3A_139 = arith.constant 5 : i32
      %scan3A_140 = arith.addi %scan3A_138, %scan3A_139 : i32
      %scan3A_141 = arith.constant 1 : i32
      scf.for %scan3A_143 = %scan3A_138 to %scan3A_140 step %scan3A_141  : i32 {
        %mul3A_144 = arith.constant 2 : i32
        %mul3A_145 = arith.muli %scan3A_143, %mul3A_144 : i32
        %add3A_146 = arith.constant 0 : i32
        %add3A_147 = arith.addi %add3A_146, %mul3A_145 : i32
        %add3A_148 = arith.constant 1 : i32
        %add3A_149 = arith.addi %add3A_147, %add3A_148 : i32
        %dma_start3A_150 = arith.constant 0 : i32
        %dma_start3A_151 = tpu.memref_slice %arg12[%add3A_149, %dma_start3A_150] : memref<10x125xi32, #tpu.memory_space<vmem>> -> memref<1x125xi32, #tpu.memory_space<vmem>>
        %dma_start3A_152 = tpu.memref_squeeze %dma_start3A_151 : memref<1x125xi32, #tpu.memory_space<vmem>> -> memref<125xi32, #tpu.memory_space<vmem>>
        %dma_start3A_153 = arith.constant 0 : i32
        %dma_start3A_154 = arith.constant 0 : i32
        %dma_start3A_155 = tpu.memref_slice %arg3[%dma_start3A_153, %dma_start3A_154] : memref<10000x128xf32, #tpu.memory_space<hbm>> -> memref<10000x128xf32, #tpu.memory_space<hbm>>
        tpu.enqueue_indirect_dma source(%dma_start3A_155 : memref<10000x128xf32, #tpu.memory_space<hbm>>) target(%arg15 : memref<125x128xf32, #tpu.memory_space<vmem>>) offsets(%dma_start3A_152 : memref<125xi32, #tpu.memory_space<vmem>>) semaphore(%arg18 : memref<!tpu.dma_semaphore, #tpu.memory_space<semaphore_mem>>)
        %dma_wait3A_156 = arith.constant 0 : i32
        %dma_wait3A_157 = tpu.memref_slice %arg12[%add3A_147, %dma_wait3A_156] : memref<10x125xi32, #tpu.memory_space<vmem>> -> memref<1x125xi32, #tpu.memory_space<vmem>>
        %dma_wait3A_158 = tpu.memref_squeeze %dma_wait3A_157 : memref<1x125xi32, #tpu.memory_space<vmem>> -> memref<125xi32, #tpu.memory_space<vmem>>
        %dma_wait3A_159 = arith.constant 0 : i32
        %dma_wait3A_160 = arith.constant 0 : i32
        %dma_wait3A_161 = tpu.memref_slice %arg3[%dma_wait3A_159, %dma_wait3A_160] : memref<10000x128xf32, #tpu.memory_space<hbm>> -> memref<10000x128xf32, #tpu.memory_space<hbm>>
        tpu.wait_indirect_dma semaphore(%arg17 : memref<!tpu.dma_semaphore, #tpu.memory_space<semaphore_mem>>) src(%dma_wait3A_161 : memref<10000x128xf32, #tpu.memory_space<hbm>>) dst(%arg14 : memref<125x128xf32, #tpu.memory_space<vmem>>)
        "tpu.region"() ({
          %run_scoped3A_179 = tpu.sem_alloc : memref<!tpu.dma_semaphore, #tpu.memory_space<semaphore_mem>>
          %dma_start3A_180 = arith.constant 0 : i32
          %dma_start3A_181 = tpu.memref_slice %arg13[%add3A_147, %dma_start3A_180] : memref<10x125xi32, #tpu.memory_space<vmem>> -> memref<1x125xi32, #tpu.memory_space<vmem>>
          %dma_start3A_182 = tpu.memref_squeeze %dma_start3A_181 : memref<1x125xi32, #tpu.memory_space<vmem>> -> memref<125xi32, #tpu.memory_space<vmem>>
          %dma_start3A_183 = arith.constant 0 : i32
          %dma_start3A_184 = arith.constant 0 : i32
          %dma_start3A_185 = tpu.memref_slice %arg8[%dma_start3A_183, %dma_start3A_184] : memref<10000x128xf32, #tpu.memory_space<vmem_shared>> -> memref<10000x128xf32, #tpu.memory_space<vmem_shared>>
          tpu.enqueue_indirect_dma source(%arg14 : memref<125x128xf32, #tpu.memory_space<vmem>>) target(%dma_start3A_185 : memref<10000x128xf32, #tpu.memory_space<vmem_shared>>) offsets(%dma_start3A_182 : memref<125xi32, #tpu.memory_space<vmem>>) semaphore(%run_scoped3A_179 : memref<!tpu.dma_semaphore, #tpu.memory_space<semaphore_mem>>) {add = true}
          %dma_wait3A_186 = arith.constant 0 : i32
          %dma_wait3A_187 = tpu.memref_slice %arg13[%add3A_147, %dma_wait3A_186] : memref<10x125xi32, #tpu.memory_space<vmem>> -> memref<1x125xi32, #tpu.memory_space<vmem>>
          %dma_wait3A_188 = tpu.memref_squeeze %dma_wait3A_187 : memref<1x125xi32, #tpu.memory_space<vmem>> -> memref<125xi32, #tpu.memory_space<vmem>>
          %dma_wait3A_189 = arith.constant 0 : i32
          %dma_wait3A_190 = arith.constant 0 : i32
          %dma_wait3A_191 = tpu.memref_slice %arg8[%dma_wait3A_189, %dma_wait3A_190] : memref<10000x128xf32, #tpu.memory_space<vmem_shared>> -> memref<10000x128xf32, #tpu.memory_space<vmem_shared>>
          tpu.wait_indirect_dma semaphore(%run_scoped3A_179 : memref<!tpu.dma_semaphore, #tpu.memory_space<semaphore_mem>>) src(%arg14 : memref<125x128xf32, #tpu.memory_space<vmem>>) dst(%dma_wait3A_191 : memref<10000x128xf32, #tpu.memory_space<vmem_shared>>)
          tpu.yield
        }) : () -> ()
        %add3A_162 = arith.constant 2 : i32
        %add3A_163 = arith.addi %add3A_147, %add3A_162 : i32
        %lt3A_164 = arith.constant 10 : i32
        %lt3A_165 = arith.cmpi slt, %add3A_163, %lt3A_164 : i32
        %convert_element_type3A_166 = arith.extui %lt3A_165 : i1 to i32
        %cond3A_167 = arith.constant 0 : i32
        %cond3A_168 = arith.cmpi ne, %convert_element_type3A_166, %cond3A_167 : i32
        scf.if %cond3A_168 {
          %add3A_179 = arith.constant 2 : i32
          %add3A_180 = arith.addi %add3A_147, %add3A_179 : i32
          %dma_start3A_181 = arith.constant 0 : i32
          %dma_start3A_182 = tpu.memref_slice %arg12[%add3A_180, %dma_start3A_181] : memref<10x125xi32, #tpu.memory_space<vmem>> -> memref<1x125xi32, #tpu.memory_space<vmem>>
          %dma_start3A_183 = tpu.memref_squeeze %dma_start3A_182 : memref<1x125xi32, #tpu.memory_space<vmem>> -> memref<125xi32, #tpu.memory_space<vmem>>
          %dma_start3A_184 = arith.constant 0 : i32
          %dma_start3A_185 = arith.constant 0 : i32
          %dma_start3A_186 = tpu.memref_slice %arg3[%dma_start3A_184, %dma_start3A_185] : memref<10000x128xf32, #tpu.memory_space<hbm>> -> memref<10000x128xf32, #tpu.memory_space<hbm>>
          tpu.enqueue_indirect_dma source(%dma_start3A_186 : memref<10000x128xf32, #tpu.memory_space<hbm>>) target(%arg14 : memref<125x128xf32, #tpu.memory_space<vmem>>) offsets(%dma_start3A_183 : memref<125xi32, #tpu.memory_space<vmem>>) semaphore(%arg17 : memref<!tpu.dma_semaphore, #tpu.memory_space<semaphore_mem>>)
        } else {
        }
        %add3A_169 = arith.constant 1 : i32
        %add3A_170 = arith.addi %add3A_147, %add3A_169 : i32
        %dma_wait3A_171 = arith.constant 0 : i32
        %dma_wait3A_172 = tpu.memref_slice %arg12[%add3A_170, %dma_wait3A_171] : memref<10x125xi32, #tpu.memory_space<vmem>> -> memref<1x125xi32, #tpu.memory_space<vmem>>
        %dma_wait3A_173 = tpu.memref_squeeze %dma_wait3A_172 : memref<1x125xi32, #tpu.memory_space<vmem>> -> memref<125xi32, #tpu.memory_space<vmem>>
        %dma_wait3A_174 = arith.constant 0 : i32
        %dma_wait3A_175 = arith.constant 0 : i32
        %dma_wait3A_176 = tpu.memref_slice %arg3[%dma_wait3A_174, %dma_wait3A_175] : memref<10000x128xf32, #tpu.memory_space<hbm>> -> memref<10000x128xf32, #tpu.memory_space<hbm>>
        tpu.wait_indirect_dma semaphore(%arg18 : memref<!tpu.dma_semaphore, #tpu.memory_space<semaphore_mem>>) src(%dma_wait3A_176 : memref<10000x128xf32, #tpu.memory_space<hbm>>) dst(%arg15 : memref<125x128xf32, #tpu.memory_space<vmem>>)
        %add3A_177 = arith.constant 1 : i32
        %add3A_178 = arith.addi %add3A_147, %add3A_177 : i32
        "tpu.region"() ({
          %run_scoped3A_179 = tpu.sem_alloc : memref<!tpu.dma_semaphore, #tpu.memory_space<semaphore_mem>>
          %dma_start3A_180 = arith.constant 0 : i32
          %dma_start3A_181 = tpu.memref_slice %arg13[%add3A_178, %dma_start3A_180] : memref<10x125xi32, #tpu.memory_space<vmem>> -> memref<1x125xi32, #tpu.memory_space<vmem>>
          %dma_start3A_182 = tpu.memref_squeeze %dma_start3A_181 : memref<1x125xi32, #tpu.memory_space<vmem>> -> memref<125xi32, #tpu.memory_space<vmem>>
          %dma_start3A_183 = arith.constant 0 : i32
          %dma_start3A_184 = arith.constant 0 : i32
          %dma_start3A_185 = tpu.memref_slice %arg8[%dma_start3A_183, %dma_start3A_184] : memref<10000x128xf32, #tpu.memory_space<vmem_shared>> -> memref<10000x128xf32, #tpu.memory_space<vmem_shared>>
          tpu.enqueue_indirect_dma source(%arg15 : memref<125x128xf32, #tpu.memory_space<vmem>>) target(%dma_start3A_185 : memref<10000x128xf32, #tpu.memory_space<vmem_shared>>) offsets(%dma_start3A_182 : memref<125xi32, #tpu.memory_space<vmem>>) semaphore(%run_scoped3A_179 : memref<!tpu.dma_semaphore, #tpu.memory_space<semaphore_mem>>) {add = true}
          %dma_wait3A_186 = arith.constant 0 : i32
          %dma_wait3A_187 = tpu.memref_slice %arg13[%add3A_178, %dma_wait3A_186] : memref<10x125xi32, #tpu.memory_space<vmem>> -> memref<1x125xi32, #tpu.memory_space<vmem>>
          %dma_wait3A_188 = tpu.memref_squeeze %dma_wait3A_187 : memref<1x125xi32, #tpu.memory_space<vmem>> -> memref<125xi32, #tpu.memory_space<vmem>>
          %dma_wait3A_189 = arith.constant 0 : i32
          %dma_wait3A_190 = arith.constant 0 : i32
          %dma_wait3A_191 = tpu.memref_slice %arg8[%dma_wait3A_189, %dma_wait3A_190] : memref<10000x128xf32, #tpu.memory_space<vmem_shared>> -> memref<10000x128xf32, #tpu.memory_space<vmem_shared>>
          tpu.wait_indirect_dma semaphore(%run_scoped3A_179 : memref<!tpu.dma_semaphore, #tpu.memory_space<semaphore_mem>>) src(%arg15 : memref<125x128xf32, #tpu.memory_space<vmem>>) dst(%dma_wait3A_191 : memref<10000x128xf32, #tpu.memory_space<vmem_shared>>)
          tpu.yield
        }) : () -> ()
      }
      %scan3A_142 = arith.constant 5 : i32
    }
    %scan3A_51 = arith.constant 8 : i32
    %barrier3A_52 = arith.constant 0 : index
    tpu.barrier barrier_id(%barrier3A_52)
    %run_scoped3A_53 = arith.constant 1 : i32
    "tpu.region"() ({
      %run_scoped3A_54 = tpu.sem_alloc : memref<!tpu.dma_semaphore, #tpu.memory_space<semaphore_mem>>
      %dma_start3A_55 = arith.constant 0 : i32
      %dma_start3A_56 = tpu.memref_slice %arg6[%run_scoped3A_53, %arg0, %mul3A_0, %dma_start3A_55] : memref<2x2x10000x128xf32, #tpu.memory_space<hbm>> -> memref<1x1x625x128xf32, #tpu.memory_space<hbm>>
      %dma_start3A_57 = tpu.memref_squeeze %dma_start3A_56 : memref<1x1x625x128xf32, #tpu.memory_space<hbm>> -> memref<625x128xf32, #tpu.memory_space<hbm>>
      %dma_start3A_58 = arith.constant 0 : i32
      %dma_start3A_59 = tpu.memref_slice %arg8[%mul3A_0, %dma_start3A_58] : memref<10000x128xf32, #tpu.memory_space<vmem_shared>> -> memref<625x128xf32, #tpu.memory_space<vmem_shared>>
      tpu.enqueue_dma source(%dma_start3A_59 : memref<625x128xf32, #tpu.memory_space<vmem_shared>>) target(%dma_start3A_57 : memref<625x128xf32, #tpu.memory_space<hbm>>) target_semaphore(%run_scoped3A_54 : memref<!tpu.dma_semaphore, #tpu.memory_space<semaphore_mem>>)
      %dma_wait3A = arith.constant 0 : i32
      %dma_wait3A_60 = tpu.memref_slice %arg6[%run_scoped3A_53, %arg0, %mul3A_0, %dma_wait3A] : memref<2x2x10000x128xf32, #tpu.memory_space<hbm>> -> memref<1x1x625x128xf32, #tpu.memory_space<hbm>>
      %dma_wait3A_61 = tpu.memref_squeeze %dma_wait3A_60 : memref<1x1x625x128xf32, #tpu.memory_space<hbm>> -> memref<625x128xf32, #tpu.memory_space<hbm>>
      %dma_wait3A_62 = arith.constant 0 : i32
      %dma_wait3A_63 = tpu.memref_slice %arg8[%mul3A_0, %dma_wait3A_62] : memref<10000x128xf32, #tpu.memory_space<vmem_shared>> -> memref<625x128xf32, #tpu.memory_space<vmem_shared>>
      tpu.wait_dma2 semaphore(%run_scoped3A_54 : memref<!tpu.dma_semaphore, #tpu.memory_space<semaphore_mem>>) src(%dma_wait3A_63 : memref<625x128xf32, #tpu.memory_space<vmem_shared>>) dst(%dma_wait3A_61 : memref<625x128xf32, #tpu.memory_space<hbm>>)
      tpu.yield
    }) : () -> ()
    return
  }
}

module attributes {stable_mosaic.version = 14 : i64} {
  func.func @body(%arg0: memref<10000x128xf32, #tpu.memory_space<vmem>>, %arg1: memref<10000x128xf32, #tpu.memory_space<vmem>>, %arg2: memref<128x128xf32, #tpu.memory_space<vmem>>, %arg3: memref<10000x128xf32, #tpu.memory_space<vmem>>, %arg4: memref<10000x128xf32, #tpu.memory_space<vmem>>) attributes {dimension_semantics = [], scalar_prefetch = 0 : i64, scratch_operands = 0 : i64, tpu.core_type = #tpu.core_type<tc>} {
    %get3A = arith.constant 0 : index
    %get3A_0 = arith.constant 0 : index
    %get3A_1 = vector.load %arg2[%get3A, %get3A_0] : memref<128x128xf32, #tpu.memory_space<vmem>>, vector<128x128xf32>
    %get3A_2 = arith.constant 0 : index
    %get3A_3 = arith.constant 0 : index
    %get3A_4 = vector.load %arg0[%get3A_2, %get3A_3] : memref<10000x128xf32, #tpu.memory_space<vmem>>, vector<10000x128xf32>
    %dot_general3A = arith.constant dense<0.000000e+00> : vector<10000x128xf32>
    %dot_general3A_5 = tpu.matmul %get3A_4, %get3A_1, %dot_general3A {dimension_numbers = #tpu.dot_dimension_numbers<[1], [0], [0], [1], [0, 0, 1, 1], [], []>, transpose_lhs_hint = false} : vector<10000x128xf32>, vector<128x128xf32>, vector<10000x128xf32> -> vector<10000x128xf32>
    %swap3A = arith.constant 0 : index
    %swap3A_6 = arith.constant 0 : index
    %swap3A_7 = vector.load %arg3[%swap3A, %swap3A_6] : memref<10000x128xf32, #tpu.memory_space<vmem>>, vector<10000x128xf32>
    tpu.vector_store %arg3[%swap3A, %swap3A_6], %dot_general3A_5 {strides = array<i32>} : memref<10000x128xf32, #tpu.memory_space<vmem>>, vector<10000x128xf32>,
    %get3A_8 = arith.constant 0 : index
    %get3A_9 = arith.constant 0 : index
    %get3A_10 = vector.load %arg1[%get3A_8, %get3A_9] : memref<10000x128xf32, #tpu.memory_space<vmem>>, vector<10000x128xf32>
    %dot_general3A_11 = arith.constant dense<0.000000e+00> : vector<10000x128xf32>
    %dot_general3A_12 = tpu.matmul %get3A_10, %get3A_1, %dot_general3A_11 {dimension_numbers = #tpu.dot_dimension_numbers<[1], [0], [0], [1], [0, 0, 1, 1], [], []>, transpose_lhs_hint = false} : vector<10000x128xf32>, vector<128x128xf32>, vector<10000x128xf32> -> vector<10000x128xf32>
    %swap3A_13 = arith.constant 0 : index
    %swap3A_14 = arith.constant 0 : index
    %swap3A_15 = vector.load %arg4[%swap3A_13, %swap3A_14] : memref<10000x128xf32, #tpu.memory_space<vmem>>, vector<10000x128xf32>
    tpu.vector_store %arg4[%swap3A_13, %swap3A_14], %dot_general3A_12 {strides = array<i32>} : memref<10000x128xf32, #tpu.memory_space<vmem>>, vector<10000x128xf32>,
    return
  }
}

module attributes {stable_mosaic.version = 14 : i64} {
  func.func @body(%arg0: i32, %arg1: i32, %arg2: memref<1x1x10000x128xf32, #tpu.memory_space<vmem>>, %arg3: memref<1x10000x1xf32, #tpu.memory_space<vmem>>, %arg4: memref<128x64xf32, #tpu.memory_space<vmem>>, %arg5: memref<64x1xf32, #tpu.memory_space<vmem>>, %arg6: memref<1x1x10000x128xf32, #tpu.memory_space<vmem>>, %arg7: memref<1x1x1x1xf32, #tpu.memory_space<vmem>>) attributes {dimension_semantics = [#tpu.dimension_semantics<arbitrary>, #tpu.dimension_semantics<arbitrary>], iteration_bounds = array<i64: 2, 2>, scalar_prefetch = 0 : i64, scratch_operands = 0 : i64, tpu.core_type = #tpu.core_type<tc>, window_params = [{transform_indices = @transform_0, window_bounds = array<i64: 1, 1, 10000, 128>}, {transform_indices = @transform_1, window_bounds = array<i64: 1, 10000, 1>}, {pipeline_mode = #tpu.pipeline_mode<synchronous>, transform_indices = @transform_2, window_bounds = array<i64: 128, 64>}, {pipeline_mode = #tpu.pipeline_mode<synchronous>, transform_indices = @transform_3, window_bounds = array<i64: 64, 1>}, {transform_indices = @transform_4, window_bounds = array<i64: 1, 1, 10000, 128>}, {transform_indices = @transform_5, window_bounds = array<i64: 1, 1, 1, 1>}]} {
    %get3A = arith.constant 0 : index
    %get3A_0 = arith.constant 0 : index
    %get3A_1 = arith.constant 0 : index
    %get3A_2 = vector.load %arg3[%get3A, %get3A_0, %get3A_1] : memref<1x10000x1xf32, #tpu.memory_space<vmem>>, vector<1x10000x1xf32>
    %get3A_3 = vector.shape_cast %get3A_2 : vector<1x10000x1xf32> to vector<10000x1xf32>
    %div3A = arith.constant 1.000000e+00 : f32
    %div3A_4 = vector.broadcast %div3A : f32 to vector<10000x1xf32>
    %div3A_5 = arith.divf %div3A_4, %get3A_3 : vector<10000x1xf32>
    %get3A_6 = arith.constant 0 : index
    %get3A_7 = arith.constant 0 : index
    %get3A_8 = arith.constant 0 : index
    %get3A_9 = arith.constant 0 : index
    %get3A_10 = vector.load %arg2[%get3A_6, %get3A_7, %get3A_8, %get3A_9] : memref<1x1x10000x128xf32, #tpu.memory_space<vmem>>, vector<1x1x10000x128xf32>
    %get3A_11 = vector.shape_cast %get3A_10 : vector<1x1x10000x128xf32> to vector<10000x128xf32>
    %mul3A = vector.broadcast %div3A_5 : vector<10000x1xf32> to vector<10000x128xf32>
    %mul3A_12 = arith.mulf %get3A_11, %mul3A : vector<10000x128xf32>
    %max3A = arith.constant 0.000000e+00 : f32
    %max3A_13 = vector.broadcast %max3A : f32 to vector<10000x128xf32>
    %max3A_14 = arith.maximumf %mul3A_12, %max3A_13 : vector<10000x128xf32>
    %swap3A = arith.constant 0 : index
    %swap3A_15 = arith.constant 0 : index
    %swap3A_16 = arith.constant 0 : index
    %swap3A_17 = arith.constant 0 : index
    %swap3A_18 = vector.load %arg6[%swap3A, %swap3A_15, %swap3A_16, %swap3A_17] : memref<1x1x10000x128xf32, #tpu.memory_space<vmem>>, vector<1x1x10000x128xf32>
    %swap3A_19 = vector.shape_cast %swap3A_18 : vector<1x1x10000x128xf32> to vector<10000x128xf32>
    %swap3A_20 = vector.shape_cast %max3A_14 : vector<10000x128xf32> to vector<1x1x10000x128xf32>
    tpu.vector_store %arg6[%swap3A, %swap3A_15, %swap3A_16, %swap3A_17], %swap3A_20 {strides = array<i32>} : memref<1x1x10000x128xf32, #tpu.memory_space<vmem>>, vector<1x1x10000x128xf32>,
    %get3A_21 = arith.constant 0 : index
    %get3A_22 = arith.constant 0 : index
    %get3A_23 = vector.load %arg4[%get3A_21, %get3A_22] : memref<128x64xf32, #tpu.memory_space<vmem>>, vector<128x64xf32>
    %dot_general3A = arith.constant dense<0.000000e+00> : vector<10000x64xf32>
    %dot_general3A_24 = tpu.matmul %max3A_14, %get3A_23, %dot_general3A {dimension_numbers = #tpu.dot_dimension_numbers<[1], [0], [0], [1], [0, 0, 1, 1], [], []>, transpose_lhs_hint = false} : vector<10000x128xf32>, vector<128x64xf32>, vector<10000x64xf32> -> vector<10000x64xf32>
    %tanh3A = math.tanh %dot_general3A_24 : vector<10000x64xf32>
    %get3A_25 = arith.constant 0 : index
    %get3A_26 = arith.constant 0 : index
    %get3A_27 = vector.load %arg5[%get3A_25, %get3A_26] : memref<64x1xf32, #tpu.memory_space<vmem>>, vector<64x1xf32>
    %dot_general3A_28 = arith.constant dense<0.000000e+00> : vector<10000x1xf32>
    %dot_general3A_29 = tpu.matmul %tanh3A, %get3A_27, %dot_general3A_28 {dimension_numbers = #tpu.dot_dimension_numbers<[1], [0], [0], [1], [0, 0, 1, 1], [], []>, transpose_lhs_hint = false} : vector<10000x64xf32>, vector<64x1xf32>, vector<10000x1xf32> -> vector<10000x1xf32>
    %reduce_sum3A = arith.constant dense<0.000000e+00> : vector<1xf32>
    %reduce_sum3A_30 = vector.multi_reduction <add>, %dot_general3A_29, %reduce_sum3A [0] : vector<10000x1xf32> to vector<1xf32>
    %broadcast_in_dim3A = vector.shape_cast %reduce_sum3A_30 : vector<1xf32> to vector<1x1xf32>
    %div3A_31 = arith.constant 1.000000e+04 : f32
    %div3A_32 = vector.broadcast %div3A_31 : f32 to vector<1x1xf32>
    %div3A_33 = arith.divf %broadcast_in_dim3A, %div3A_32 : vector<1x1xf32>
    %swap3A_34 = arith.constant 0 : index
    %swap3A_35 = arith.constant 0 : index
    %swap3A_36 = arith.constant 0 : index
    %swap3A_37 = arith.constant 0 : index
    %swap3A_38 = vector.load %arg7[%swap3A_34, %swap3A_35, %swap3A_36, %swap3A_37] : memref<1x1x1x1xf32, #tpu.memory_space<vmem>>, vector<1x1x1x1xf32>
    %swap3A_39 = vector.shape_cast %swap3A_38 : vector<1x1x1x1xf32> to vector<1x1xf32>
    %swap3A_40 = vector.shape_cast %div3A_33 : vector<1x1xf32> to vector<1x1x1x1xf32>
    tpu.vector_store %arg7[%swap3A_34, %swap3A_35, %swap3A_36, %swap3A_37], %swap3A_40 {strides = array<i32>} : memref<1x1x1x1xf32, #tpu.memory_space<vmem>>, vector<1x1x1x1xf32>,
    return
  }
  func.func @transform_0(%arg0: i32, %arg1: i32) -> (i32, i32, i32, i32) {
    %c0_i32 = arith.constant 0 : i32
    %c0_i32_0 = arith.constant 0 : i32
    %c0_i32_1 = arith.constant 0 : i32
    return %arg0, %arg1, %c0_i32, %c0_i32_0 : i32, i32, i32, i32
  }
  func.func @transform_1(%arg0: i32, %arg1: i32) -> (i32, i32, i32) {
    %c0_i32 = arith.constant 0 : i32
    %c0_i32_0 = arith.constant 0 : i32
    %c0_i32_1 = arith.constant 0 : i32
    return %arg1, %c0_i32, %c0_i32_0 : i32, i32, i32
  }
  func.func @transform_2(%arg0: i32, %arg1: i32) -> (i32, i32) {
    %c0_i32 = arith.constant 0 : i32
    %c0_i32_0 = arith.constant 0 : i32
    %c0_i32_1 = arith.constant 0 : i32
    return %c0_i32, %c0_i32_0 : i32, i32
  }
  func.func @transform_3(%arg0: i32, %arg1: i32) -> (i32, i32) {
    %c0_i32 = arith.constant 0 : i32
    %c0_i32_0 = arith.constant 0 : i32
    %c0_i32_1 = arith.constant 0 : i32
    return %c0_i32, %c0_i32_0 : i32, i32
  }
  func.func @transform_4(%arg0: i32, %arg1: i32) -> (i32, i32, i32, i32) {
    %c0_i32 = arith.constant 0 : i32
    %c0_i32_0 = arith.constant 0 : i32
    %c0_i32_1 = arith.constant 0 : i32
    return %arg0, %arg1, %c0_i32, %c0_i32_0 : i32, i32, i32, i32
  }
  func.func @transform_5(%arg0: i32, %arg1: i32) -> (i32, i32, i32, i32) {
    %c0_i32 = arith.constant 0 : i32
    %c0_i32_0 = arith.constant 0 : i32
    %c0_i32_1 = arith.constant 0 : i32
    return %arg0, %arg1, %c0_i32, %c0_i32_0 : i32, i32, i32, i32
  }
}

module attributes {stable_mosaic.version = 14 : i64} {
  func.func @body(%arg0: memref<2x2x10000x128xf32, #tpu.memory_space<vmem>>, %arg1: memref<2x2x1x1xf32, #tpu.memory_space<vmem>>, %arg2: memref<32x128xf32, #tpu.memory_space<vmem>>, %arg3: memref<1x1xf32, #tpu.memory_space<vmem>>, %arg4: memref<10000x128xf32, #tpu.memory_space<vmem>>, %arg5: memref<10000x128xf32, #tpu.memory_space<vmem>>, %arg6: memref<1x128xf32, #tpu.memory_space<vmem>>, %arg7: memref<32x128xf32, #tpu.memory_space<vmem>>, %arg8: memref<10000x32xf32, #tpu.memory_space<vmem>>, %arg9: memref<10000x32xf32, #tpu.memory_space<vmem>>) attributes {dimension_semantics = [], scalar_prefetch = 0 : i64, scratch_operands = 0 : i64, tpu.core_type = #tpu.core_type<tc>} {
    %get3A = arith.constant 0 : index
    %get3A_0 = arith.constant 0 : index
    %get3A_1 = arith.constant 0 : index
    %get3A_2 = arith.constant 0 : index
    %get3A_3 = vector.load %arg1[%get3A, %get3A_0, %get3A_1, %get3A_2] : memref<2x2x1x1xf32, #tpu.memory_space<vmem>>, vector<1x1x1x1xf32>
    %get3A_4 = vector.shape_cast %get3A_3 : vector<1x1x1x1xf32> to vector<1x1xf32>
    %get3A_5 = arith.constant 0 : index
    %get3A_6 = arith.constant 1 : index
    %get3A_7 = arith.constant 0 : index
    %get3A_8 = arith.constant 0 : index
    %get3A_9 = vector.load %arg1[%get3A_5, %get3A_6, %get3A_7, %get3A_8] : memref<2x2x1x1xf32, #tpu.memory_space<vmem>>, vector<1x1x1x1xf32>
    %get3A_10 = vector.shape_cast %get3A_9 : vector<1x1x1x1xf32> to vector<1x1xf32>
    %max3A = arith.maximumf %get3A_4, %get3A_10 : vector<1x1xf32>
    %sub3A = arith.subf %get3A_4, %max3A : vector<1x1xf32>
    %exp3A = math.exp %sub3A : vector<1x1xf32>
    %sub3A_11 = arith.subf %get3A_10, %max3A : vector<1x1xf32>
    %exp3A_12 = math.exp %sub3A_11 : vector<1x1xf32>
    %get3A_13 = arith.constant 0 : index
    %get3A_14 = arith.constant 0 : index
    %get3A_15 = arith.constant 0 : index
    %get3A_16 = arith.constant 0 : index
    %get3A_17 = vector.load %arg0[%get3A_13, %get3A_14, %get3A_15, %get3A_16] : memref<2x2x10000x128xf32, #tpu.memory_space<vmem>>, vector<1x1x10000x128xf32>
    %get3A_18 = vector.shape_cast %get3A_17 : vector<1x1x10000x128xf32> to vector<10000x128xf32>
    %mul3A = vector.broadcast %exp3A : vector<1x1xf32> to vector<10000x128xf32>
    %mul3A_19 = arith.mulf %mul3A, %get3A_18 : vector<10000x128xf32>
    %get3A_20 = arith.constant 0 : index
    %get3A_21 = arith.constant 1 : index
    %get3A_22 = arith.constant 0 : index
    %get3A_23 = arith.constant 0 : index
    %get3A_24 = vector.load %arg0[%get3A_20, %get3A_21, %get3A_22, %get3A_23] : memref<2x2x10000x128xf32, #tpu.memory_space<vmem>>, vector<1x1x10000x128xf32>
    %get3A_25 = vector.shape_cast %get3A_24 : vector<1x1x10000x128xf32> to vector<10000x128xf32>
    %mul3A_26 = vector.broadcast %exp3A_12 : vector<1x1xf32> to vector<10000x128xf32>
    %mul3A_27 = arith.mulf %mul3A_26, %get3A_25 : vector<10000x128xf32>
    %add3A = arith.addf %mul3A_19, %mul3A_27 : vector<10000x128xf32>
    %add3A_28 = arith.addf %exp3A, %exp3A_12 : vector<1x1xf32>
    %div3A = vector.broadcast %add3A_28 : vector<1x1xf32> to vector<10000x128xf32>
    %div3A_29 = arith.divf %add3A, %div3A : vector<10000x128xf32>
    %swap3A = arith.constant 0 : index
    %swap3A_30 = arith.constant 0 : index
    %swap3A_31 = vector.load %arg4[%swap3A, %swap3A_30] : memref<10000x128xf32, #tpu.memory_space<vmem>>, vector<10000x128xf32>
    tpu.vector_store %arg4[%swap3A, %swap3A_30], %div3A_29 {strides = array<i32>} : memref<10000x128xf32, #tpu.memory_space<vmem>>, vector<10000x128xf32>,
    %reduce_sum3A = arith.constant dense<0.000000e+00> : vector<128xf32>
    %reduce_sum3A_32 = vector.multi_reduction <add>, %div3A_29, %reduce_sum3A [0] : vector<10000x128xf32> to vector<128xf32>
    %broadcast_in_dim3A = vector.shape_cast %reduce_sum3A_32 : vector<128xf32> to vector<1x128xf32>
    %div3A_33 = arith.constant 1.000000e+04 : f32
    %div3A_34 = vector.broadcast %div3A_33 : f32 to vector<1x128xf32>
    %div3A_35 = arith.divf %broadcast_in_dim3A, %div3A_34 : vector<1x128xf32>
    %logistic3A = arith.negf %div3A_35 : vector<1x128xf32>
    %logistic3A_36 = math.exp %logistic3A : vector<1x128xf32>
    %logistic3A_37 = arith.constant 1.000000e+00 : f32
    %logistic3A_38 = vector.broadcast %logistic3A_37 : f32 to vector<1x128xf32>
    %logistic3A_39 = arith.addf %logistic3A_38, %logistic3A_36 : vector<1x128xf32>
    %logistic3A_40 = arith.divf %logistic3A_38, %logistic3A_39 : vector<1x128xf32>
    %swap3A_41 = arith.constant 0 : index
    %swap3A_42 = arith.constant 0 : index
    %swap3A_43 = vector.load %arg6[%swap3A_41, %swap3A_42] : memref<1x128xf32, #tpu.memory_space<vmem>>, vector<1x128xf32>
    tpu.vector_store %arg6[%swap3A_41, %swap3A_42], %logistic3A_40 {strides = array<i32>} : memref<1x128xf32, #tpu.memory_space<vmem>>, vector<1x128xf32>,
    %get3A_44 = arith.constant 1 : index
    %get3A_45 = arith.constant 0 : index
    %get3A_46 = arith.constant 0 : index
    %get3A_47 = arith.constant 0 : index
    %get3A_48 = vector.load %arg1[%get3A_44, %get3A_45, %get3A_46, %get3A_47] : memref<2x2x1x1xf32, #tpu.memory_space<vmem>>, vector<1x1x1x1xf32>
    %get3A_49 = vector.shape_cast %get3A_48 : vector<1x1x1x1xf32> to vector<1x1xf32>
    %get3A_50 = arith.constant 1 : index
    %get3A_51 = arith.constant 1 : index
    %get3A_52 = arith.constant 0 : index
    %get3A_53 = arith.constant 0 : index
    %get3A_54 = vector.load %arg1[%get3A_50, %get3A_51, %get3A_52, %get3A_53] : memref<2x2x1x1xf32, #tpu.memory_space<vmem>>, vector<1x1x1x1xf32>
    %get3A_55 = vector.shape_cast %get3A_54 : vector<1x1x1x1xf32> to vector<1x1xf32>
    %max3A_56 = arith.maximumf %get3A_49, %get3A_55 : vector<1x1xf32>
    %sub3A_57 = arith.subf %get3A_49, %max3A_56 : vector<1x1xf32>
    %exp3A_58 = math.exp %sub3A_57 : vector<1x1xf32>
    %sub3A_59 = arith.subf %get3A_55, %max3A_56 : vector<1x1xf32>
    %exp3A_60 = math.exp %sub3A_59 : vector<1x1xf32>
    %get3A_61 = arith.constant 1 : index
    %get3A_62 = arith.constant 0 : index
    %get3A_63 = arith.constant 0 : index
    %get3A_64 = arith.constant 0 : index
    %get3A_65 = vector.load %arg0[%get3A_61, %get3A_62, %get3A_63, %get3A_64] : memref<2x2x10000x128xf32, #tpu.memory_space<vmem>>, vector<1x1x10000x128xf32>
    %get3A_66 = vector.shape_cast %get3A_65 : vector<1x1x10000x128xf32> to vector<10000x128xf32>
    %mul3A_67 = vector.broadcast %exp3A_58 : vector<1x1xf32> to vector<10000x128xf32>
    %mul3A_68 = arith.mulf %mul3A_67, %get3A_66 : vector<10000x128xf32>
    %get3A_69 = arith.constant 1 : index
    %get3A_70 = arith.constant 1 : index
    %get3A_71 = arith.constant 0 : index
    %get3A_72 = arith.constant 0 : index
    %get3A_73 = vector.load %arg0[%get3A_69, %get3A_70, %get3A_71, %get3A_72] : memref<2x2x10000x128xf32, #tpu.memory_space<vmem>>, vector<1x1x10000x128xf32>
    %get3A_74 = vector.shape_cast %get3A_73 : vector<1x1x10000x128xf32> to vector<10000x128xf32>
    %mul3A_75 = vector.broadcast %exp3A_60 : vector<1x1xf32> to vector<10000x128xf32>
    %mul3A_76 = arith.mulf %mul3A_75, %get3A_74 : vector<10000x128xf32>
    %add3A_77 = arith.addf %mul3A_68, %mul3A_76 : vector<10000x128xf32>
    %add3A_78 = arith.addf %exp3A_58, %exp3A_60 : vector<1x1xf32>
    %div3A_79 = vector.broadcast %add3A_78 : vector<1x1xf32> to vector<10000x128xf32>
    %div3A_80 = arith.divf %add3A_77, %div3A_79 : vector<10000x128xf32>
    %swap3A_81 = arith.constant 0 : index
    %swap3A_82 = arith.constant 0 : index
    %swap3A_83 = vector.load %arg5[%swap3A_81, %swap3A_82] : memref<10000x128xf32, #tpu.memory_space<vmem>>, vector<10000x128xf32>
    tpu.vector_store %arg5[%swap3A_81, %swap3A_82], %div3A_80 {strides = array<i32>} : memref<10000x128xf32, #tpu.memory_space<vmem>>, vector<10000x128xf32>,
    %get3A_84 = arith.constant 0 : index
    %get3A_85 = arith.constant 0 : index
    %get3A_86 = vector.load %arg3[%get3A_84, %get3A_85] : memref<1x1xf32, #tpu.memory_space<vmem>>, vector<1x1xf32>
    %mul3A_87 = arith.mulf %div3A_29, %div3A_29 : vector<10000x128xf32>
    %reduce_sum3A_88 = arith.constant dense<0.000000e+00> : vector<10000xf32>
    %reduce_sum3A_89 = vector.multi_reduction <add>, %mul3A_87, %reduce_sum3A_88 [1] : vector<10000x128xf32> to vector<10000xf32>
    %broadcast_in_dim3A_90 = vector.shape_cast %reduce_sum3A_89 : vector<10000xf32> to vector<10000x1xf32>
    %rsqrt3A = math.rsqrt %broadcast_in_dim3A_90 : vector<10000x1xf32>
    %mul3A_91 = vector.broadcast %rsqrt3A : vector<10000x1xf32> to vector<10000x128xf32>
    %mul3A_92 = arith.mulf %div3A_29, %mul3A_91 : vector<10000x128xf32>
    %broadcast_in_dim3A_93 = arith.constant 1.000000e+00 : f32
    %broadcast_in_dim3A_94 = vector.broadcast %broadcast_in_dim3A_93 : f32 to vector<10000x1xf32>
    %get3A_95 = arith.constant 0 : index
    %get3A_96 = arith.constant 0 : index
    %get3A_97 = vector.load %arg2[%get3A_95, %get3A_96] : memref<32x128xf32, #tpu.memory_space<vmem>>, vector<32x128xf32>
    %dot_general3A = arith.constant dense<0.000000e+00> : vector<10000x32xf32>
    %dot_general3A_98 = tpu.matmul %mul3A_92, %get3A_97, %dot_general3A {dimension_numbers = #tpu.dot_dimension_numbers<[1], [1], [0], [0], [0, 0, 1, 0], [], []>, transpose_lhs_hint = false} : vector<10000x128xf32>, vector<32x128xf32>, vector<10000x32xf32> -> vector<10000x32xf32>
    %mul3A_99 = vector.broadcast %get3A_86 : vector<1x1xf32> to vector<10000x32xf32>
    %mul3A_100 = arith.mulf %mul3A_99, %dot_general3A_98 : vector<10000x32xf32>
    %reduce_max3A = arith.constant dense<0xFF800000> : vector<10000xf32>
    %reduce_max3A_101 = vector.multi_reduction <maximumf>, %mul3A_100, %reduce_max3A [1] : vector<10000x32xf32> to vector<10000xf32>
    %broadcast_in_dim3A_102 = vector.shape_cast %reduce_max3A_101 : vector<10000xf32> to vector<10000x1xf32>
    %sub3A_103 = vector.broadcast %broadcast_in_dim3A_102 : vector<10000x1xf32> to vector<10000x32xf32>
    %sub3A_104 = arith.subf %mul3A_100, %sub3A_103 : vector<10000x32xf32>
    %exp3A_105 = math.exp %sub3A_104 : vector<10000x32xf32>
    %reduce_sum3A_106 = arith.constant dense<0.000000e+00> : vector<10000xf32>
    %reduce_sum3A_107 = vector.multi_reduction <add>, %exp3A_105, %reduce_sum3A_106 [1] : vector<10000x32xf32> to vector<10000xf32>
    %broadcast_in_dim3A_108 = vector.shape_cast %reduce_sum3A_107 : vector<10000xf32> to vector<10000x1xf32>
    %div3A_109 = vector.broadcast %broadcast_in_dim3A_108 : vector<10000x1xf32> to vector<10000x32xf32>
    %div3A_110 = arith.divf %exp3A_105, %div3A_109 : vector<10000x32xf32>
    %dot_general3A_111 = arith.constant dense<0.000000e+00> : vector<32x128xf32>
    %dot_general3A_112 = tpu.matmul %div3A_110, %mul3A_92, %dot_general3A_111 {dimension_numbers = #tpu.dot_dimension_numbers<[0], [0], [1], [1], [0, 1, 1, 1], [], []>, transpose_lhs_hint = false} : vector<10000x32xf32>, vector<10000x128xf32>, vector<32x128xf32> -> vector<32x128xf32>
    %dot_general3A_113 = arith.constant dense<0.000000e+00> : vector<32x1xf32>
    %dot_general3A_114 = tpu.matmul %div3A_110, %broadcast_in_dim3A_94, %dot_general3A_113 {dimension_numbers = #tpu.dot_dimension_numbers<[0], [0], [1], [1], [0, 1, 1, 1], [], []>, transpose_lhs_hint = false} : vector<10000x32xf32>, vector<10000x1xf32>, vector<32x1xf32> -> vector<32x1xf32>
    %div3A_115 = vector.broadcast %dot_general3A_114 : vector<32x1xf32> to vector<32x128xf32>
    %div3A_116 = arith.divf %dot_general3A_112, %div3A_115 : vector<32x128xf32>
    %dot_general3A_117 = arith.constant dense<0.000000e+00> : vector<10000x32xf32>
    %dot_general3A_118 = tpu.matmul %mul3A_92, %div3A_116, %dot_general3A_117 {dimension_numbers = #tpu.dot_dimension_numbers<[1], [1], [0], [0], [0, 0, 1, 0], [], []>, transpose_lhs_hint = false} : vector<10000x128xf32>, vector<32x128xf32>, vector<10000x32xf32> -> vector<10000x32xf32>
    %mul3A_119 = vector.broadcast %get3A_86 : vector<1x1xf32> to vector<10000x32xf32>
    %mul3A_120 = arith.mulf %mul3A_119, %dot_general3A_118 : vector<10000x32xf32>
    %reduce_max3A_121 = arith.constant dense<0xFF800000> : vector<10000xf32>
    %reduce_max3A_122 = vector.multi_reduction <maximumf>, %mul3A_120, %reduce_max3A_121 [1] : vector<10000x32xf32> to vector<10000xf32>
    %broadcast_in_dim3A_123 = vector.shape_cast %reduce_max3A_122 : vector<10000xf32> to vector<10000x1xf32>
    %sub3A_124 = vector.broadcast %broadcast_in_dim3A_123 : vector<10000x1xf32> to vector<10000x32xf32>
    %sub3A_125 = arith.subf %mul3A_120, %sub3A_124 : vector<10000x32xf32>
    %exp3A_126 = math.exp %sub3A_125 : vector<10000x32xf32>
    %reduce_sum3A_127 = arith.constant dense<0.000000e+00> : vector<10000xf32>
    %reduce_sum3A_128 = vector.multi_reduction <add>, %exp3A_126, %reduce_sum3A_127 [1] : vector<10000x32xf32> to vector<10000xf32>
    %broadcast_in_dim3A_129 = vector.shape_cast %reduce_sum3A_128 : vector<10000xf32> to vector<10000x1xf32>
    %div3A_130 = vector.broadcast %broadcast_in_dim3A_129 : vector<10000x1xf32> to vector<10000x32xf32>
    %div3A_131 = arith.divf %exp3A_126, %div3A_130 : vector<10000x32xf32>
    %dot_general3A_132 = arith.constant dense<0.000000e+00> : vector<32x128xf32>
    %dot_general3A_133 = tpu.matmul %div3A_131, %mul3A_92, %dot_general3A_132 {dimension_numbers = #tpu.dot_dimension_numbers<[0], [0], [1], [1], [0, 1, 1, 1], [], []>, transpose_lhs_hint = false} : vector<10000x32xf32>, vector<10000x128xf32>, vector<32x128xf32> -> vector<32x128xf32>
    %dot_general3A_134 = arith.constant dense<0.000000e+00> : vector<32x1xf32>
    %dot_general3A_135 = tpu.matmul %div3A_131, %broadcast_in_dim3A_94, %dot_general3A_134 {dimension_numbers = #tpu.dot_dimension_numbers<[0], [0], [1], [1], [0, 1, 1, 1], [], []>, transpose_lhs_hint = false} : vector<10000x32xf32>, vector<10000x1xf32>, vector<32x1xf32> -> vector<32x1xf32>
    %div3A_136 = vector.broadcast %dot_general3A_135 : vector<32x1xf32> to vector<32x128xf32>
    %div3A_137 = arith.divf %dot_general3A_133, %div3A_136 : vector<32x128xf32>
    %dot_general3A_138 = arith.constant dense<0.000000e+00> : vector<10000x32xf32>
    %dot_general3A_139 = tpu.matmul %mul3A_92, %div3A_137, %dot_general3A_138 {dimension_numbers = #tpu.dot_dimension_numbers<[1], [1], [0], [0], [0, 0, 1, 0], [], []>, transpose_lhs_hint = false} : vector<10000x128xf32>, vector<32x128xf32>, vector<10000x32xf32> -> vector<10000x32xf32>
    %mul3A_140 = vector.broadcast %get3A_86 : vector<1x1xf32> to vector<10000x32xf32>
    %mul3A_141 = arith.mulf %mul3A_140, %dot_general3A_139 : vector<10000x32xf32>
    %reduce_max3A_142 = arith.constant dense<0xFF800000> : vector<10000xf32>
    %reduce_max3A_143 = vector.multi_reduction <maximumf>, %mul3A_141, %reduce_max3A_142 [1] : vector<10000x32xf32> to vector<10000xf32>
    %broadcast_in_dim3A_144 = vector.shape_cast %reduce_max3A_143 : vector<10000xf32> to vector<10000x1xf32>
    %sub3A_145 = vector.broadcast %broadcast_in_dim3A_144 : vector<10000x1xf32> to vector<10000x32xf32>
    %sub3A_146 = arith.subf %mul3A_141, %sub3A_145 : vector<10000x32xf32>
    %exp3A_147 = math.exp %sub3A_146 : vector<10000x32xf32>
    %reduce_sum3A_148 = arith.constant dense<0.000000e+00> : vector<10000xf32>
    %reduce_sum3A_149 = vector.multi_reduction <add>, %exp3A_147, %reduce_sum3A_148 [1] : vector<10000x32xf32> to vector<10000xf32>
    %broadcast_in_dim3A_150 = vector.shape_cast %reduce_sum3A_149 : vector<10000xf32> to vector<10000x1xf32>
    %div3A_151 = vector.broadcast %broadcast_in_dim3A_150 : vector<10000x1xf32> to vector<10000x32xf32>
    %div3A_152 = arith.divf %exp3A_147, %div3A_151 : vector<10000x32xf32>
    %swap3A_153 = arith.constant 0 : index
    %swap3A_154 = arith.constant 0 : index
    %swap3A_155 = vector.load %arg7[%swap3A_153, %swap3A_154] : memref<32x128xf32, #tpu.memory_space<vmem>>, vector<32x128xf32>
    tpu.vector_store %arg7[%swap3A_153, %swap3A_154], %div3A_137 {strides = array<i32>} : memref<32x128xf32, #tpu.memory_space<vmem>>, vector<32x128xf32>,
    %swap3A_156 = arith.constant 0 : index
    %swap3A_157 = arith.constant 0 : index
    %swap3A_158 = vector.load %arg8[%swap3A_156, %swap3A_157] : memref<10000x32xf32, #tpu.memory_space<vmem>>, vector<10000x32xf32>
    tpu.vector_store %arg8[%swap3A_156, %swap3A_157], %div3A_152 {strides = array<i32>} : memref<10000x32xf32, #tpu.memory_space<vmem>>, vector<10000x32xf32>,
    %swap3A_159 = arith.constant 0 : index
    %swap3A_160 = arith.constant 0 : index
    %swap3A_161 = vector.load %arg9[%swap3A_159, %swap3A_160] : memref<10000x32xf32, #tpu.memory_space<vmem>>, vector<10000x32xf32>
    tpu.vector_store %arg9[%swap3A_159, %swap3A_160], %dot_general3A_139 {strides = array<i32>} : memref<10000x32xf32, #tpu.memory_space<vmem>>, vector<10000x32xf32>,
    return
  }
}

</mosaic_0001>

<sc_bundles>
// kernel: kernel.6.cloned.1.call-start
scs
__scs_entry_jumppad:
0x0: {  	(pc) =	sbr.rel $0x88, $3  }
0x1: {  	(tag) =	ssettag $0x0;
	lr =	simm.s32 $0x1  }
0x2: {  	[smem:$0x3F9A] =	sst lr;
	_ =	strace $0xD0000000  }
0x3: {  	_ = 	snop  }
0x4: {  	_ = 	snop  }
0x5: {  	_ = 	snop  }
0x6: {  	_ = 	snop  }
0x7: {  	_ = 	snop  }
__scs_overlays_trampoline_lowered:
0x8: {  	[smem:$0x3FA9] =	sst s0  }
0x9: {  	[smem:$0x3FAA] =	sst s1  }
0xa: {  	[smem:$0x3FAB] =	sst s2  }
0xb: {  	[smem:$0x3FAC] =	sst s3  }
0xc: {  	[smem:$0x3FAD] =	sst s4  }
0xd: {  	[smem:$0x3FAE] =	sst s5  }
0xe: {  	[smem:$0x3FAF] =	sst s6  }
0xf: {  	[smem:$0x3FB0] =	sst s7  }
0x10: {  	[smem:$0x3FB1] =	sst s8  }
0x11: {  	[smem:$0x3FB2] =	sst s9;
	s0 =	simm.s32 @!p0 $0x0  }
0x12: {  	s1 =	sld [smem:$0x3F98];
	s0 =	simm.s32 @p0 $0x1  }
0x13: {  	[smem:$0x3FB3] =	sst s0;
	s0 =	simm.s32 @!p1 $0x0  }
0x14: {  	s2 =	sld [smem:$0x3F97];
	s0 =	simm.s32 @p1 $0x1  }
0x15: {  	[smem:$0x3FB4] =	sst s0;
	s0 =	simm.s32 @!p2 $0x0  }
0x16: {  	s3 =	sld [smem:$0x3FDB];
	s0 =	simm.s32 @p2 $0x1  }
0x17: {  	s4 =	simm.s32 $0x1BF5;
	[smem:$0x3FB6] =	sst s0  }
0x18: {  	s0 =	sld [smem:$0x3F99];
	_ =	swait.ge [sflag:s4], $0x0  }
0x19: {  	s7 =	sld [smem:$0x3F9A]  }
0x1a: {  	s8 =	sadd.s32 $0xFFFFE003, lr  }
0x1b: {  	s9 =	sadd.s32 $0xFFFFFEF7, lr;
	s5 =	simm.s32 $0xFFFFFFFF;
	p2 =	slt.u32 s8, $0xFFFFF086  }
0x1c: {  	p1 =	slt.u32 s9, $0xF7A;
	s5 =	simm.s32 @!p2 $0x0  }
0x1d: {  	s5 =	simm.s32 @p1 $0x1;
	p0 =	seq.s32 s7, s2  }
0x1e: {  	s7 =	smul.u32 @!p0 $0xF7A, s2;
	p2 =	seq.s32 @!p0 s5, $0x0  }
0x1f: {  	s9 =	smul.u32 $0xF7A, s1;
	s8 =	simm.s32 @!p0 $0x1BF5;
	p2 =	por !p2, p0  }
0x20: {  	[sflag:s8] =	ssyncset.s32 @!p0 $0xFFFFF086;
	s6 =	sadd.s32 @!p0 s3, s7;
	s7 =	simm.s32 @!p0 $0x108  }
0x21: {  	s3 =	sadd.s32 s3, s9;
	s6 =	sadd.s32 @!p0 $0x88, s6;
	s7 =	simm.s32 @p2 $0x1082  }
0x22: {  	[simem:s7], [sflag:s8] =	dma.local @!p0 [hbm:s6], $0xF7A  }
0x23: {  	s9 =	sor.u32 $0xD0000000, s2;
	s6 =	simm.s32 $0x108;
	_ =	swait.ge @!p0 [sflag:s8], $0x0  }
0x24: {  	s3 =	sadd.s32 $0x88, s3;
	s6 =	simm.s32 @!p1 $0x1082;
	[sflag:s4] =	ssyncset.s32 $0xFFFFF086  }
0x25: {  	[simem:s6], [sflag:s4] =	dma.local [hbm:s3], $0xF7A  }
0x26: {  	[smem:$0x3F9A] =	sst s1;
	(tag) =	ssettag s2;
	_ =	strace s9  }
0x27: {  	s1 =	sld [smem:$0x3FAA]  }
0x28: {  	s2 =	sld [smem:$0x3FAB]  }
0x29: {  	s4 =	sld [smem:$0x3FAD]  }
0x2a: {  	p0 =	seq.s32 s5, $0x0;
	s5 =	sld [smem:$0x3FAE]  }
0x2b: {  	s6 =	sld [smem:$0x3FAF]  }
0x2c: {  	s7 =	sld [smem:$0x3FB0]  }
0x2d: {  	s3 =	simm.s32 $0x108;
	s8 =	sld [smem:$0x3FB1]  }
0x2e: {  	s3 =	simm.s32 @!p0 $0x1082;
	s9 =	sld [smem:$0x3FB2]  }
0x2f: {  	lr =	sadd.s32 s0, s3;
	s0 =	sld [smem:$0x3FA9]  }
0x30: {  	s3 =	sld [smem:$0x3FAC]  }
0x31: {  	[smem:$0x3FB5] =	sst s10  }
0x32: {  	s10 =	sld [smem:$0x3FB3];
	_ =	sdelay $0x3  }
0x33: {  	p0 =	seq.s32 s10, $0x1;
	s10 =	sld [smem:$0x3FB5];
	_ =	sdelay $0x3  }
0x34: {  	[smem:$0x3FB5] =	sst s10  }
0x35: {  	s10 =	sld [smem:$0x3FB4];
	_ =	sdelay $0x3  }
0x36: {  	p1 =	seq.s32 s10, $0x1;
	s10 =	sld [smem:$0x3FB5];
	_ =	sdelay $0x3  }
0x37: {  	[smem:$0x3FB5] =	sst s10  }
0x38: {  	s10 =	sld [smem:$0x3FB6]  }
0x39: {  	_ = 	snop;
	(pc) =	sbr.ind lr, $3  }
0x3a: {  	_ = 	snop  }
0x3b: {  	_ = 	snop  }
0x3c: {  	p2 =	seq.s32 s10, $0x1;
	s10 =	sld [smem:$0x3FB5]  }
0x3d: {  	_ =	shalt  }
0x3e: {  	_ =	shalt  }
0x3f: {  	_ =	shalt  }
0x40: {  	_ =	shalt  }
0x41: {  	_ =	shalt  }
0x42: {  	_ =	shalt  }
0x43: {  	_ =	shalt  }
0x44: {  	_ =	shalt  }
0x45: {  	_ =	shalt  }
0x46: {  	_ =	shalt  }
0x47: {  	_ =	shalt  }
0x48: {  	_ =	shalt  }
0x49: {  	_ =	shalt  }
0x4a: {  	_ =	shalt  }
0x4b: {  	_ =	shalt  }
0x4c: {  	_ =	shalt  }
0x4d: {  	_ =	shalt  }
0x4e: {  	_ =	shalt  }
0x4f: {  	_ =	shalt  }
0x50: {  	_ =	shalt  }
0x51: {  	_ =	shalt  }
0x52: {  	_ =	shalt  }
0x53: {  	_ =	shalt  }
0x54: {  	_ =	shalt  }
0x55: {  	_ =	shalt  }
0x56: {  	_ =	shalt  }
0x57: {  	_ =	shalt  }
0x58: {  	_ =	shalt  }
0x59: {  	_ =	shalt  }
0x5a: {  	_ =	shalt  }
0x5b: {  	_ =	shalt  }
0x5c: {  	_ =	shalt  }
0x5d: {  	_ =	shalt  }
0x5e: {  	_ =	shalt  }
0x5f: {  	_ =	shalt  }
0x60: {  	_ =	shalt  }
0x61: {  	_ =	shalt  }
0x62: {  	_ =	shalt  }
0x63: {  	_ =	shalt  }
0x64: {  	_ =	shalt  }
0x65: {  	_ =	shalt  }
0x66: {  	_ =	shalt  }
0x67: {  	_ =	shalt  }
0x68: {  	_ =	shalt  }
0x69: {  	_ =	shalt  }
0x6a: {  	_ =	shalt  }
0x6b: {  	_ =	shalt  }
0x6c: {  	_ =	shalt  }
0x6d: {  	_ =	shalt  }
0x6e: {  	_ =	shalt  }
0x6f: {  	_ =	shalt  }
0x70: {  	_ =	shalt  }
0x71: {  	_ =	shalt  }
0x72: {  	_ =	shalt  }
0x73: {  	_ =	shalt  }
0x74: {  	_ =	shalt  }
0x75: {  	_ =	shalt  }
0x76: {  	_ =	shalt  }
0x77: {  	_ =	shalt  }
0x78: {  	_ =	shalt  }
0x79: {  	_ =	shalt  }
0x7a: {  	_ =	shalt  }
0x7b: {  	_ =	shalt  }
0x7c: {  	_ =	shalt  }
0x7d: {  	_ =	shalt  }
0x7e: {  	_ =	shalt  }
0x7f: {  	_ =	shalt  }
0x80: {  	_ =	shalt  }
0x81: {  	_ =	shalt  }
0x82: {  	_ =	shalt  }
0x83: {  	_ =	shalt  }
0x84: {  	_ =	shalt  }
0x85: {  	_ =	shalt  }
0x86: {  	_ =	shalt  }
0x87: {  	_ =	shalt  }
.Lfunc_end0:
.L_simem_size_0:
called_computation_lowered:
.L_overlay_start_0:
0x88: {  	s2 =	sld [smem:$0x3FD9]  }
0x89: {  	s3 =	sld [smem:$0x3FFE];
	_ =	sdelay $0x1  }
0x8a: {  	s1 =	srdreg.scid  }
0x8b: {  	s0 =	sand.u32 $0x1, s1  }
0x8c: {  	s14 =	sshll.u32 s0, $0xA;
	s2 =	sadd.s32 s3, s2  }
0x8d: {  	s2 =	sadd.s32 s2, s14  }
0x8e: {  	[smem:$0x3FC1] =	sst s2  }
0x8f: {  	_ = 	snop  }
0x90: {  	s2 =	sld [smem:$0x3FD0];
	_ =	sdelay $0x2  }
0x91: {  	s15 =	simm.s32 $0xA;
	s4 =	simm.s32 $0x10  }
0x92: {  	[smem:s4], [sflag:s15] =	dma.local [hbm:s2], $0x1  }
0x93: {  	_ =	swait.eq [sflag:s15], $0x1  }
0x94: {  	s16 =	sld [smem:$0x10]  }
0x95: {  	s17 =	sld [smem:$0x11];
	[sflag:s15] =	ssyncset.done $0x0  }
0x96: {  	s5 =	sld [smem:$0x14];
	[sflag:s15] =	ssyncadd.s32 $0xFFFFFFFF  }
0x97: {  	s18 =	sld [smem:$0x15];
	(tm) =	ssettm $0x1  }
0x98: {  	s6 =	sld [smem:$0x3FFB];
	_ =	sdelay $0x3  }
0x99: {  	_ =	strace s6  }
0x9a: {  	s6 =	sld [smem:$0x3FFC];
	_ =	sdelay $0x3  }
0x9b: {  	_ =	strace s6  }
0x9c: {  	s6 =	sld [smem:$0x3FFD];
	_ =	sdelay $0x3  }
0x9d: {  	_ =	strace s6  }
0x9e: {  	_ =	strace $0x8FFFFFFF  }
0x9f: {  	s19 =	sld [smem:$0x3FDB];
	_ =	sdelay $0x1  }
0xa0: {  	s7 =	simm.s32 $_scs_section_size  }
0xa1: {  	s8 =	simm.s32 $_size__tile_overlayer_lowered;
	s9 =	simm.s32 $_tile_overlayer_lowered  }
0xa2: {  	s22 =	simm.s32 $0x1BFF;
	s21 =	sshll.u32 s9, $0x1;
	s6 =	sadd.s32 s7, s19  }
0xa3: {  	s10 =	simm.s32 $0x0;
	s20 =	sshll.u32 s8, $0x1;
	s8 =	sadd.s32 s21, s6  }
0xa4: {  	[timem:s10], [sflag:s22] =	dma.local [hbm:s8], s20  }
0xa5: {  	_ =	swait.ge [sflag:s22], s20  }
0xa6: {  	s7 =	ssub.s32 $0x0, s20;
	[sflag:s22] =	ssyncset.done $0x0  }
0xa7: {  	[sflag:s22] =	ssyncadd.s32 s7;
	_ =	sdelay $0x1  }
0xa8: {  	s23 =	simm.s32 $0x1B8B  }
0xa9: {  	_ =	swait.ge [sflag:s23], $0x1  }
0xaa: {  	[sflag:s23] =	ssyncset.done $0x0  }
0xab: {  	s25 =	simm.s32 $0x1B8E;
	s24 =	sld [smem:$0x3FFE];
	[sflag:s23] =	ssyncadd.s32 $0xFFFFFFFF  }
0xac: {  	s26 =	simm.s32 $execute0_lowered;
	[smem:$0x3FD2] =	sst s25  }
0xad: {  	s8 =	sshll.u32 s26, $0x1;
	_ =	strace $0x80000046;
	[dreg:$0x1] =	wrdreg $0xFFFFFFFF  }
0xae: {  	s28 =	simm.s32 $_size_execute0_lowered;
	s6 =	sadd.s32 s6, s8;
	[dreg:$0x0] =	wrdreg $0x0  }
0xaf: {  	s8 =	sshll.u32 s28, $0x1;
	[dreg:$0x2] =	wrdreg s6  }
0xb0: {  	[dreg:$0x3] =	wrdreg s8  }
0xb1: {  	[dreg:$0x4] =	wrdreg $0xC0  }
0xb2: {  	_ =	task [dreg:s10], $0x5FFFF  }
0xb3: {  	[dreg:$0x1] =	wrdreg $0xFFFFFFFF  }
0xb4: {  	[dreg:$0x0] =	wrdreg $0x60  }
0xb5: {  	[dreg:$0x2] =	wrdreg s17  }
0xb6: {  	[dreg:$0x3] =	wrdreg s16  }
0xb7: {  	[dreg:$0x4] =	wrdreg s24  }
0xb8: {  	[dreg:$0x5] =	wrdreg s5  }
0xb9: {  	[dreg:$0x6] =	wrdreg s18  }
0xba: {  	[dreg:$0x7] =	wrdreg $0x0  }
0xbb: {  	[dreg:$0x8] =	wrdreg $0x138800  }
0xbc: {  	[dreg:$0x9] =	wrdreg $0x9  }
0xbd: {  	_ =	task.clear_ibuf [dreg:s10], $0xAFFFF;
	_ =	strace $0x90000046  }
0xbe: {  	s29 =	simm.s32 $0x9;
	_ =	strace $0x80000048  }
0xbf: {  	_ =	swait.ge [sflag:s29], $0x1  }
0xc0: {  	[sflag:s29] =	ssyncadd.s32 $0xFFFFFFFF  }
0xc1: {  	_ =	strace $0x90000048  }
0xc2: {  	_ =	sfence  }
0xc3: {  	s30 =	sld [smem:$0x0];
	_ =	sdelay $0x2  }
0xc4: {  	s31 =	sshll.u32 s1, $0xD;
	s1 =	sshrl.u32 s1, $0x2  }
0xc5: {  	s3 =	sand.u32 $0x4000, s31;
	s1 =	sadd.s32 s1, s30  }
0xc6: {  	s0 =	sor.u32 s3, s0;
	s1 =	sshll.u32 s1, $0x11  }
0xc7: {  	s0 =	sor.u32 s1, s0  }
0xc8: {  	s0 =	sadd.s32 $0x8F2B, s0  }
0xc9: {  	[sflag:s0] =	ssyncadd.remote.s32 $0x1  }
0xca: {  	_ =	sfence.sel $0xFFFF  }
0xcb: {  	[dreg:$0x0] =	wrdreg $0xFFFFFFFF;
	(pc) =	sbr.abs _section_cstart, $3  }
0xcc: {  	[dreg:$0x1] =	wrdreg $0xFFFFFFFF  }
0xcd: {  	_ =	task.clear_ibuf [dreg:s10], $0x2FFFF;
	_ =	strace $0x9FFFFFFF  }
0xce: {  	(tm) =	ssettm $0x7FFFFFFF  }
0xcf: {  	_ =	shalt  }
tec
execute0_lowered:
.L_overlay_start_1:
0x0: {  	(tag) =	ssettag $0x1  }
0x1: {  	s0 =	rddreg [dreg:$0x0]  }
0x2: {  	s2 =	rddreg [dreg:$0x1]  }
0x3: {  	s1 =	rddreg [dreg:$0x2]  }
0x4: {  	s15 =	rddreg [dreg:$0x3]  }
0x5: {  	s3 =	rddreg [dreg:$0x4]  }
0x6: {  	s5 =	rddreg [dreg:$0x5]  }
0x7: {  	s6 =	rddreg [dreg:$0x6];
	s16 =	stileid.u32  }
0x8: {  	s4 =	srdreg.scid;
	s8 =	smul.u32 $0x13880, s16  }
0x9: {  	s19 =	simm.s32 $0x0;
	s28 =	simm.s32 $0x16990;
	s14 =	smul.u32 $0x5000, s16  }
0xa: {  	s29 =	simm.s32 $0x16E90;
	s4 =	sand.u32 $0x1, s4;
	s22 =	smul.u32 $0x2710, s16  }
0xb: {  	s30 =	simm.s32 $0x3;
	s31 =	simm.s32 $0x7D;
	s9 =	smul.u32 $0x138800, s4  }
0xc: {  	[smem:$0x7FF] =	sst s19;
	s10 =	sadd.s32 $0x2E00, s1;
	s12 =	smul.u32 $0xA0000, s4  }
0xd: {  	_ =	strace $0x80000047;
	s11 =	ssub.s32 $0x2, s4;
	s4 =	smul.u32 $0x27100, s4  }
0xe: {  	s13 =	sshrl.u32 s11, $0x1;
	s21 =	sadd.s32 s8, s5;
	s25 =	sadd.s32 s22, s6  }
0xf: {  	s26 =	sshrl.u32 s22, $0x3;
	s9 =	sadd.s32 s8, s9;
	s20 =	ssub.s32 s11, s13  }
0x10: {  	[dreg:$0xc] =	wrdreg s21;
	s8 =	sshrl.u32 s8, $0x3;
	s12 =	sadd.s32 s14, s12  }
0x11: {  	[dreg:$0xe] =	wrdreg s25;
	s14 =	sadd.s32 s15, s26;
	s4 =	sadd.s32 s22, s4  }
0x12: {  	s11 =	simm.s32 $0x16690;
	s26 =	simm.s32 $0x0;
	s9 =	sshrl.u32 s9, $0x3  }
0x13: {  	s23 =	sadd.s32 s0, s8;
	s24 =	sshrl.u32 s12, $0x3;
	[dreg:$0x10] =	wrdreg s14  }
0x14: {  	s4 =	sshrl.u32 s4, $0x3;
	s13 =	sadd.s32 $0x50A00, s12;
	s14 =	sadd.s32 s2, s8  }
0x15: {  	s16 =	smax.u32 s20, $0x1;
	s21 =	sor.u32 $0xA00, s12;
	[dreg:$0x17] =	wrdreg s26  }
0x16: {  	s22 =	sadd.s32 $0x50500, s12;
	s8 =	simm.s32 $0x1;
	[dreg:$0xd] =	wrdreg s23  }
0x17: {  	s1 =	sadd.s32 s9, s1;
	s17 =	sadd.s32 s10, s24;
	[dreg:$0x14] =	wrdreg s14  }
0x18: {  	s3 =	sadd.s32 s3, s4;
	s15 =	sshrl.u32 s13, $0x3;
	[dreg:$0x16] =	wrdreg s16  }
0x19: {  	s23 =	sor.u32 $0x500, s12;
	s12 =	simm.s32 $0x15F90;
	s13 =	simm.s32 $0x16590  }
0x1a: {  	s9 =	simm.s32 $0x16610;
	s16 =	simm.s32 $0x16710;
	s14 =	simm.s32 $0x4  }
0x1b: {  	s18 =	sadd.s32 $0xA000, s17;
	s7 =	sadd.s32 $0x2AE00, s1;
	[dreg:$0x13] =	wrdreg s3  }
0x1c: {  	s1 =	sadd.s32 $0x79000, s1;
	s20 =	sadd.s32 s15, s10;
	[dreg:$0xf] =	wrdreg s17  }
0x1d: {  	s3 =	sshrl.u32 s22, $0x3;
	s4 =	sshrl.u32 s23, $0x3;
	[dreg:$0x12] =	wrdreg s7  }
0x1e: {  	s23 =	simm.s32 $0x1F090;
	s15 =	simm.s32 $0x16490;
	[dreg:$0x15] =	wrdreg s1  }
0x1f: {  	s22 =	simm.s32 $0x16810;
	[dreg:$0xa] =	wrdreg s20;
	s1 =	sshrl.u32 s21, $0x3  }
0x20: {  	s24 =	sadd.s32 s3, s10;
	s25 =	sadd.s32 s4, s10;
	s4 =	simm.s32 $0x1B210  }
0x21: {  	s7 =	simm.s32 $0x16790;
	s20 =	simm.s32 $0x16910;
	[dreg:$0x11] =	wrdreg s18  }
0x22: {  	s21 =	simm.s32 $0x16E10;
	s1 =	sadd.s32 s1, s10;
	[dreg:$0x8] =	wrdreg s24  }
0x23: {  	[dreg:$0xb] =	wrdreg s25;
	s24 =	simm.s32 $0x6;
	s10 =	simm.s32 $0x2  }
0x24: {  	s25 =	simm.s32 $0x16890;
	[dreg:$0x9] =	wrdreg s1;
	s1 =	simm.s32 $0x17390  }
.LBB2_1:
0x25: {  	s3 =	rddreg [dreg:$0x3];
	s26 =	stileid.u32  }
0x26: {  	[tilespmem:s23], [sflag:$0x6] =	stream.linear.gather [hbm4b:s3+s19], $0x7D0, $0x38;
	[tilespmem:$0x1F860] =	vst v63  }
0x27: {  	s3 =	sshll.u32 s26, $0x6;
	_ =	swait.ge [sflag:s24], $0x7D0  }
0x28: {  	s18 =	smov.u32 s17;
	s26 =	sor.u32 $0x1C06, s3;
	s3 =	rddreg [dreg:$0xc]  }
0x29: {  	[sflag:s24] =	ssyncset.done $0x0;
	s17 =	sshrl.u32 s3, $0x3;
	s3 =	rddreg [dreg:$0xd]  }
0x2a: {  	[sflag:s24] =	ssyncadd.s32 $0xFFFFF830;
	[dreg:$0x19] =	wrdreg s17  }
0x2b: {  	[spmem:s17], [sflag:s26] =	dma.local [hbm:s3], $0x2710  }
0x2c: {  	_ =	swait.ge [sflag:s24], $0x2710;
	[dreg:$0x18] =	wrdreg s26  }
0x2d: {  	s17 =	rddreg [dreg:$0xe]  }
0x2e: {  	[sflag:s24] =	ssyncset.done $0x0;
	s3 =	rddreg [dreg:$0x10];
	s17 =	sshrl.u32 s17, $0x3  }
0x2f: {  	[sflag:s24] =	ssyncadd.s32 $0xFFFFD8F0;
	[dreg:$0x1a] =	wrdreg s17  }
0x30: {  	[spmem:s17], [sflag:s26] =	dma.local [hbm:s3], $0x4E2  }
0x31: {  	_ =	swait.ge [sflag:s24], $0x4E2  }
0x32: {  	[sflag:s24] =	ssyncset.done $0x0  }
0x33: {  	[sflag:s24] =	ssyncadd.s32 $0xFFFFFB1E  }
0x34: {  	[bflag:$0x0] =	sbarrier.arrive $0xFFFF  }
0x35: {  	[tilespmem:s12], [sflag:$0x3] =	stream.linear.gather [hbm4b:s18+s19], $0x500, $0x38;
	[tilespmem:$0x1F860] =	vst v63  }
0x36: {  	s18 =	rddreg [dreg:$0x11]  }
0x37: {  	s26 =	rddreg [dreg:$0xb]  }
0x38: {  	[tilespmem:s15], [sflag:$0x3] =	stream.linear.gather [hbm4b:s18+s19], $0x500, $0x38;
	[tilespmem:$0x1F860] =	vst v63  }
0x39: {  	s17 =	rddreg [dreg:$0x8];
	s3 =	sadd.s32 $0x0, s26  }
0x3a: {  	[tilespmem:s28], [sflag:$0x4] =	stream.linear.gather [hbm4b:s3+s19], $0x500, $0x38;
	[tilespmem:$0x1F860] =	vst v63  }
0x3b: {  	s3 =	sadd.s32 $0x0, s17  }
0x3c: {  	[tilespmem:s29], [sflag:$0x4] =	stream.linear.gather [hbm4b:s3+s19], $0x500, $0x38;
	[tilespmem:$0x1F860] =	vst v63  }
0x3d: {  	_ =	swait.ge [sflag:s30], $0x500  }
0x3e: {  	[sflag:s30] =	ssyncset.done $0x0  }
0x3f: {  	[sflag:s30] =	ssyncadd.s32 $0xFFFFFB00  }
0x40: {  	_ =	swait.ge [sflag:s30], $0x500  }
0x41: {  	[sflag:s30] =	ssyncset.done $0x0  }
0x42: {  	[sflag:s30] =	ssyncadd.s32 $0xFFFFFB00  }
0x43: {  	[tilespmem:s1], [sflag:$0x1] =	stream.indirect.gather [hbm4b:s0+s31], $0x80, s12, s31, $0xb8;
	[tilespmem:$0x1F860] =	vst v63  }
0x44: {  	s18 =	simm.s32 $0x16010  }
0x45: {  	[tilespmem:s4], [sflag:$0x2] =	stream.indirect.gather [hbm4b:s0+s31], $0x80, s18, s31, $0xb8;
	[tilespmem:$0x1F860] =	vst v63  }
0x46: {  	_ =	swait.ge [sflag:s8], $0x3E80  }
0x47: {  	[sflag:s8] =	ssyncset.done $0x0  }
0x48: {  	[sflag:s8] =	ssyncadd.s32 $0xFFFFC180  }
0x49: {  	[spmem:s5] =	stream.indirect.scatter.add.f32 [tilespmem:s1], [sflag:$0x6], $0x80, s15, s31, $0xb8;
	[tilespmem:$0x1F860] =	vst v63  }
0x4a: {  	_ =	swait.ge [sflag:s24], $0x3E80  }
0x4b: {  	[sflag:s24] =	ssyncset.done $0x0  }
0x4c: {  	[sflag:s24] =	ssyncadd.s32 $0xFFFFC180  }
0x4d: {  	[spmem:s6] =	stream.indirect.scatter.add.f32 [tilespmem:s23], [sflag:$0x5], $0x10, s15, s31, $0xb8;
	[tilespmem:$0x1F860] =	vst v63  }
0x4e: {  	s26 =	simm.s32 $0x16090  }
0x4f: {  	[tilespmem:s1], [sflag:$0x1] =	stream.indirect.gather [hbm4b:s0+s31], $0x80, s26, s31, $0xb8;
	[tilespmem:$0x1F860] =	vst v63  }
0x50: {  	_ =	swait.ge [sflag:s10], $0x3E80  }
0x51: {  	[sflag:s10] =	ssyncset.done $0x0  }
0x52: {  	s17 =	simm.s32 $0x16510;
	[sflag:s10] =	ssyncadd.s32 $0xFFFFC180  }
0x53: {  	[spmem:s5] =	stream.indirect.scatter.add.f32 [tilespmem:s4], [sflag:$0x6], $0x80, s17, s31, $0xb8;
	[tilespmem:$0x1F860] =	vst v63  }
0x54: {  	_ =	swait.ge [sflag:s24], $0x3E80  }
0x55: {  	[sflag:s24] =	ssyncset.done $0x0  }
0x56: {  	[sflag:s24] =	ssyncadd.s32 $0xFFFFC180  }
0x57: {  	[spmem:s6] =	stream.indirect.scatter.add.f32 [tilespmem:s23], [sflag:$0x5], $0x10, s17, s31, $0xb8;
	[tilespmem:$0x1F860] =	vst v63  }
0x58: {  	s18 =	simm.s32 $0x16110  }
0x59: {  	[tilespmem:s4], [sflag:$0x2] =	stream.indirect.gather [hbm4b:s0+s31], $0x80, s18, s31, $0xb8;
	[tilespmem:$0x1F860] =	vst v63  }
0x5a: {  	_ =	swait.ge [sflag:s8], $0x3E80  }
0x5b: {  	[sflag:s8] =	ssyncset.done $0x0  }
0x5c: {  	[sflag:s8] =	ssyncadd.s32 $0xFFFFC180  }
0x5d: {  	[spmem:s5] =	stream.indirect.scatter.add.f32 [tilespmem:s1], [sflag:$0x6], $0x80, s13, s31, $0xb8;
	[tilespmem:$0x1F860] =	vst v63  }
0x5e: {  	_ =	swait.ge [sflag:s24], $0x3E80  }
0x5f: {  	[sflag:s24] =	ssyncset.done $0x0  }
0x60: {  	[sflag:s24] =	ssyncadd.s32 $0xFFFFC180  }
0x61: {  	[spmem:s6] =	stream.indirect.scatter.add.f32 [tilespmem:s23], [sflag:$0x5], $0x10, s13, s31, $0xb8;
	[tilespmem:$0x1F860] =	vst v63  }
0x62: {  	s26 =	simm.s32 $0x16190  }
0x63: {  	[tilespmem:s1], [sflag:$0x1] =	stream.indirect.gather [hbm4b:s0+s31], $0x80, s26, s31, $0xb8;
	[tilespmem:$0x1F860] =	vst v63  }
0x64: {  	_ =	swait.ge [sflag:s10], $0x3E80  }
0x65: {  	[sflag:s10] =	ssyncset.done $0x0  }
0x66: {  	[sflag:s10] =	ssyncadd.s32 $0xFFFFC180  }
0x67: {  	[spmem:s5] =	stream.indirect.scatter.add.f32 [tilespmem:s4], [sflag:$0x6], $0x80, s9, s31, $0xb8;
	[tilespmem:$0x1F860] =	vst v63  }
0x68: {  	_ =	swait.ge [sflag:s24], $0x3E80  }
0x69: {  	[sflag:s24] =	ssyncset.done $0x0  }
0x6a: {  	[sflag:s24] =	ssyncadd.s32 $0xFFFFC180  }
0x6b: {  	[spmem:s6] =	stream.indirect.scatter.add.f32 [tilespmem:s23], [sflag:$0x5], $0x10, s9, s31, $0xb8;
	[tilespmem:$0x1F860] =	vst v63  }
0x6c: {  	s17 =	simm.s32 $0x16210  }
0x6d: {  	[tilespmem:s4], [sflag:$0x2] =	stream.indirect.gather [hbm4b:s0+s31], $0x80, s17, s31, $0xb8;
	[tilespmem:$0x1F860] =	vst v63  }
0x6e: {  	_ =	swait.ge [sflag:s8], $0x3E80  }
0x6f: {  	[sflag:s8] =	ssyncset.done $0x0  }
0x70: {  	[sflag:s8] =	ssyncadd.s32 $0xFFFFC180  }
0x71: {  	[spmem:s5] =	stream.indirect.scatter.add.f32 [tilespmem:s1], [sflag:$0x6], $0x80, s11, s31, $0xb8;
	[tilespmem:$0x1F860] =	vst v63  }
0x72: {  	_ =	swait.ge [sflag:s24], $0x3E80  }
0x73: {  	[sflag:s24] =	ssyncset.done $0x0  }
0x74: {  	[sflag:s24] =	ssyncadd.s32 $0xFFFFC180  }
0x75: {  	[spmem:s6] =	stream.indirect.scatter.add.f32 [tilespmem:s23], [sflag:$0x5], $0x10, s11, s31, $0xb8;
	[tilespmem:$0x1F860] =	vst v63  }
0x76: {  	s18 =	simm.s32 $0x16290  }
0x77: {  	[tilespmem:s1], [sflag:$0x1] =	stream.indirect.gather [hbm4b:s0+s31], $0x80, s18, s31, $0xb8;
	[tilespmem:$0x1F860] =	vst v63  }
0x78: {  	_ =	swait.ge [sflag:s10], $0x3E80  }
0x79: {  	[sflag:s10] =	ssyncset.done $0x0  }
0x7a: {  	[sflag:s10] =	ssyncadd.s32 $0xFFFFC180  }
0x7b: {  	[spmem:s5] =	stream.indirect.scatter.add.f32 [tilespmem:s4], [sflag:$0x6], $0x80, s16, s31, $0xb8;
	[tilespmem:$0x1F860] =	vst v63  }
0x7c: {  	_ =	swait.ge [sflag:s24], $0x3E80  }
0x7d: {  	[sflag:s24] =	ssyncset.done $0x0  }
0x7e: {  	[sflag:s24] =	ssyncadd.s32 $0xFFFFC180  }
0x7f: {  	[spmem:s6] =	stream.indirect.scatter.add.f32 [tilespmem:s23], [sflag:$0x5], $0x10, s16, s31, $0xb8;
	[tilespmem:$0x1F860] =	vst v63  }
0x80: {  	s26 =	simm.s32 $0x16310  }
0x81: {  	[tilespmem:s4], [sflag:$0x2] =	stream.indirect.gather [hbm4b:s0+s31], $0x80, s26, s31, $0xb8;
	[tilespmem:$0x1F860] =	vst v63  }
0x82: {  	_ =	swait.ge [sflag:s8], $0x3E80  }
0x83: {  	[sflag:s8] =	ssyncset.done $0x0  }
0x84: {  	[sflag:s8] =	ssyncadd.s32 $0xFFFFC180  }
0x85: {  	[spmem:s5] =	stream.indirect.scatter.add.f32 [tilespmem:s1], [sflag:$0x6], $0x80, s7, s31, $0xb8;
	[tilespmem:$0x1F860] =	vst v63  }
0x86: {  	_ =	swait.ge [sflag:s24], $0x3E80  }
0x87: {  	[sflag:s24] =	ssyncset.done $0x0  }
0x88: {  	[sflag:s24] =	ssyncadd.s32 $0xFFFFC180  }
0x89: {  	[spmem:s6] =	stream.indirect.scatter.add.f32 [tilespmem:s23], [sflag:$0x5], $0x10, s7, s31, $0xb8;
	[tilespmem:$0x1F860] =	vst v63  }
0x8a: {  	s17 =	simm.s32 $0x16390  }
0x8b: {  	[tilespmem:s1], [sflag:$0x1] =	stream.indirect.gather [hbm4b:s0+s31], $0x80, s17, s31, $0xb8;
	[tilespmem:$0x1F860] =	vst v63  }
0x8c: {  	_ =	swait.ge [sflag:s10], $0x3E80  }
0x8d: {  	[sflag:s10] =	ssyncset.done $0x0  }
0x8e: {  	[sflag:s10] =	ssyncadd.s32 $0xFFFFC180  }
0x8f: {  	[spmem:s5] =	stream.indirect.scatter.add.f32 [tilespmem:s4], [sflag:$0x6], $0x80, s22, s31, $0xb8;
	[tilespmem:$0x1F860] =	vst v63  }
0x90: {  	_ =	swait.ge [sflag:s24], $0x3E80  }
0x91: {  	[sflag:s24] =	ssyncset.done $0x0  }
0x92: {  	[sflag:s24] =	ssyncadd.s32 $0xFFFFC180  }
0x93: {  	[spmem:s6] =	stream.indirect.scatter.add.f32 [tilespmem:s23], [sflag:$0x5], $0x10, s22, s31, $0xb8;
	[tilespmem:$0x1F860] =	vst v63  }
0x94: {  	s18 =	simm.s32 $0x16410  }
0x95: {  	[tilespmem:s4], [sflag:$0x2] =	stream.indirect.gather [hbm4b:s0+s31], $0x80, s18, s31, $0xb8;
	[tilespmem:$0x1F860] =	vst v63  }
0x96: {  	_ =	swait.ge [sflag:s8], $0x3E80  }
0x97: {  	[sflag:s8] =	ssyncset.done $0x0  }
0x98: {  	[sflag:s8] =	ssyncadd.s32 $0xFFFFC180  }
0x99: {  	[spmem:s5] =	stream.indirect.scatter.add.f32 [tilespmem:s1], [sflag:$0x6], $0x80, s25, s31, $0xb8;
	[tilespmem:$0x1F860] =	vst v63  }
0x9a: {  	_ =	swait.ge [sflag:s24], $0x3E80  }
0x9b: {  	[sflag:s24] =	ssyncset.done $0x0  }
0x9c: {  	[sflag:s24] =	ssyncadd.s32 $0xFFFFC180  }
0x9d: {  	[spmem:s6] =	stream.indirect.scatter.add.f32 [tilespmem:s23], [sflag:$0x5], $0x10, s25, s31, $0xb8;
	[tilespmem:$0x1F860] =	vst v63  }
0x9e: {  	_ =	swait.ge [sflag:s10], $0x3E80  }
0x9f: {  	[sflag:s10] =	ssyncset.done $0x0  }
0xa0: {  	[sflag:s10] =	ssyncadd.s32 $0xFFFFC180  }
0xa1: {  	[spmem:s5] =	stream.indirect.scatter.add.f32 [tilespmem:s4], [sflag:$0x6], $0x80, s20, s31, $0xb8;
	[tilespmem:$0x1F860] =	vst v63  }
0xa2: {  	_ =	swait.ge [sflag:s24], $0x3E80  }
0xa3: {  	[sflag:s24] =	ssyncset.done $0x0  }
0xa4: {  	p0 =	por $0x0, $0x0;
	s3 =	rddreg [dreg:$0x9];
	[sflag:s24] =	ssyncadd.s32 $0xFFFFC180  }
0xa5: {  	[spmem:s6] =	stream.indirect.scatter.add.f32 [tilespmem:s23], [sflag:$0x5], $0x10, s20, s31, $0xb8;
	[tilespmem:$0x1F860] =	vst v63  }
0xa6: {  	s26 =	simm.s32 @!p0 $0x15F90;
	s18 =	simm.s32 @!p0 $0x0;
	s3 =	sadd.s32 @!p0 $0x0, s3  }
0xa7: {  	[tilespmem:s26], [sflag:$0x3] =	stream.linear.gather @!p0 [hbm4b:s3+s18], $0x500, $0x38;
	[tilespmem:$0x1F860] =	vst v63  }
0xa8: {  	s3 =	rddreg [dreg:$0xa]  }
0xa9: {  	s26 =	simm.s32 @!p0 $0x16490;
	s3 =	sadd.s32 @!p0 $0x0, s3  }
0xaa: {  	[tilespmem:s26], [sflag:$0x3] =	stream.linear.gather @!p0 [hbm4b:s3+s18], $0x500, $0x38;
	[tilespmem:$0x1F860] =	vst v63  }
0xab: {  	_ =	swait.ge [sflag:s14], $0x500  }
0xac: {  	[sflag:s14] =	ssyncset.done $0x0  }
0xad: {  	[sflag:s14] =	ssyncadd.s32 $0xFFFFFB00  }
0xae: {  	_ =	swait.ge [sflag:s14], $0x500  }
0xaf: {  	[sflag:s14] =	ssyncset.done $0x0  }
0xb0: {  	[sflag:s14] =	ssyncadd.s32 $0xFFFFFB00  }
0xb1: {  	[tilespmem:s1], [sflag:$0x1] =	stream.indirect.gather [hbm4b:s0+s31], $0x80, s28, s31, $0xb8;
	[tilespmem:$0x1F860] =	vst v63  }
0xb2: {  	s26 =	simm.s32 $0x16A10  }
0xb3: {  	[tilespmem:s4], [sflag:$0x2] =	stream.indirect.gather [hbm4b:s0+s31], $0x80, s26, s31, $0xb8;
	[tilespmem:$0x1F860] =	vst v63  }
0xb4: {  	_ =	swait.ge [sflag:s8], $0x3E80  }
0xb5: {  	[sflag:s8] =	ssyncset.done $0x0  }
0xb6: {  	[sflag:s8] =	ssyncadd.s32 $0xFFFFC180  }
0xb7: {  	[spmem:s5] =	stream.indirect.scatter.add.f32 [tilespmem:s1], [sflag:$0x6], $0x80, s29, s31, $0xb8;
	[tilespmem:$0x1F860] =	vst v63  }
0xb8: {  	_ =	swait.ge [sflag:s24], $0x3E80  }
0xb9: {  	[sflag:s24] =	ssyncset.done $0x0  }
0xba: {  	[sflag:s24] =	ssyncadd.s32 $0xFFFFC180  }
0xbb: {  	[spmem:s6] =	stream.indirect.scatter.add.f32 [tilespmem:s23], [sflag:$0x5], $0x10, s29, s31, $0xb8;
	[tilespmem:$0x1F860] =	vst v63  }
0xbc: {  	s18 =	simm.s32 $0x16A90  }
0xbd: {  	[tilespmem:s1], [sflag:$0x1] =	stream.indirect.gather [hbm4b:s0+s31], $0x80, s18, s31, $0xb8;
	[tilespmem:$0x1F860] =	vst v63  }
0xbe: {  	_ =	swait.ge [sflag:s10], $0x3E80  }
0xbf: {  	[sflag:s10] =	ssyncset.done $0x0  }
0xc0: {  	s26 =	simm.s32 $0x16F10;
	[sflag:s10] =	ssyncadd.s32 $0xFFFFC180  }
0xc1: {  	[spmem:s5] =	stream.indirect.scatter.add.f32 [tilespmem:s4], [sflag:$0x6], $0x80, s26, s31, $0xb8;
	[tilespmem:$0x1F860] =	vst v63  }
0xc2: {  	_ =	swait.ge [sflag:s24], $0x3E80  }
0xc3: {  	[sflag:s24] =	ssyncset.done $0x0  }
0xc4: {  	[sflag:s24] =	ssyncadd.s32 $0xFFFFC180  }
0xc5: {  	[spmem:s6] =	stream.indirect.scatter.add.f32 [tilespmem:s23], [sflag:$0x5], $0x10, s26, s31, $0xb8;
	[tilespmem:$0x1F860] =	vst v63  }
0xc6: {  	s18 =	simm.s32 $0x16B10  }
0xc7: {  	[tilespmem:s4], [sflag:$0x2] =	stream.indirect.gather [hbm4b:s0+s31], $0x80, s18, s31, $0xb8;
	[tilespmem:$0x1F860] =	vst v63  }
0xc8: {  	_ =	swait.ge [sflag:s8], $0x3E80  }
0xc9: {  	[sflag:s8] =	ssyncset.done $0x0  }
0xca: {  	s26 =	simm.s32 $0x16F90;
	[sflag:s8] =	ssyncadd.s32 $0xFFFFC180  }
0xcb: {  	[spmem:s5] =	stream.indirect.scatter.add.f32 [tilespmem:s1], [sflag:$0x6], $0x80, s26, s31, $0xb8;
	[tilespmem:$0x1F860] =	vst v63  }
0xcc: {  	_ =	swait.ge [sflag:s24], $0x3E80  }
0xcd: {  	[sflag:s24] =	ssyncset.done $0x0  }
0xce: {  	[sflag:s24] =	ssyncadd.s32 $0xFFFFC180  }
0xcf: {  	[spmem:s6] =	stream.indirect.scatter.add.f32 [tilespmem:s23], [sflag:$0x5], $0x10, s26, s31, $0xb8;
	[tilespmem:$0x1F860] =	vst v63  }
0xd0: {  	s18 =	simm.s32 $0x16B90  }
0xd1: {  	[tilespmem:s1], [sflag:$0x1] =	stream.indirect.gather [hbm4b:s0+s31], $0x80, s18, s31, $0xb8;
	[tilespmem:$0x1F860] =	vst v63  }
0xd2: {  	_ =	swait.ge [sflag:s10], $0x3E80  }
0xd3: {  	[sflag:s10] =	ssyncset.done $0x0  }
0xd4: {  	s26 =	simm.s32 $0x17010;
	[sflag:s10] =	ssyncadd.s32 $0xFFFFC180  }
0xd5: {  	[spmem:s5] =	stream.indirect.scatter.add.f32 [tilespmem:s4], [sflag:$0x6], $0x80, s26, s31, $0xb8;
	[tilespmem:$0x1F860] =	vst v63  }
0xd6: {  	_ =	swait.ge [sflag:s24], $0x3E80  }
0xd7: {  	[sflag:s24] =	ssyncset.done $0x0  }
0xd8: {  	[sflag:s24] =	ssyncadd.s32 $0xFFFFC180  }
0xd9: {  	[spmem:s6] =	stream.indirect.scatter.add.f32 [tilespmem:s23], [sflag:$0x5], $0x10, s26, s31, $0xb8;
	[tilespmem:$0x1F860] =	vst v63  }
0xda: {  	s18 =	simm.s32 $0x16C10  }
0xdb: {  	[tilespmem:s4], [sflag:$0x2] =	stream.indirect.gather [hbm4b:s0+s31], $0x80, s18, s31, $0xb8;
	[tilespmem:$0x1F860] =	vst v63  }
0xdc: {  	_ =	swait.ge [sflag:s8], $0x3E80  }
0xdd: {  	[sflag:s8] =	ssyncset.done $0x0  }
0xde: {  	s26 =	simm.s32 $0x17090;
	[sflag:s8] =	ssyncadd.s32 $0xFFFFC180  }
0xdf: {  	[spmem:s5] =	stream.indirect.scatter.add.f32 [tilespmem:s1], [sflag:$0x6], $0x80, s26, s31, $0xb8;
	[tilespmem:$0x1F860] =	vst v63  }
0xe0: {  	_ =	swait.ge [sflag:s24], $0x3E80  }
0xe1: {  	[sflag:s24] =	ssyncset.done $0x0  }
0xe2: {  	[sflag:s24] =	ssyncadd.s32 $0xFFFFC180  }
0xe3: {  	[spmem:s6] =	stream.indirect.scatter.add.f32 [tilespmem:s23], [sflag:$0x5], $0x10, s26, s31, $0xb8;
	[tilespmem:$0x1F860] =	vst v63  }
0xe4: {  	s18 =	simm.s32 $0x16C90  }
0xe5: {  	[tilespmem:s1], [sflag:$0x1] =	stream.indirect.gather [hbm4b:s0+s31], $0x80, s18, s31, $0xb8;
	[tilespmem:$0x1F860] =	vst v63  }
0xe6: {  	_ =	swait.ge [sflag:s10], $0x3E80  }
0xe7: {  	[sflag:s10] =	ssyncset.done $0x0  }
0xe8: {  	s26 =	simm.s32 $0x17110;
	[sflag:s10] =	ssyncadd.s32 $0xFFFFC180  }
0xe9: {  	[spmem:s5] =	stream.indirect.scatter.add.f32 [tilespmem:s4], [sflag:$0x6], $0x80, s26, s31, $0xb8;
	[tilespmem:$0x1F860] =	vst v63  }
0xea: {  	_ =	swait.ge [sflag:s24], $0x3E80  }
0xeb: {  	[sflag:s24] =	ssyncset.done $0x0  }
0xec: {  	[sflag:s24] =	ssyncadd.s32 $0xFFFFC180  }
0xed: {  	[spmem:s6] =	stream.indirect.scatter.add.f32 [tilespmem:s23], [sflag:$0x5], $0x10, s26, s31, $0xb8;
	[tilespmem:$0x1F860] =	vst v63  }
0xee: {  	s18 =	simm.s32 $0x16D10  }
0xef: {  	[tilespmem:s4], [sflag:$0x2] =	stream.indirect.gather [hbm4b:s0+s31], $0x80, s18, s31, $0xb8;
	[tilespmem:$0x1F860] =	vst v63  }
0xf0: {  	_ =	swait.ge [sflag:s8], $0x3E80  }
0xf1: {  	[sflag:s8] =	ssyncset.done $0x0  }
0xf2: {  	s26 =	simm.s32 $0x17190;
	[sflag:s8] =	ssyncadd.s32 $0xFFFFC180  }
0xf3: {  	[spmem:s5] =	stream.indirect.scatter.add.f32 [tilespmem:s1], [sflag:$0x6], $0x80, s26, s31, $0xb8;
	[tilespmem:$0x1F860] =	vst v63  }
0xf4: {  	_ =	swait.ge [sflag:s24], $0x3E80  }
0xf5: {  	[sflag:s24] =	ssyncset.done $0x0  }
0xf6: {  	[sflag:s24] =	ssyncadd.s32 $0xFFFFC180  }
0xf7: {  	[spmem:s6] =	stream.indirect.scatter.add.f32 [tilespmem:s23], [sflag:$0x5], $0x10, s26, s31, $0xb8;
	[tilespmem:$0x1F860] =	vst v63  }
0xf8: {  	s18 =	simm.s32 $0x16D90  }
0xf9: {  	[tilespmem:s1], [sflag:$0x1] =	stream.indirect.gather [hbm4b:s0+s31], $0x80, s18, s31, $0xb8;
	[tilespmem:$0x1F860] =	vst v63  }
0xfa: {  	_ =	swait.ge [sflag:s10], $0x3E80  }
0xfb: {  	[sflag:s10] =	ssyncset.done $0x0  }
0xfc: {  	s26 =	simm.s32 $0x17210;
	[sflag:s10] =	ssyncadd.s32 $0xFFFFC180  }
0xfd: {  	[spmem:s5] =	stream.indirect.scatter.add.f32 [tilespmem:s4], [sflag:$0x6], $0x80, s26, s31, $0xb8;
	[tilespmem:$0x1F860] =	vst v63  }
0xfe: {  	_ =	swait.ge [sflag:s24], $0x3E80  }
0xff: {  	[sflag:s24] =	ssyncset.done $0x0  }
0x100: {  	[sflag:s24] =	ssyncadd.s32 $0xFFFFC180  }
0x101: {  	[spmem:s6] =	stream.indirect.scatter.add.f32 [tilespmem:s23], [sflag:$0x5], $0x10, s26, s31, $0xb8;
	[tilespmem:$0x1F860] =	vst v63  }
0x102: {  	_ = 	snop  }
0x103: {  	[tilespmem:s4], [sflag:$0x2] =	stream.indirect.gather [hbm4b:s0+s31], $0x80, s21, s31, $0xb8;
	[tilespmem:$0x1F860] =	vst v63  }
0x104: {  	_ =	swait.ge [sflag:s8], $0x3E80  }
0x105: {  	[sflag:s8] =	ssyncset.done $0x0  }
0x106: {  	s18 =	simm.s32 $0x17290;
	[sflag:s8] =	ssyncadd.s32 $0xFFFFC180  }
0x107: {  	[spmem:s5] =	stream.indirect.scatter.add.f32 [tilespmem:s1], [sflag:$0x6], $0x80, s18, s31, $0xb8;
	[tilespmem:$0x1F860] =	vst v63  }
0x108: {  	_ =	swait.ge [sflag:s24], $0x3E80  }
0x109: {  	[sflag:s24] =	ssyncset.done $0x0  }
0x10a: {  	[sflag:s24] =	ssyncadd.s32 $0xFFFFC180  }
0x10b: {  	[spmem:s6] =	stream.indirect.scatter.add.f32 [tilespmem:s23], [sflag:$0x5], $0x10, s18, s31, $0xb8;
	[tilespmem:$0x1F860] =	vst v63  }
0x10c: {  	_ =	swait.ge [sflag:s10], $0x3E80  }
0x10d: {  	[sflag:s10] =	ssyncset.done $0x0  }
0x10e: {  	s26 =	simm.s32 $0x17310;
	[sflag:s10] =	ssyncadd.s32 $0xFFFFC180  }
0x10f: {  	[spmem:s5] =	stream.indirect.scatter.add.f32 [tilespmem:s4], [sflag:$0x6], $0x80, s26, s31, $0xb8;
	[tilespmem:$0x1F860] =	vst v63  }
0x110: {  	_ =	swait.ge [sflag:s24], $0x3E80  }
0x111: {  	s17 =	simm.s32 $0x16510;
	[sflag:s24] =	ssyncset.done $0x0  }
0x112: {  	s3 =	simm.s32 $0x140;
	s26 =	simm.s32 $0x17310;
	[sflag:s24] =	ssyncadd.s32 $0xFFFFC180  }
.LBB2_2:
0x113: {  	[spmem:s6] =	stream.indirect.scatter.add.f32 [tilespmem:s23], [sflag:$0x5], $0x10, s26, s31, $0xb8;
	[tilespmem:$0x1F860] =	vst v63  }
0x114: {  	s18 =	rddreg [dreg:$0xb]  }
0x115: {  	s26 =	sadd.s32 s3, s18  }
0x116: {  	[tilespmem:s28], [sflag:$0x4] =	stream.linear.gather [hbm4b:s26+s19], $0x500, $0x38;
	[tilespmem:$0x1F860] =	vst v63  }
0x117: {  	s18 =	smov.u32 s3;
	s26 =	rddreg [dreg:$0x8]  }
0x118: {  	s26 =	sadd.s32 s18, s26  }
0x119: {  	[tilespmem:s29], [sflag:$0x4] =	stream.linear.gather [hbm4b:s26+s19], $0x500, $0x38;
	[tilespmem:$0x1F860] =	vst v63  }
0x11a: {  	_ =	swait.ge [sflag:s30], $0x500  }
0x11b: {  	[sflag:s30] =	ssyncset.done $0x0  }
0x11c: {  	[sflag:s30] =	ssyncadd.s32 $0xFFFFFB00  }
0x11d: {  	_ =	swait.ge [sflag:s30], $0x500  }
0x11e: {  	[sflag:s30] =	ssyncset.done $0x0  }
0x11f: {  	[sflag:s30] =	ssyncadd.s32 $0xFFFFFB00  }
0x120: {  	[tilespmem:s1], [sflag:$0x1] =	stream.indirect.gather [hbm4b:s0+s31], $0x80, s12, s31, $0xb8;
	[tilespmem:$0x1F860] =	vst v63  }
0x121: {  	s26 =	simm.s32 $0x16010  }
0x122: {  	[tilespmem:s4], [sflag:$0x2] =	stream.indirect.gather [hbm4b:s0+s31], $0x80, s26, s31, $0xb8;
	[tilespmem:$0x1F860] =	vst v63  }
0x123: {  	_ =	swait.ge [sflag:s8], $0x3E80  }
0x124: {  	[sflag:s8] =	ssyncset.done $0x0  }
0x125: {  	[sflag:s8] =	ssyncadd.s32 $0xFFFFC180  }
0x126: {  	[spmem:s5] =	stream.indirect.scatter.add.f32 [tilespmem:s1], [sflag:$0x6], $0x80, s15, s31, $0xb8;
	[tilespmem:$0x1F860] =	vst v63  }
0x127: {  	_ =	swait.ge [sflag:s24], $0x3E80  }
0x128: {  	[sflag:s24] =	ssyncset.done $0x0  }
0x129: {  	[sflag:s24] =	ssyncadd.s32 $0xFFFFC180  }
0x12a: {  	[spmem:s6] =	stream.indirect.scatter.add.f32 [tilespmem:s23], [sflag:$0x5], $0x10, s15, s31, $0xb8;
	[tilespmem:$0x1F860] =	vst v63  }
0x12b: {  	s15 =	simm.s32 $0x16090  }
0x12c: {  	[tilespmem:s1], [sflag:$0x1] =	stream.indirect.gather [hbm4b:s0+s31], $0x80, s15, s31, $0xb8;
	[tilespmem:$0x1F860] =	vst v63  }
0x12d: {  	_ =	swait.ge [sflag:s10], $0x3E80  }
0x12e: {  	[sflag:s10] =	ssyncset.done $0x0  }
0x12f: {  	[sflag:s10] =	ssyncadd.s32 $0xFFFFC180  }
0x130: {  	[spmem:s5] =	stream.indirect.scatter.add.f32 [tilespmem:s4], [sflag:$0x6], $0x80, s17, s31, $0xb8;
	[tilespmem:$0x1F860] =	vst v63  }
0x131: {  	_ =	swait.ge [sflag:s24], $0x3E80  }
0x132: {  	[sflag:s24] =	ssyncset.done $0x0  }
0x133: {  	[sflag:s24] =	ssyncadd.s32 $0xFFFFC180  }
0x134: {  	[spmem:s6] =	stream.indirect.scatter.add.f32 [tilespmem:s23], [sflag:$0x5], $0x10, s17, s31, $0xb8;
	[tilespmem:$0x1F860] =	vst v63  }
0x135: {  	s26 =	simm.s32 $0x16110  }
0x136: {  	[tilespmem:s4], [sflag:$0x2] =	stream.indirect.gather [hbm4b:s0+s31], $0x80, s26, s31, $0xb8;
	[tilespmem:$0x1F860] =	vst v63  }
0x137: {  	_ =	swait.ge [sflag:s8], $0x3E80  }
0x138: {  	[sflag:s8] =	ssyncset.done $0x0  }
0x139: {  	[sflag:s8] =	ssyncadd.s32 $0xFFFFC180  }
0x13a: {  	[spmem:s5] =	stream.indirect.scatter.add.f32 [tilespmem:s1], [sflag:$0x6], $0x80, s13, s31, $0xb8;
	[tilespmem:$0x1F860] =	vst v63  }
0x13b: {  	_ =	swait.ge [sflag:s24], $0x3E80  }
0x13c: {  	[sflag:s24] =	ssyncset.done $0x0  }
0x13d: {  	[sflag:s24] =	ssyncadd.s32 $0xFFFFC180  }
0x13e: {  	[spmem:s6] =	stream.indirect.scatter.add.f32 [tilespmem:s23], [sflag:$0x5], $0x10, s13, s31, $0xb8;
	[tilespmem:$0x1F860] =	vst v63  }
0x13f: {  	s15 =	simm.s32 $0x16190  }
0x140: {  	[tilespmem:s1], [sflag:$0x1] =	stream.indirect.gather [hbm4b:s0+s31], $0x80, s15, s31, $0xb8;
	[tilespmem:$0x1F860] =	vst v63  }
0x141: {  	_ =	swait.ge [sflag:s10], $0x3E80  }
0x142: {  	[sflag:s10] =	ssyncset.done $0x0  }
0x143: {  	[sflag:s10] =	ssyncadd.s32 $0xFFFFC180  }
0x144: {  	[spmem:s5] =	stream.indirect.scatter.add.f32 [tilespmem:s4], [sflag:$0x6], $0x80, s9, s31, $0xb8;
	[tilespmem:$0x1F860] =	vst v63  }
0x145: {  	_ =	swait.ge [sflag:s24], $0x3E80  }
0x146: {  	[sflag:s24] =	ssyncset.done $0x0  }
0x147: {  	[sflag:s24] =	ssyncadd.s32 $0xFFFFC180  }
0x148: {  	[spmem:s6] =	stream.indirect.scatter.add.f32 [tilespmem:s23], [sflag:$0x5], $0x10, s9, s31, $0xb8;
	[tilespmem:$0x1F860] =	vst v63  }
0x149: {  	s26 =	simm.s32 $0x16210  }
0x14a: {  	[tilespmem:s4], [sflag:$0x2] =	stream.indirect.gather [hbm4b:s0+s31], $0x80, s26, s31, $0xb8;
	[tilespmem:$0x1F860] =	vst v63  }
0x14b: {  	_ =	swait.ge [sflag:s8], $0x3E80  }
0x14c: {  	[sflag:s8] =	ssyncset.done $0x0  }
0x14d: {  	[sflag:s8] =	ssyncadd.s32 $0xFFFFC180  }
0x14e: {  	[spmem:s5] =	stream.indirect.scatter.add.f32 [tilespmem:s1], [sflag:$0x6], $0x80, s11, s31, $0xb8;
	[tilespmem:$0x1F860] =	vst v63  }
0x14f: {  	_ =	swait.ge [sflag:s24], $0x3E80  }
0x150: {  	[sflag:s24] =	ssyncset.done $0x0  }
0x151: {  	[sflag:s24] =	ssyncadd.s32 $0xFFFFC180  }
0x152: {  	[spmem:s6] =	stream.indirect.scatter.add.f32 [tilespmem:s23], [sflag:$0x5], $0x10, s11, s31, $0xb8;
	[tilespmem:$0x1F860] =	vst v63  }
0x153: {  	s15 =	simm.s32 $0x16290  }
0x154: {  	[tilespmem:s1], [sflag:$0x1] =	stream.indirect.gather [hbm4b:s0+s31], $0x80, s15, s31, $0xb8;
	[tilespmem:$0x1F860] =	vst v63  }
0x155: {  	_ =	swait.ge [sflag:s10], $0x3E80  }
0x156: {  	[sflag:s10] =	ssyncset.done $0x0  }
0x157: {  	[sflag:s10] =	ssyncadd.s32 $0xFFFFC180  }
0x158: {  	[spmem:s5] =	stream.indirect.scatter.add.f32 [tilespmem:s4], [sflag:$0x6], $0x80, s16, s31, $0xb8;
	[tilespmem:$0x1F860] =	vst v63  }
0x159: {  	_ =	swait.ge [sflag:s24], $0x3E80  }
0x15a: {  	[sflag:s24] =	ssyncset.done $0x0  }
0x15b: {  	[sflag:s24] =	ssyncadd.s32 $0xFFFFC180  }
0x15c: {  	[spmem:s6] =	stream.indirect.scatter.add.f32 [tilespmem:s23], [sflag:$0x5], $0x10, s16, s31, $0xb8;
	[tilespmem:$0x1F860] =	vst v63  }
0x15d: {  	s26 =	simm.s32 $0x16310  }
0x15e: {  	[tilespmem:s4], [sflag:$0x2] =	stream.indirect.gather [hbm4b:s0+s31], $0x80, s26, s31, $0xb8;
	[tilespmem:$0x1F860] =	vst v63  }
0x15f: {  	_ =	swait.ge [sflag:s8], $0x3E80  }
0x160: {  	[sflag:s8] =	ssyncset.done $0x0  }
0x161: {  	[sflag:s8] =	ssyncadd.s32 $0xFFFFC180  }
0x162: {  	[spmem:s5] =	stream.indirect.scatter.add.f32 [tilespmem:s1], [sflag:$0x6], $0x80, s7, s31, $0xb8;
	[tilespmem:$0x1F860] =	vst v63  }
0x163: {  	_ =	swait.ge [sflag:s24], $0x3E80  }
0x164: {  	[sflag:s24] =	ssyncset.done $0x0  }
0x165: {  	[sflag:s24] =	ssyncadd.s32 $0xFFFFC180  }
0x166: {  	[spmem:s6] =	stream.indirect.scatter.add.f32 [tilespmem:s23], [sflag:$0x5], $0x10, s7, s31, $0xb8;
	[tilespmem:$0x1F860] =	vst v63  }
0x167: {  	s15 =	simm.s32 $0x16390  }
0x168: {  	[tilespmem:s1], [sflag:$0x1] =	stream.indirect.gather [hbm4b:s0+s31], $0x80, s15, s31, $0xb8;
	[tilespmem:$0x1F860] =	vst v63  }
0x169: {  	_ =	swait.ge [sflag:s10], $0x3E80  }
0x16a: {  	[sflag:s10] =	ssyncset.done $0x0  }
0x16b: {  	[sflag:s10] =	ssyncadd.s32 $0xFFFFC180  }
0x16c: {  	[spmem:s5] =	stream.indirect.scatter.add.f32 [tilespmem:s4], [sflag:$0x6], $0x80, s22, s31, $0xb8;
	[tilespmem:$0x1F860] =	vst v63  }
0x16d: {  	_ =	swait.ge [sflag:s24], $0x3E80  }
0x16e: {  	[sflag:s24] =	ssyncset.done $0x0  }
0x16f: {  	[sflag:s24] =	ssyncadd.s32 $0xFFFFC180  }
0x170: {  	[spmem:s6] =	stream.indirect.scatter.add.f32 [tilespmem:s23], [sflag:$0x5], $0x10, s22, s31, $0xb8;
	[tilespmem:$0x1F860] =	vst v63  }
0x171: {  	s26 =	simm.s32 $0x16410  }
0x172: {  	[tilespmem:s4], [sflag:$0x2] =	stream.indirect.gather [hbm4b:s0+s31], $0x80, s26, s31, $0xb8;
	[tilespmem:$0x1F860] =	vst v63  }
0x173: {  	_ =	swait.ge [sflag:s8], $0x3E80  }
0x174: {  	[sflag:s8] =	ssyncset.done $0x0  }
0x175: {  	[sflag:s8] =	ssyncadd.s32 $0xFFFFC180  }
0x176: {  	[spmem:s5] =	stream.indirect.scatter.add.f32 [tilespmem:s1], [sflag:$0x6], $0x80, s25, s31, $0xb8;
	[tilespmem:$0x1F860] =	vst v63  }
0x177: {  	_ =	swait.ge [sflag:s24], $0x3E80  }
0x178: {  	[sflag:s24] =	ssyncset.done $0x0  }
0x179: {  	[sflag:s24] =	ssyncadd.s32 $0xFFFFC180  }
0x17a: {  	[spmem:s6] =	stream.indirect.scatter.add.f32 [tilespmem:s23], [sflag:$0x5], $0x10, s25, s31, $0xb8;
	[tilespmem:$0x1F860] =	vst v63  }
0x17b: {  	_ =	swait.ge [sflag:s10], $0x3E80  }
0x17c: {  	[sflag:s10] =	ssyncset.done $0x0  }
0x17d: {  	[sflag:s10] =	ssyncadd.s32 $0xFFFFC180  }
0x17e: {  	[spmem:s5] =	stream.indirect.scatter.add.f32 [tilespmem:s4], [sflag:$0x6], $0x80, s20, s31, $0xb8;
	[tilespmem:$0x1F860] =	vst v63  }
0x17f: {  	_ =	swait.ge [sflag:s24], $0x3E80  }
0x180: {  	[sflag:s24] =	ssyncset.done $0x0  }
0x181: {  	p1 =	seq.s32 s18, $0x8C0;
	s12 =	rddreg [dreg:$0x9];
	[sflag:s24] =	ssyncadd.s32 $0xFFFFC180  }
0x182: {  	[spmem:s6] =	stream.indirect.scatter.add.f32 [tilespmem:s23], [sflag:$0x5], $0x10, s20, s31, $0xb8;
	[tilespmem:$0x1F860] =	vst v63  }
0x183: {  	s15 =	simm.s32 @!p1 $0x15F90;
	s26 =	sadd.s32 @!p1 s18, s12;
	s12 =	simm.s32 @!p1 $0x0  }
0x184: {  	[tilespmem:s15], [sflag:$0x3] =	stream.linear.gather @!p1 [hbm4b:s26+s12], $0x500, $0x38;
	[tilespmem:$0x1F860] =	vst v63  }
0x185: {  	s15 =	rddreg [dreg:$0xa]  }
0x186: {  	s15 =	sadd.s32 @!p1 s18, s15;
	s18 =	simm.s32 @!p1 $0x16490  }
0x187: {  	[tilespmem:s18], [sflag:$0x3] =	stream.linear.gather @!p1 [hbm4b:s15+s12], $0x500, $0x38;
	[tilespmem:$0x1F860] =	vst v63  }
0x188: {  	_ =	swait.ge [sflag:s14], $0x500  }
0x189: {  	[sflag:s14] =	ssyncset.done $0x0  }
0x18a: {  	[sflag:s14] =	ssyncadd.s32 $0xFFFFFB00  }
0x18b: {  	_ =	swait.ge [sflag:s14], $0x500  }
0x18c: {  	[sflag:s14] =	ssyncset.done $0x0  }
0x18d: {  	[sflag:s14] =	ssyncadd.s32 $0xFFFFFB00  }
0x18e: {  	[tilespmem:s1], [sflag:$0x1] =	stream.indirect.gather [hbm4b:s0+s31], $0x80, s28, s31, $0xb8;
	[tilespmem:$0x1F860] =	vst v63  }
0x18f: {  	s26 =	simm.s32 $0x16A10  }
0x190: {  	[tilespmem:s4], [sflag:$0x2] =	stream.indirect.gather [hbm4b:s0+s31], $0x80, s26, s31, $0xb8;
	[tilespmem:$0x1F860] =	vst v63  }
0x191: {  	_ =	swait.ge [sflag:s8], $0x3E80  }
0x192: {  	[sflag:s8] =	ssyncset.done $0x0  }
0x193: {  	[sflag:s8] =	ssyncadd.s32 $0xFFFFC180  }
0x194: {  	[spmem:s5] =	stream.indirect.scatter.add.f32 [tilespmem:s1], [sflag:$0x6], $0x80, s29, s31, $0xb8;
	[tilespmem:$0x1F860] =	vst v63  }
0x195: {  	_ =	swait.ge [sflag:s24], $0x3E80  }
0x196: {  	[sflag:s24] =	ssyncset.done $0x0  }
0x197: {  	[sflag:s24] =	ssyncadd.s32 $0xFFFFC180  }
0x198: {  	[spmem:s6] =	stream.indirect.scatter.add.f32 [tilespmem:s23], [sflag:$0x5], $0x10, s29, s31, $0xb8;
	[tilespmem:$0x1F860] =	vst v63  }
0x199: {  	s18 =	simm.s32 $0x16A90  }
0x19a: {  	[tilespmem:s1], [sflag:$0x1] =	stream.indirect.gather [hbm4b:s0+s31], $0x80, s18, s31, $0xb8;
	[tilespmem:$0x1F860] =	vst v63  }
0x19b: {  	_ =	swait.ge [sflag:s10], $0x3E80  }
0x19c: {  	[sflag:s10] =	ssyncset.done $0x0  }
0x19d: {  	s26 =	simm.s32 $0x16F10;
	[sflag:s10] =	ssyncadd.s32 $0xFFFFC180  }
0x19e: {  	[spmem:s5] =	stream.indirect.scatter.add.f32 [tilespmem:s4], [sflag:$0x6], $0x80, s26, s31, $0xb8;
	[tilespmem:$0x1F860] =	vst v63  }
0x19f: {  	_ =	swait.ge [sflag:s24], $0x3E80  }
0x1a0: {  	[sflag:s24] =	ssyncset.done $0x0  }
0x1a1: {  	[sflag:s24] =	ssyncadd.s32 $0xFFFFC180  }
0x1a2: {  	[spmem:s6] =	stream.indirect.scatter.add.f32 [tilespmem:s23], [sflag:$0x5], $0x10, s26, s31, $0xb8;
	[tilespmem:$0x1F860] =	vst v63  }
0x1a3: {  	s18 =	simm.s32 $0x16B10  }
0x1a4: {  	[tilespmem:s4], [sflag:$0x2] =	stream.indirect.gather [hbm4b:s0+s31], $0x80, s18, s31, $0xb8;
	[tilespmem:$0x1F860] =	vst v63  }
0x1a5: {  	_ =	swait.ge [sflag:s8], $0x3E80  }
0x1a6: {  	[sflag:s8] =	ssyncset.done $0x0  }
0x1a7: {  	s26 =	simm.s32 $0x16F90;
	[sflag:s8] =	ssyncadd.s32 $0xFFFFC180  }
0x1a8: {  	[spmem:s5] =	stream.indirect.scatter.add.f32 [tilespmem:s1], [sflag:$0x6], $0x80, s26, s31, $0xb8;
	[tilespmem:$0x1F860] =	vst v63  }
0x1a9: {  	_ =	swait.ge [sflag:s24], $0x3E80  }
0x1aa: {  	[sflag:s24] =	ssyncset.done $0x0  }
0x1ab: {  	[sflag:s24] =	ssyncadd.s32 $0xFFFFC180  }
0x1ac: {  	[spmem:s6] =	stream.indirect.scatter.add.f32 [tilespmem:s23], [sflag:$0x5], $0x10, s26, s31, $0xb8;
	[tilespmem:$0x1F860] =	vst v63  }
0x1ad: {  	s18 =	simm.s32 $0x16B90  }
0x1ae: {  	[tilespmem:s1], [sflag:$0x1] =	stream.indirect.gather [hbm4b:s0+s31], $0x80, s18, s31, $0xb8;
	[tilespmem:$0x1F860] =	vst v63  }
0x1af: {  	_ =	swait.ge [sflag:s10], $0x3E80  }
0x1b0: {  	[sflag:s10] =	ssyncset.done $0x0  }
0x1b1: {  	s26 =	simm.s32 $0x17010;
	[sflag:s10] =	ssyncadd.s32 $0xFFFFC180  }
0x1b2: {  	[spmem:s5] =	stream.indirect.scatter.add.f32 [tilespmem:s4], [sflag:$0x6], $0x80, s26, s31, $0xb8;
	[tilespmem:$0x1F860] =	vst v63  }
0x1b3: {  	_ =	swait.ge [sflag:s24], $0x3E80  }
0x1b4: {  	[sflag:s24] =	ssyncset.done $0x0  }
0x1b5: {  	[sflag:s24] =	ssyncadd.s32 $0xFFFFC180  }
0x1b6: {  	[spmem:s6] =	stream.indirect.scatter.add.f32 [tilespmem:s23], [sflag:$0x5], $0x10, s26, s31, $0xb8;
	[tilespmem:$0x1F860] =	vst v63  }
0x1b7: {  	s18 =	simm.s32 $0x16C10  }
0x1b8: {  	[tilespmem:s4], [sflag:$0x2] =	stream.indirect.gather [hbm4b:s0+s31], $0x80, s18, s31, $0xb8;
	[tilespmem:$0x1F860] =	vst v63  }
0x1b9: {  	_ =	swait.ge [sflag:s8], $0x3E80  }
0x1ba: {  	[sflag:s8] =	ssyncset.done $0x0  }
0x1bb: {  	s26 =	simm.s32 $0x17090;
	[sflag:s8] =	ssyncadd.s32 $0xFFFFC180  }
0x1bc: {  	[spmem:s5] =	stream.indirect.scatter.add.f32 [tilespmem:s1], [sflag:$0x6], $0x80, s26, s31, $0xb8;
	[tilespmem:$0x1F860] =	vst v63  }
0x1bd: {  	_ =	swait.ge [sflag:s24], $0x3E80  }
0x1be: {  	[sflag:s24] =	ssyncset.done $0x0  }
0x1bf: {  	[sflag:s24] =	ssyncadd.s32 $0xFFFFC180  }
0x1c0: {  	[spmem:s6] =	stream.indirect.scatter.add.f32 [tilespmem:s23], [sflag:$0x5], $0x10, s26, s31, $0xb8;
	[tilespmem:$0x1F860] =	vst v63  }
0x1c1: {  	s18 =	simm.s32 $0x16C90  }
0x1c2: {  	[tilespmem:s1], [sflag:$0x1] =	stream.indirect.gather [hbm4b:s0+s31], $0x80, s18, s31, $0xb8;
	[tilespmem:$0x1F860] =	vst v63  }
0x1c3: {  	_ =	swait.ge [sflag:s10], $0x3E80  }
0x1c4: {  	[sflag:s10] =	ssyncset.done $0x0  }
0x1c5: {  	s26 =	simm.s32 $0x17110;
	[sflag:s10] =	ssyncadd.s32 $0xFFFFC180  }
0x1c6: {  	[spmem:s5] =	stream.indirect.scatter.add.f32 [tilespmem:s4], [sflag:$0x6], $0x80, s26, s31, $0xb8;
	[tilespmem:$0x1F860] =	vst v63  }
0x1c7: {  	_ =	swait.ge [sflag:s24], $0x3E80  }
0x1c8: {  	[sflag:s24] =	ssyncset.done $0x0  }
0x1c9: {  	[sflag:s24] =	ssyncadd.s32 $0xFFFFC180  }
0x1ca: {  	[spmem:s6] =	stream.indirect.scatter.add.f32 [tilespmem:s23], [sflag:$0x5], $0x10, s26, s31, $0xb8;
	[tilespmem:$0x1F860] =	vst v63  }
0x1cb: {  	s18 =	simm.s32 $0x16D10  }
0x1cc: {  	[tilespmem:s4], [sflag:$0x2] =	stream.indirect.gather [hbm4b:s0+s31], $0x80, s18, s31, $0xb8;
	[tilespmem:$0x1F860] =	vst v63  }
0x1cd: {  	_ =	swait.ge [sflag:s8], $0x3E80  }
0x1ce: {  	[sflag:s8] =	ssyncset.done $0x0  }
0x1cf: {  	s26 =	simm.s32 $0x17190;
	[sflag:s8] =	ssyncadd.s32 $0xFFFFC180  }
0x1d0: {  	[spmem:s5] =	stream.indirect.scatter.add.f32 [tilespmem:s1], [sflag:$0x6], $0x80, s26, s31, $0xb8;
	[tilespmem:$0x1F860] =	vst v63  }
0x1d1: {  	_ =	swait.ge [sflag:s24], $0x3E80  }
0x1d2: {  	[sflag:s24] =	ssyncset.done $0x0  }
0x1d3: {  	[sflag:s24] =	ssyncadd.s32 $0xFFFFC180  }
0x1d4: {  	[spmem:s6] =	stream.indirect.scatter.add.f32 [tilespmem:s23], [sflag:$0x5], $0x10, s26, s31, $0xb8;
	[tilespmem:$0x1F860] =	vst v63  }
0x1d5: {  	s26 =	simm.s32 $0x16D90  }
0x1d6: {  	[tilespmem:s1], [sflag:$0x1] =	stream.indirect.gather [hbm4b:s0+s31], $0x80, s26, s31, $0xb8;
	[tilespmem:$0x1F860] =	vst v63  }
0x1d7: {  	_ =	swait.ge [sflag:s10], $0x3E80  }
0x1d8: {  	[sflag:s10] =	ssyncset.done $0x0  }
0x1d9: {  	s18 =	simm.s32 $0x17210;
	[sflag:s10] =	ssyncadd.s32 $0xFFFFC180  }
0x1da: {  	[spmem:s5] =	stream.indirect.scatter.add.f32 [tilespmem:s4], [sflag:$0x6], $0x80, s18, s31, $0xb8;
	[tilespmem:$0x1F860] =	vst v63  }
0x1db: {  	_ =	swait.ge [sflag:s24], $0x3E80  }
0x1dc: {  	[sflag:s24] =	ssyncset.done $0x0  }
0x1dd: {  	[sflag:s24] =	ssyncadd.s32 $0xFFFFC180  }
0x1de: {  	[spmem:s6] =	stream.indirect.scatter.add.f32 [tilespmem:s23], [sflag:$0x5], $0x10, s18, s31, $0xb8;
	[tilespmem:$0x1F860] =	vst v63  }
0x1df: {  	_ = 	snop  }
0x1e0: {  	[tilespmem:s4], [sflag:$0x2] =	stream.indirect.gather [hbm4b:s0+s31], $0x80, s21, s31, $0xb8;
	[tilespmem:$0x1F860] =	vst v63  }
0x1e1: {  	_ =	swait.ge [sflag:s8], $0x3E80  }
0x1e2: {  	[sflag:s8] =	ssyncset.done $0x0  }
0x1e3: {  	s26 =	simm.s32 $0x17290;
	[sflag:s8] =	ssyncadd.s32 $0xFFFFC180  }
0x1e4: {  	[spmem:s5] =	stream.indirect.scatter.add.f32 [tilespmem:s1], [sflag:$0x6], $0x80, s26, s31, $0xb8;
	[tilespmem:$0x1F860] =	vst v63  }
0x1e5: {  	_ =	swait.ge [sflag:s24], $0x3E80  }
0x1e6: {  	[sflag:s24] =	ssyncset.done $0x0  }
0x1e7: {  	[sflag:s24] =	ssyncadd.s32 $0xFFFFC180  }
0x1e8: {  	[spmem:s6] =	stream.indirect.scatter.add.f32 [tilespmem:s23], [sflag:$0x5], $0x10, s26, s31, $0xb8;
	[tilespmem:$0x1F860] =	vst v63  }
0x1e9: {  	s3 =	sadd.s32 $0x140, s3;
	_ =	swait.ge [sflag:s10], $0x3E80  }
0x1ea: {  	p0 =	sne.s32 s3, $0xA00;
	[sflag:s10] =	ssyncset.done $0x0  }
.Ltmp0:
0x1eb: {  	s26 =	simm.s32 $0x17310;
	[sflag:s10] =	ssyncadd.s32 $0xFFFFC180;
	(pc) =	sbr.rel @p0 .LBB2_2-.Ltmp0, $4  }
0x1ec: {  	[spmem:s5] =	stream.indirect.scatter.add.f32 [tilespmem:s4], [sflag:$0x6], $0x80, s26, s31, $0xb8;
	[tilespmem:$0x1F860] =	vst v63  }
0x1ed: {  	_ =	swait.ge [sflag:s24], $0x3E80  }
0x1ee: {  	[sflag:s24] =	ssyncset.done $0x0  }
0x1ef: {  	s15 =	simm.s32 $0x16490;
	s12 =	simm.s32 $0x15F90;
	[sflag:s24] =	ssyncadd.s32 $0xFFFFC180  }
0x1f0: {  	s28 =	rddreg [dreg:$0xb]  }
0x1f1: {  	s22 =	rddreg [dreg:$0x8]  }
0x1f2: {  	[spmem:s6] =	stream.indirect.scatter.add.f32 [tilespmem:s23], [sflag:$0x5], $0x10, s26, s31, $0xb8;
	[tilespmem:$0x1F860] =	vst v63  }
0x1f3: {  	s21 =	rddreg [dreg:$0x9];
	s7 =	simm.s32 $0x5  }
0x1f4: {  	s18 =	rddreg [dreg:$0xa];
	_ =	swait.ge [sflag:s7], $0x7D0  }
0x1f5: {  	s3 =	simm.s32 $0x9F;
	[sflag:s7] =	ssyncset.done $0x0  }
.LBB2_4:
0x1f6: {  	p0 =	sne.s32 s3, $0x1;
	s3 =	sadd.s32 $0xFFFFFFFF, s3;
	[sflag:s7] =	ssyncadd.s32 $0xFFFFF830  }
.Ltmp1:
0x1f7: {  	(pc) =	sbr.rel @p0 .LBB2_4-.Ltmp1, $3  }
0x1f8: {  	_ =	sdelay $0x1  }
0x1f9: {  	_ =	swait.ge [sflag:s7], $0x7D0  }
0x1fa: {  	[sflag:s7] =	ssyncset.done $0x0  }
0x1fb: {  	[sflag:s7] =	ssyncadd.s32 $0xFFFFF830  }
0x1fc: {  	[bflag:$0x0] =	sbarrier.arrive $0xFFFF  }
0x1fd: {  	s3 =	rddreg [dreg:$0x12]  }
0x1fe: {  	s20 =	rddreg [dreg:$0x18]  }
0x1ff: {  	s9 =	rddreg [dreg:$0x19]  }
0x200: {  	[hbm:s3], [sflag:s20] =	dma.local [spmem:s9], $0x2710  }
0x201: {  	_ =	swait.ge [sflag:s24], $0x2710  }
0x202: {  	[sflag:s24] =	ssyncset.done $0x0;
	s25 =	rddreg [dreg:$0x13]  }
0x203: {  	s11 =	rddreg [dreg:$0x1a];
	[sflag:s24] =	ssyncadd.s32 $0xFFFFD8F0  }
0x204: {  	[hbm:s25], [sflag:s20] =	dma.local [spmem:s11], $0x4E2  }
0x205: {  	_ =	swait.ge [sflag:s24], $0x4E2  }
0x206: {  	[sflag:s24] =	ssyncset.done $0x0  }
0x207: {  	s26 =	rddreg [dreg:$0x14];
	[sflag:s24] =	ssyncadd.s32 $0xFFFFFB1E  }
0x208: {  	[spmem:s9], [sflag:s20] =	dma.local [hbm:s26], $0x2710  }
0x209: {  	_ =	swait.ge [sflag:s24], $0x2710  }
0x20a: {  	[sflag:s24] =	ssyncset.done $0x0  }
0x20b: {  	[sflag:s24] =	ssyncadd.s32 $0xFFFFD8F0  }
0x20c: {  	[bflag:$0x0] =	sbarrier.arrive $0xFFFF  }
0x20d: {  	s9 =	simm.s32 $0x0;
	s11 =	rddreg [dreg:$0xf]  }
0x20e: {  	[tilespmem:s12], [sflag:$0x3] =	stream.linear.gather [hbm4b:s11+s9], $0x500, $0x38;
	[tilespmem:$0x1F860] =	vst v63  }
0x20f: {  	s13 =	rddreg [dreg:$0x11]  }
0x210: {  	[tilespmem:s15], [sflag:$0x3] =	stream.linear.gather [hbm4b:s13+s9], $0x500, $0x38;
	[tilespmem:$0x1F860] =	vst v63  }
0x211: {  	s16 =	sadd.s32 $0x0, s28;
	s19 =	simm.s32 $0x0;
	s17 =	simm.s32 $0x16990  }
0x212: {  	[tilespmem:s17], [sflag:$0x4] =	stream.linear.gather [hbm4b:s16+s19], $0x500, $0x38;
	[tilespmem:$0x1F860] =	vst v63  }
0x213: {  	s20 =	sadd.s32 $0x0, s22  }
0x214: {  	[tilespmem:s29], [sflag:$0x4] =	stream.linear.gather [hbm4b:s20+s19], $0x500, $0x38;
	[tilespmem:$0x1F860] =	vst v63  }
0x215: {  	_ =	swait.ge [sflag:s30], $0x500  }
0x216: {  	[sflag:s30] =	ssyncset.done $0x0  }
0x217: {  	[sflag:s30] =	ssyncadd.s32 $0xFFFFFB00  }
0x218: {  	_ =	swait.ge [sflag:s30], $0x500  }
0x219: {  	[sflag:s30] =	ssyncset.done $0x0  }
0x21a: {  	[sflag:s30] =	ssyncadd.s32 $0xFFFFFB00  }
0x21b: {  	[tilespmem:s1], [sflag:$0x1] =	stream.indirect.gather [hbm4b:s2+s31], $0x80, s12, s31, $0xb8;
	[tilespmem:$0x1F860] =	vst v63  }
0x21c: {  	s22 =	simm.s32 $0x16010  }
0x21d: {  	[tilespmem:s4], [sflag:$0x2] =	stream.indirect.gather [hbm4b:s2+s31], $0x80, s22, s31, $0xb8;
	[tilespmem:$0x1F860] =	vst v63  }
0x21e: {  	_ =	swait.ge [sflag:s8], $0x3E80  }
0x21f: {  	[sflag:s8] =	ssyncset.done $0x0  }
0x220: {  	[sflag:s8] =	ssyncadd.s32 $0xFFFFC180  }
0x221: {  	[spmem:s5] =	stream.indirect.scatter.add.f32 [tilespmem:s1], [sflag:$0x6], $0x80, s15, s31, $0xb8;
	[tilespmem:$0x1F860] =	vst v63  }
0x222: {  	_ =	swait.ge [sflag:s24], $0x3E80  }
0x223: {  	[sflag:s24] =	ssyncset.done $0x0  }
0x224: {  	s25 =	simm.s32 $0x16090;
	[sflag:s24] =	ssyncadd.s32 $0xFFFFC180  }
0x225: {  	[tilespmem:s1], [sflag:$0x1] =	stream.indirect.gather [hbm4b:s2+s31], $0x80, s25, s31, $0xb8;
	[tilespmem:$0x1F860] =	vst v63  }
0x226: {  	_ =	swait.ge [sflag:s10], $0x3E80  }
0x227: {  	[sflag:s10] =	ssyncset.done $0x0  }
0x228: {  	s7 =	simm.s32 $0x16510;
	[sflag:s10] =	ssyncadd.s32 $0xFFFFC180  }
0x229: {  	[spmem:s5] =	stream.indirect.scatter.add.f32 [tilespmem:s4], [sflag:$0x6], $0x80, s7, s31, $0xb8;
	[tilespmem:$0x1F860] =	vst v63  }
0x22a: {  	_ =	swait.ge [sflag:s24], $0x3E80  }
0x22b: {  	[sflag:s24] =	ssyncset.done $0x0  }
0x22c: {  	s11 =	simm.s32 $0x16110;
	[sflag:s24] =	ssyncadd.s32 $0xFFFFC180  }
0x22d: {  	[tilespmem:s4], [sflag:$0x2] =	stream.indirect.gather [hbm4b:s2+s31], $0x80, s11, s31, $0xb8;
	[tilespmem:$0x1F860] =	vst v63  }
0x22e: {  	_ =	swait.ge [sflag:s8], $0x3E80  }
0x22f: {  	[sflag:s8] =	ssyncset.done $0x0  }
0x230: {  	s13 =	simm.s32 $0x16590;
	[sflag:s8] =	ssyncadd.s32 $0xFFFFC180  }
0x231: {  	[spmem:s5] =	stream.indirect.scatter.add.f32 [tilespmem:s1], [sflag:$0x6], $0x80, s13, s31, $0xb8;
	[tilespmem:$0x1F860] =	vst v63  }
0x232: {  	_ =	swait.ge [sflag:s24], $0x3E80  }
0x233: {  	[sflag:s24] =	ssyncset.done $0x0  }
0x234: {  	s17 =	simm.s32 $0x16190;
	[sflag:s24] =	ssyncadd.s32 $0xFFFFC180  }
0x235: {  	[tilespmem:s1], [sflag:$0x1] =	stream.indirect.gather [hbm4b:s2+s31], $0x80, s17, s31, $0xb8;
	[tilespmem:$0x1F860] =	vst v63  }
0x236: {  	_ =	swait.ge [sflag:s10], $0x3E80  }
0x237: {  	[sflag:s10] =	ssyncset.done $0x0  }
0x238: {  	s12 =	simm.s32 $0x16610;
	[sflag:s10] =	ssyncadd.s32 $0xFFFFC180  }
0x239: {  	[spmem:s5] =	stream.indirect.scatter.add.f32 [tilespmem:s4], [sflag:$0x6], $0x80, s12, s31, $0xb8;
	[tilespmem:$0x1F860] =	vst v63  }
0x23a: {  	_ =	swait.ge [sflag:s24], $0x3E80  }
0x23b: {  	[sflag:s24] =	ssyncset.done $0x0  }
0x23c: {  	s15 =	simm.s32 $0x16210;
	[sflag:s24] =	ssyncadd.s32 $0xFFFFC180  }
0x23d: {  	[tilespmem:s4], [sflag:$0x2] =	stream.indirect.gather [hbm4b:s2+s31], $0x80, s15, s31, $0xb8;
	[tilespmem:$0x1F860] =	vst v63  }
0x23e: {  	_ =	swait.ge [sflag:s8], $0x3E80  }
0x23f: {  	[sflag:s8] =	ssyncset.done $0x0  }
0x240: {  	s11 =	simm.s32 $0x16690;
	[sflag:s8] =	ssyncadd.s32 $0xFFFFC180  }
0x241: {  	[spmem:s5] =	stream.indirect.scatter.add.f32 [tilespmem:s1], [sflag:$0x6], $0x80, s11, s31, $0xb8;
	[tilespmem:$0x1F860] =	vst v63  }
0x242: {  	_ =	swait.ge [sflag:s24], $0x3E80  }
0x243: {  	[sflag:s24] =	ssyncset.done $0x0  }
0x244: {  	s16 =	simm.s32 $0x16290;
	[sflag:s24] =	ssyncadd.s32 $0xFFFFC180  }
0x245: {  	[tilespmem:s1], [sflag:$0x1] =	stream.indirect.gather [hbm4b:s2+s31], $0x80, s16, s31, $0xb8;
	[tilespmem:$0x1F860] =	vst v63  }
0x246: {  	_ =	swait.ge [sflag:s10], $0x3E80  }
0x247: {  	[sflag:s10] =	ssyncset.done $0x0  }
0x248: {  	s16 =	simm.s32 $0x16710;
	[sflag:s10] =	ssyncadd.s32 $0xFFFFC180  }
0x249: {  	[spmem:s5] =	stream.indirect.scatter.add.f32 [tilespmem:s4], [sflag:$0x6], $0x80, s16, s31, $0xb8;
	[tilespmem:$0x1F860] =	vst v63  }
0x24a: {  	_ =	swait.ge [sflag:s24], $0x3E80  }
0x24b: {  	[sflag:s24] =	ssyncset.done $0x0  }
0x24c: {  	s20 =	simm.s32 $0x16310;
	[sflag:s24] =	ssyncadd.s32 $0xFFFFC180  }
0x24d: {  	[tilespmem:s4], [sflag:$0x2] =	stream.indirect.gather [hbm4b:s2+s31], $0x80, s20, s31, $0xb8;
	[tilespmem:$0x1F860] =	vst v63  }
0x24e: {  	_ =	swait.ge [sflag:s8], $0x3E80  }
0x24f: {  	[sflag:s8] =	ssyncset.done $0x0  }
0x250: {  	s7 =	simm.s32 $0x16790;
	[sflag:s8] =	ssyncadd.s32 $0xFFFFC180  }
0x251: {  	[spmem:s5] =	stream.indirect.scatter.add.f32 [tilespmem:s1], [sflag:$0x6], $0x80, s7, s31, $0xb8;
	[tilespmem:$0x1F860] =	vst v63  }
0x252: {  	_ =	swait.ge [sflag:s24], $0x3E80  }
0x253: {  	[sflag:s24] =	ssyncset.done $0x0  }
0x254: {  	s22 =	simm.s32 $0x16390;
	[sflag:s24] =	ssyncadd.s32 $0xFFFFC180  }
0x255: {  	[tilespmem:s1], [sflag:$0x1] =	stream.indirect.gather [hbm4b:s2+s31], $0x80, s22, s31, $0xb8;
	[tilespmem:$0x1F860] =	vst v63  }
0x256: {  	_ =	swait.ge [sflag:s10], $0x3E80  }
0x257: {  	[sflag:s10] =	ssyncset.done $0x0  }
0x258: {  	s22 =	simm.s32 $0x16810;
	[sflag:s10] =	ssyncadd.s32 $0xFFFFC180  }
0x259: {  	[spmem:s5] =	stream.indirect.scatter.add.f32 [tilespmem:s4], [sflag:$0x6], $0x80, s22, s31, $0xb8;
	[tilespmem:$0x1F860] =	vst v63  }
0x25a: {  	_ =	swait.ge [sflag:s24], $0x3E80  }
0x25b: {  	[sflag:s24] =	ssyncset.done $0x0  }
0x25c: {  	s25 =	simm.s32 $0x16410;
	[sflag:s24] =	ssyncadd.s32 $0xFFFFC180  }
0x25d: {  	[tilespmem:s4], [sflag:$0x2] =	stream.indirect.gather [hbm4b:s2+s31], $0x80, s25, s31, $0xb8;
	[tilespmem:$0x1F860] =	vst v63  }
0x25e: {  	_ =	swait.ge [sflag:s8], $0x3E80  }
0x25f: {  	[sflag:s8] =	ssyncset.done $0x0  }
0x260: {  	s25 =	simm.s32 $0x16890;
	[sflag:s8] =	ssyncadd.s32 $0xFFFFC180  }
0x261: {  	[spmem:s5] =	stream.indirect.scatter.add.f32 [tilespmem:s1], [sflag:$0x6], $0x80, s25, s31, $0xb8;
	[tilespmem:$0x1F860] =	vst v63  }
0x262: {  	_ =	swait.ge [sflag:s24], $0x3E80  }
0x263: {  	[sflag:s24] =	ssyncset.done $0x0  }
0x264: {  	[sflag:s24] =	ssyncadd.s32 $0xFFFFC180  }
0x265: {  	_ =	swait.ge [sflag:s10], $0x3E80  }
0x266: {  	[sflag:s10] =	ssyncset.done $0x0  }
0x267: {  	s20 =	simm.s32 $0x16910;
	[sflag:s10] =	ssyncadd.s32 $0xFFFFC180  }
0x268: {  	[spmem:s5] =	stream.indirect.scatter.add.f32 [tilespmem:s4], [sflag:$0x6], $0x80, s20, s31, $0xb8;
	[tilespmem:$0x1F860] =	vst v63  }
0x269: {  	p0 =	por $0x0, $0x0;
	_ =	swait.ge [sflag:s24], $0x3E80  }
0x26a: {  	s3 =	sadd.s32 @!p0 $0x0, s21;
	[sflag:s24] =	ssyncset.done $0x0  }
0x26b: {  	s12 =	simm.s32 @!p0 $0x0;
	s15 =	simm.s32 @!p0 $0x15F90;
	[sflag:s24] =	ssyncadd.s32 $0xFFFFC180  }
0x26c: {  	[tilespmem:s15], [sflag:$0x3] =	stream.linear.gather @!p0 [hbm4b:s3+s12], $0x500, $0x38;
	[tilespmem:$0x1F860] =	vst v63  }
0x26d: {  	s3 =	sadd.s32 @!p0 $0x0, s18;
	s15 =	simm.s32 @!p0 $0x16490  }
0x26e: {  	[tilespmem:s15], [sflag:$0x3] =	stream.linear.gather @!p0 [hbm4b:s3+s12], $0x500, $0x38;
	[tilespmem:$0x1F860] =	vst v63  }
0x26f: {  	_ =	swait.ge [sflag:s14], $0x500  }
0x270: {  	[sflag:s14] =	ssyncset.done $0x0  }
0x271: {  	[sflag:s14] =	ssyncadd.s32 $0xFFFFFB00  }
0x272: {  	_ =	swait.ge [sflag:s14], $0x500  }
0x273: {  	[sflag:s14] =	ssyncset.done $0x0  }
0x274: {  	s15 =	simm.s32 $0x16990;
	[sflag:s14] =	ssyncadd.s32 $0xFFFFFB00  }
0x275: {  	[tilespmem:s1], [sflag:$0x1] =	stream.indirect.gather [hbm4b:s2+s31], $0x80, s15, s31, $0xb8;
	[tilespmem:$0x1F860] =	vst v63  }
0x276: {  	s12 =	simm.s32 $0x16A10  }
0x277: {  	[tilespmem:s4], [sflag:$0x2] =	stream.indirect.gather [hbm4b:s2+s31], $0x80, s12, s31, $0xb8;
	[tilespmem:$0x1F860] =	vst v63  }
0x278: {  	_ =	swait.ge [sflag:s8], $0x3E80  }
0x279: {  	[sflag:s8] =	ssyncset.done $0x0  }
0x27a: {  	[sflag:s8] =	ssyncadd.s32 $0xFFFFC180  }
0x27b: {  	[spmem:s5] =	stream.indirect.scatter.add.f32 [tilespmem:s1], [sflag:$0x6], $0x80, s29, s31, $0xb8;
	[tilespmem:$0x1F860] =	vst v63  }
0x27c: {  	_ =	swait.ge [sflag:s24], $0x3E80  }
0x27d: {  	[sflag:s24] =	ssyncset.done $0x0  }
0x27e: {  	s18 =	simm.s32 $0x16A90;
	[sflag:s24] =	ssyncadd.s32 $0xFFFFC180  }
0x27f: {  	[tilespmem:s1], [sflag:$0x1] =	stream.indirect.gather [hbm4b:s2+s31], $0x80, s18, s31, $0xb8;
	[tilespmem:$0x1F860] =	vst v63  }
0x280: {  	_ =	swait.ge [sflag:s10], $0x3E80  }
0x281: {  	[sflag:s10] =	ssyncset.done $0x0  }
0x282: {  	s21 =	simm.s32 $0x16F10;
	[sflag:s10] =	ssyncadd.s32 $0xFFFFC180  }
0x283: {  	[spmem:s5] =	stream.indirect.scatter.add.f32 [tilespmem:s4], [sflag:$0x6], $0x80, s21, s31, $0xb8;
	[tilespmem:$0x1F860] =	vst v63  }
0x284: {  	_ =	swait.ge [sflag:s24], $0x3E80  }
0x285: {  	[sflag:s24] =	ssyncset.done $0x0  }
0x286: {  	s12 =	simm.s32 $0x16B10;
	[sflag:s24] =	ssyncadd.s32 $0xFFFFC180  }
0x287: {  	[tilespmem:s4], [sflag:$0x2] =	stream.indirect.gather [hbm4b:s2+s31], $0x80, s12, s31, $0xb8;
	[tilespmem:$0x1F860] =	vst v63  }
0x288: {  	_ =	swait.ge [sflag:s8], $0x3E80  }
0x289: {  	[sflag:s8] =	ssyncset.done $0x0  }
0x28a: {  	s18 =	simm.s32 $0x16F90;
	[sflag:s8] =	ssyncadd.s32 $0xFFFFC180  }
0x28b: {  	[spmem:s5] =	stream.indirect.scatter.add.f32 [tilespmem:s1], [sflag:$0x6], $0x80, s18, s31, $0xb8;
	[tilespmem:$0x1F860] =	vst v63  }
0x28c: {  	_ =	swait.ge [sflag:s24], $0x3E80  }
0x28d: {  	[sflag:s24] =	ssyncset.done $0x0  }
0x28e: {  	s21 =	simm.s32 $0x16B90;
	[sflag:s24] =	ssyncadd.s32 $0xFFFFC180  }
0x28f: {  	[tilespmem:s1], [sflag:$0x1] =	stream.indirect.gather [hbm4b:s2+s31], $0x80, s21, s31, $0xb8;
	[tilespmem:$0x1F860] =	vst v63  }
0x290: {  	_ =	swait.ge [sflag:s10], $0x3E80  }
0x291: {  	[sflag:s10] =	ssyncset.done $0x0  }
0x292: {  	s12 =	simm.s32 $0x17010;
	[sflag:s10] =	ssyncadd.s32 $0xFFFFC180  }
0x293: {  	[spmem:s5] =	stream.indirect.scatter.add.f32 [tilespmem:s4], [sflag:$0x6], $0x80, s12, s31, $0xb8;
	[tilespmem:$0x1F860] =	vst v63  }
0x294: {  	_ =	swait.ge [sflag:s24], $0x3E80  }
0x295: {  	[sflag:s24] =	ssyncset.done $0x0  }
0x296: {  	s18 =	simm.s32 $0x16C10;
	[sflag:s24] =	ssyncadd.s32 $0xFFFFC180  }
0x297: {  	[tilespmem:s4], [sflag:$0x2] =	stream.indirect.gather [hbm4b:s2+s31], $0x80, s18, s31, $0xb8;
	[tilespmem:$0x1F860] =	vst v63  }
0x298: {  	_ =	swait.ge [sflag:s8], $0x3E80  }
0x299: {  	[sflag:s8] =	ssyncset.done $0x0  }
0x29a: {  	s21 =	simm.s32 $0x17090;
	[sflag:s8] =	ssyncadd.s32 $0xFFFFC180  }
0x29b: {  	[spmem:s5] =	stream.indirect.scatter.add.f32 [tilespmem:s1], [sflag:$0x6], $0x80, s21, s31, $0xb8;
	[tilespmem:$0x1F860] =	vst v63  }
0x29c: {  	_ =	swait.ge [sflag:s24], $0x3E80  }
0x29d: {  	[sflag:s24] =	ssyncset.done $0x0  }
0x29e: {  	s12 =	simm.s32 $0x16C90;
	[sflag:s24] =	ssyncadd.s32 $0xFFFFC180  }
0x29f: {  	[tilespmem:s1], [sflag:$0x1] =	stream.indirect.gather [hbm4b:s2+s31], $0x80, s12, s31, $0xb8;
	[tilespmem:$0x1F860] =	vst v63  }
0x2a0: {  	_ =	swait.ge [sflag:s10], $0x3E80  }
0x2a1: {  	[sflag:s10] =	ssyncset.done $0x0  }
0x2a2: {  	s18 =	simm.s32 $0x17110;
	[sflag:s10] =	ssyncadd.s32 $0xFFFFC180  }
0x2a3: {  	[spmem:s5] =	stream.indirect.scatter.add.f32 [tilespmem:s4], [sflag:$0x6], $0x80, s18, s31, $0xb8;
	[tilespmem:$0x1F860] =	vst v63  }
0x2a4: {  	_ =	swait.ge [sflag:s24], $0x3E80  }
0x2a5: {  	[sflag:s24] =	ssyncset.done $0x0  }
0x2a6: {  	s21 =	simm.s32 $0x16D10;
	[sflag:s24] =	ssyncadd.s32 $0xFFFFC180  }
0x2a7: {  	[tilespmem:s4], [sflag:$0x2] =	stream.indirect.gather [hbm4b:s2+s31], $0x80, s21, s31, $0xb8;
	[tilespmem:$0x1F860] =	vst v63  }
0x2a8: {  	_ =	swait.ge [sflag:s8], $0x3E80  }
0x2a9: {  	[sflag:s8] =	ssyncset.done $0x0  }
0x2aa: {  	s12 =	simm.s32 $0x17190;
	[sflag:s8] =	ssyncadd.s32 $0xFFFFC180  }
0x2ab: {  	[spmem:s5] =	stream.indirect.scatter.add.f32 [tilespmem:s1], [sflag:$0x6], $0x80, s12, s31, $0xb8;
	[tilespmem:$0x1F860] =	vst v63  }
0x2ac: {  	_ =	swait.ge [sflag:s24], $0x3E80  }
0x2ad: {  	[sflag:s24] =	ssyncset.done $0x0  }
0x2ae: {  	s18 =	simm.s32 $0x16D90;
	[sflag:s24] =	ssyncadd.s32 $0xFFFFC180  }
0x2af: {  	[tilespmem:s1], [sflag:$0x1] =	stream.indirect.gather [hbm4b:s2+s31], $0x80, s18, s31, $0xb8;
	[tilespmem:$0x1F860] =	vst v63  }
0x2b0: {  	_ =	swait.ge [sflag:s10], $0x3E80  }
0x2b1: {  	[sflag:s10] =	ssyncset.done $0x0  }
0x2b2: {  	s21 =	simm.s32 $0x17210;
	[sflag:s10] =	ssyncadd.s32 $0xFFFFC180  }
0x2b3: {  	[spmem:s5] =	stream.indirect.scatter.add.f32 [tilespmem:s4], [sflag:$0x6], $0x80, s21, s31, $0xb8;
	[tilespmem:$0x1F860] =	vst v63  }
0x2b4: {  	_ =	swait.ge [sflag:s24], $0x3E80  }
0x2b5: {  	[sflag:s24] =	ssyncset.done $0x0  }
0x2b6: {  	s21 =	simm.s32 $0x16E10;
	[sflag:s24] =	ssyncadd.s32 $0xFFFFC180  }
0x2b7: {  	[tilespmem:s4], [sflag:$0x2] =	stream.indirect.gather [hbm4b:s2+s31], $0x80, s21, s31, $0xb8;
	[tilespmem:$0x1F860] =	vst v63  }
0x2b8: {  	_ =	swait.ge [sflag:s8], $0x3E80  }
0x2b9: {  	[sflag:s8] =	ssyncset.done $0x0  }
0x2ba: {  	s12 =	simm.s32 $0x17290;
	[sflag:s8] =	ssyncadd.s32 $0xFFFFC180  }
0x2bb: {  	[spmem:s5] =	stream.indirect.scatter.add.f32 [tilespmem:s1], [sflag:$0x6], $0x80, s12, s31, $0xb8;
	[tilespmem:$0x1F860] =	vst v63  }
0x2bc: {  	_ =	swait.ge [sflag:s24], $0x3E80  }
0x2bd: {  	[sflag:s24] =	ssyncset.done $0x0  }
0x2be: {  	[sflag:s24] =	ssyncadd.s32 $0xFFFFC180  }
0x2bf: {  	_ =	swait.ge [sflag:s10], $0x3E80  }
0x2c0: {  	s26 =	smov.u32 s28;
	[sflag:s10] =	ssyncset.done $0x0  }
0x2c1: {  	s9 =	simm.s32 $0x16010;
	s18 =	simm.s32 $0x17310;
	[sflag:s10] =	ssyncadd.s32 $0xFFFFC180  }
0x2c2: {  	[spmem:s5] =	stream.indirect.scatter.add.f32 [tilespmem:s4], [sflag:$0x6], $0x80, s18, s31, $0xb8;
	[tilespmem:$0x1F860] =	vst v63  }
0x2c3: {  	s3 =	simm.s32 $0x140;
	s18 =	simm.s32 $0x280;
	_ =	swait.ge [sflag:s24], $0x3E80  }
.LBB2_6:
0x2c4: {  	[sflag:s24] =	ssyncset.done $0x0  }
0x2c5: {  	s12 =	sadd.s32 s3, s26;
	[sflag:s24] =	ssyncadd.s32 $0xFFFFC180  }
0x2c6: {  	[tilespmem:s15], [sflag:$0x4] =	stream.linear.gather [hbm4b:s12+s19], $0x500, $0x38;
	[tilespmem:$0x1F860] =	vst v63  }
0x2c7: {  	s15 =	rddreg [dreg:$0x8]  }
0x2c8: {  	s12 =	sadd.s32 s3, s15  }
0x2c9: {  	[tilespmem:s29], [sflag:$0x4] =	stream.linear.gather [hbm4b:s12+s19], $0x500, $0x38;
	[tilespmem:$0x1F860] =	vst v63  }
0x2ca: {  	_ =	swait.ge [sflag:s30], $0x500  }
0x2cb: {  	[sflag:s30] =	ssyncset.done $0x0  }
0x2cc: {  	[sflag:s30] =	ssyncadd.s32 $0xFFFFFB00  }
0x2cd: {  	_ =	swait.ge [sflag:s30], $0x500  }
0x2ce: {  	[sflag:s30] =	ssyncset.done $0x0  }
0x2cf: {  	s15 =	simm.s32 $0x15F90;
	[sflag:s30] =	ssyncadd.s32 $0xFFFFFB00  }
0x2d0: {  	[tilespmem:s1], [sflag:$0x1] =	stream.indirect.gather [hbm4b:s2+s31], $0x80, s15, s31, $0xb8;
	[tilespmem:$0x1F860] =	vst v63  }
0x2d1: {  	_ = 	snop  }
0x2d2: {  	[tilespmem:s4], [sflag:$0x2] =	stream.indirect.gather [hbm4b:s2+s31], $0x80, s9, s31, $0xb8;
	[tilespmem:$0x1F860] =	vst v63  }
0x2d3: {  	_ =	swait.ge [sflag:s8], $0x3E80  }
0x2d4: {  	[sflag:s8] =	ssyncset.done $0x0  }
0x2d5: {  	s15 =	simm.s32 $0x16490;
	[sflag:s8] =	ssyncadd.s32 $0xFFFFC180  }
0x2d6: {  	[spmem:s5] =	stream.indirect.scatter.add.f32 [tilespmem:s1], [sflag:$0x6], $0x80, s15, s31, $0xb8;
	[tilespmem:$0x1F860] =	vst v63  }
0x2d7: {  	_ =	swait.ge [sflag:s24], $0x3E80  }
0x2d8: {  	[sflag:s24] =	ssyncset.done $0x0  }
0x2d9: {  	s15 =	simm.s32 $0x16090;
	[sflag:s24] =	ssyncadd.s32 $0xFFFFC180  }
0x2da: {  	[tilespmem:s1], [sflag:$0x1] =	stream.indirect.gather [hbm4b:s2+s31], $0x80, s15, s31, $0xb8;
	[tilespmem:$0x1F860] =	vst v63  }
0x2db: {  	_ =	swait.ge [sflag:s10], $0x3E80  }
0x2dc: {  	[sflag:s10] =	ssyncset.done $0x0  }
0x2dd: {  	s15 =	simm.s32 $0x16510;
	[sflag:s10] =	ssyncadd.s32 $0xFFFFC180  }
0x2de: {  	[spmem:s5] =	stream.indirect.scatter.add.f32 [tilespmem:s4], [sflag:$0x6], $0x80, s15, s31, $0xb8;
	[tilespmem:$0x1F860] =	vst v63  }
0x2df: {  	_ =	swait.ge [sflag:s24], $0x3E80  }
0x2e0: {  	[sflag:s24] =	ssyncset.done $0x0  }
0x2e1: {  	s15 =	simm.s32 $0x16110;
	[sflag:s24] =	ssyncadd.s32 $0xFFFFC180  }
0x2e2: {  	[tilespmem:s4], [sflag:$0x2] =	stream.indirect.gather [hbm4b:s2+s31], $0x80, s15, s31, $0xb8;
	[tilespmem:$0x1F860] =	vst v63  }
0x2e3: {  	_ =	swait.ge [sflag:s8], $0x3E80  }
0x2e4: {  	[sflag:s8] =	ssyncset.done $0x0  }
0x2e5: {  	[sflag:s8] =	ssyncadd.s32 $0xFFFFC180  }
0x2e6: {  	[spmem:s5] =	stream.indirect.scatter.add.f32 [tilespmem:s1], [sflag:$0x6], $0x80, s13, s31, $0xb8;
	[tilespmem:$0x1F860] =	vst v63  }
0x2e7: {  	_ =	swait.ge [sflag:s24], $0x3E80  }
0x2e8: {  	[sflag:s24] =	ssyncset.done $0x0  }
0x2e9: {  	[sflag:s24] =	ssyncadd.s32 $0xFFFFC180  }
0x2ea: {  	[tilespmem:s1], [sflag:$0x1] =	stream.indirect.gather [hbm4b:s2+s31], $0x80, s17, s31, $0xb8;
	[tilespmem:$0x1F860] =	vst v63  }
0x2eb: {  	_ =	swait.ge [sflag:s10], $0x3E80  }
0x2ec: {  	[sflag:s10] =	ssyncset.done $0x0  }
0x2ed: {  	s13 =	simm.s32 $0x16610;
	[sflag:s10] =	ssyncadd.s32 $0xFFFFC180  }
0x2ee: {  	[spmem:s5] =	stream.indirect.scatter.add.f32 [tilespmem:s4], [sflag:$0x6], $0x80, s13, s31, $0xb8;
	[tilespmem:$0x1F860] =	vst v63  }
0x2ef: {  	_ =	swait.ge [sflag:s24], $0x3E80  }
0x2f0: {  	[sflag:s24] =	ssyncset.done $0x0  }
0x2f1: {  	s15 =	simm.s32 $0x16210;
	[sflag:s24] =	ssyncadd.s32 $0xFFFFC180  }
0x2f2: {  	[tilespmem:s4], [sflag:$0x2] =	stream.indirect.gather [hbm4b:s2+s31], $0x80, s15, s31, $0xb8;
	[tilespmem:$0x1F860] =	vst v63  }
0x2f3: {  	_ =	swait.ge [sflag:s8], $0x3E80  }
0x2f4: {  	[sflag:s8] =	ssyncset.done $0x0  }
0x2f5: {  	[sflag:s8] =	ssyncadd.s32 $0xFFFFC180  }
0x2f6: {  	[spmem:s5] =	stream.indirect.scatter.add.f32 [tilespmem:s1], [sflag:$0x6], $0x80, s11, s31, $0xb8;
	[tilespmem:$0x1F860] =	vst v63  }
0x2f7: {  	_ =	swait.ge [sflag:s24], $0x3E80  }
0x2f8: {  	[sflag:s24] =	ssyncset.done $0x0  }
0x2f9: {  	s17 =	simm.s32 $0x16290;
	[sflag:s24] =	ssyncadd.s32 $0xFFFFC180  }
0x2fa: {  	[tilespmem:s1], [sflag:$0x1] =	stream.indirect.gather [hbm4b:s2+s31], $0x80, s17, s31, $0xb8;
	[tilespmem:$0x1F860] =	vst v63  }
0x2fb: {  	_ =	swait.ge [sflag:s10], $0x3E80  }
0x2fc: {  	[sflag:s10] =	ssyncset.done $0x0  }
0x2fd: {  	[sflag:s10] =	ssyncadd.s32 $0xFFFFC180  }
0x2fe: {  	[spmem:s5] =	stream.indirect.scatter.add.f32 [tilespmem:s4], [sflag:$0x6], $0x80, s16, s31, $0xb8;
	[tilespmem:$0x1F860] =	vst v63  }
0x2ff: {  	_ =	swait.ge [sflag:s24], $0x3E80  }
0x300: {  	[sflag:s24] =	ssyncset.done $0x0  }
0x301: {  	s13 =	simm.s32 $0x16310;
	[sflag:s24] =	ssyncadd.s32 $0xFFFFC180  }
0x302: {  	[tilespmem:s4], [sflag:$0x2] =	stream.indirect.gather [hbm4b:s2+s31], $0x80, s13, s31, $0xb8;
	[tilespmem:$0x1F860] =	vst v63  }
0x303: {  	_ =	swait.ge [sflag:s8], $0x3E80  }
0x304: {  	[sflag:s8] =	ssyncset.done $0x0  }
0x305: {  	[sflag:s8] =	ssyncadd.s32 $0xFFFFC180  }
0x306: {  	[spmem:s5] =	stream.indirect.scatter.add.f32 [tilespmem:s1], [sflag:$0x6], $0x80, s7, s31, $0xb8;
	[tilespmem:$0x1F860] =	vst v63  }
0x307: {  	_ =	swait.ge [sflag:s24], $0x3E80  }
0x308: {  	[sflag:s24] =	ssyncset.done $0x0  }
0x309: {  	s15 =	simm.s32 $0x16390;
	[sflag:s24] =	ssyncadd.s32 $0xFFFFC180  }
0x30a: {  	[tilespmem:s1], [sflag:$0x1] =	stream.indirect.gather [hbm4b:s2+s31], $0x80, s15, s31, $0xb8;
	[tilespmem:$0x1F860] =	vst v63  }
0x30b: {  	_ =	swait.ge [sflag:s10], $0x3E80  }
0x30c: {  	[sflag:s10] =	ssyncset.done $0x0  }
0x30d: {  	[sflag:s10] =	ssyncadd.s32 $0xFFFFC180  }
0x30e: {  	[spmem:s5] =	stream.indirect.scatter.add.f32 [tilespmem:s4], [sflag:$0x6], $0x80, s22, s31, $0xb8;
	[tilespmem:$0x1F860] =	vst v63  }
0x30f: {  	_ =	swait.ge [sflag:s24], $0x3E80  }
0x310: {  	[sflag:s24] =	ssyncset.done $0x0  }
0x311: {  	s17 =	simm.s32 $0x16410;
	[sflag:s24] =	ssyncadd.s32 $0xFFFFC180  }
0x312: {  	[tilespmem:s4], [sflag:$0x2] =	stream.indirect.gather [hbm4b:s2+s31], $0x80, s17, s31, $0xb8;
	[tilespmem:$0x1F860] =	vst v63  }
0x313: {  	_ =	swait.ge [sflag:s8], $0x3E80  }
0x314: {  	[sflag:s8] =	ssyncset.done $0x0  }
0x315: {  	[sflag:s8] =	ssyncadd.s32 $0xFFFFC180  }
0x316: {  	[spmem:s5] =	stream.indirect.scatter.add.f32 [tilespmem:s1], [sflag:$0x6], $0x80, s25, s31, $0xb8;
	[tilespmem:$0x1F860] =	vst v63  }
0x317: {  	_ =	swait.ge [sflag:s24], $0x3E80  }
0x318: {  	[sflag:s24] =	ssyncset.done $0x0  }
0x319: {  	[sflag:s24] =	ssyncadd.s32 $0xFFFFC180  }
0x31a: {  	_ =	swait.ge [sflag:s10], $0x3E80  }
0x31b: {  	[sflag:s10] =	ssyncset.done $0x0  }
0x31c: {  	p1 =	seq.s32 s3, $0x8C0;
	[sflag:s10] =	ssyncadd.s32 $0xFFFFC180  }
0x31d: {  	[spmem:s5] =	stream.indirect.scatter.add.f32 [tilespmem:s4], [sflag:$0x6], $0x80, s20, s31, $0xb8;
	[tilespmem:$0x1F860] =	vst v63  }
0x31e: {  	s15 =	simm.s32 @!p1 $0x0;
	_ =	swait.ge [sflag:s24], $0x3E80  }
0x31f: {  	s17 =	simm.s32 @!p1 $0x15F90;
	[sflag:s24] =	ssyncset.done $0x0;
	s12 =	rddreg [dreg:$0x9]  }
0x320: {  	s13 =	rddreg [dreg:$0xa];
	s12 =	sadd.s32 @!p1 s3, s12;
	[sflag:s24] =	ssyncadd.s32 $0xFFFFC180  }
0x321: {  	[tilespmem:s17], [sflag:$0x3] =	stream.linear.gather @!p1 [hbm4b:s12+s15], $0x500, $0x38;
	[tilespmem:$0x1F860] =	vst v63  }
0x322: {  	s13 =	sadd.s32 @!p1 s3, s13;
	s12 =	simm.s32 @!p1 $0x16490  }
0x323: {  	[tilespmem:s12], [sflag:$0x3] =	stream.linear.gather @!p1 [hbm4b:s13+s15], $0x500, $0x38;
	[tilespmem:$0x1F860] =	vst v63  }
0x324: {  	_ =	swait.ge [sflag:s14], $0x500  }
0x325: {  	[sflag:s14] =	ssyncset.done $0x0  }
0x326: {  	[sflag:s14] =	ssyncadd.s32 $0xFFFFFB00  }
0x327: {  	_ =	swait.ge [sflag:s14], $0x500  }
0x328: {  	[sflag:s14] =	ssyncset.done $0x0  }
0x329: {  	s15 =	simm.s32 $0x16990;
	[sflag:s14] =	ssyncadd.s32 $0xFFFFFB00  }
0x32a: {  	[tilespmem:s1], [sflag:$0x1] =	stream.indirect.gather [hbm4b:s2+s31], $0x80, s15, s31, $0xb8;
	[tilespmem:$0x1F860] =	vst v63  }
0x32b: {  	s12 =	simm.s32 $0x16A10  }
0x32c: {  	[tilespmem:s4], [sflag:$0x2] =	stream.indirect.gather [hbm4b:s2+s31], $0x80, s12, s31, $0xb8;
	[tilespmem:$0x1F860] =	vst v63  }
0x32d: {  	_ =	swait.ge [sflag:s8], $0x3E80  }
0x32e: {  	[sflag:s8] =	ssyncset.done $0x0  }
0x32f: {  	[sflag:s8] =	ssyncadd.s32 $0xFFFFC180  }
0x330: {  	[spmem:s5] =	stream.indirect.scatter.add.f32 [tilespmem:s1], [sflag:$0x6], $0x80, s29, s31, $0xb8;
	[tilespmem:$0x1F860] =	vst v63  }
0x331: {  	_ =	swait.ge [sflag:s24], $0x3E80  }
0x332: {  	[sflag:s24] =	ssyncset.done $0x0  }
0x333: {  	s12 =	simm.s32 $0x16A90;
	[sflag:s24] =	ssyncadd.s32 $0xFFFFC180  }
0x334: {  	[tilespmem:s1], [sflag:$0x1] =	stream.indirect.gather [hbm4b:s2+s31], $0x80, s12, s31, $0xb8;
	[tilespmem:$0x1F860] =	vst v63  }
0x335: {  	_ =	swait.ge [sflag:s10], $0x3E80  }
0x336: {  	[sflag:s10] =	ssyncset.done $0x0  }
0x337: {  	s12 =	simm.s32 $0x16F10;
	[sflag:s10] =	ssyncadd.s32 $0xFFFFC180  }
0x338: {  	[spmem:s5] =	stream.indirect.scatter.add.f32 [tilespmem:s4], [sflag:$0x6], $0x80, s12, s31, $0xb8;
	[tilespmem:$0x1F860] =	vst v63  }
0x339: {  	_ =	swait.ge [sflag:s24], $0x3E80  }
0x33a: {  	[sflag:s24] =	ssyncset.done $0x0  }
0x33b: {  	s12 =	simm.s32 $0x16B10;
	[sflag:s24] =	ssyncadd.s32 $0xFFFFC180  }
0x33c: {  	[tilespmem:s4], [sflag:$0x2] =	stream.indirect.gather [hbm4b:s2+s31], $0x80, s12, s31, $0xb8;
	[tilespmem:$0x1F860] =	vst v63  }
0x33d: {  	_ =	swait.ge [sflag:s8], $0x3E80  }
0x33e: {  	[sflag:s8] =	ssyncset.done $0x0  }
0x33f: {  	s12 =	simm.s32 $0x16F90;
	[sflag:s8] =	ssyncadd.s32 $0xFFFFC180  }
0x340: {  	[spmem:s5] =	stream.indirect.scatter.add.f32 [tilespmem:s1], [sflag:$0x6], $0x80, s12, s31, $0xb8;
	[tilespmem:$0x1F860] =	vst v63  }
0x341: {  	_ =	swait.ge [sflag:s24], $0x3E80  }
0x342: {  	[sflag:s24] =	ssyncset.done $0x0  }
0x343: {  	s12 =	simm.s32 $0x16B90;
	[sflag:s24] =	ssyncadd.s32 $0xFFFFC180  }
0x344: {  	[tilespmem:s1], [sflag:$0x1] =	stream.indirect.gather [hbm4b:s2+s31], $0x80, s12, s31, $0xb8;
	[tilespmem:$0x1F860] =	vst v63  }
0x345: {  	_ =	swait.ge [sflag:s10], $0x3E80  }
0x346: {  	[sflag:s10] =	ssyncset.done $0x0  }
0x347: {  	s12 =	simm.s32 $0x17010;
	[sflag:s10] =	ssyncadd.s32 $0xFFFFC180  }
0x348: {  	[spmem:s5] =	stream.indirect.scatter.add.f32 [tilespmem:s4], [sflag:$0x6], $0x80, s12, s31, $0xb8;
	[tilespmem:$0x1F860] =	vst v63  }
0x349: {  	_ =	swait.ge [sflag:s24], $0x3E80  }
0x34a: {  	[sflag:s24] =	ssyncset.done $0x0  }
0x34b: {  	s12 =	simm.s32 $0x16C10;
	[sflag:s24] =	ssyncadd.s32 $0xFFFFC180  }
0x34c: {  	[tilespmem:s4], [sflag:$0x2] =	stream.indirect.gather [hbm4b:s2+s31], $0x80, s12, s31, $0xb8;
	[tilespmem:$0x1F860] =	vst v63  }
0x34d: {  	_ =	swait.ge [sflag:s8], $0x3E80  }
0x34e: {  	[sflag:s8] =	ssyncset.done $0x0  }
0x34f: {  	s12 =	simm.s32 $0x17090;
	[sflag:s8] =	ssyncadd.s32 $0xFFFFC180  }
0x350: {  	[spmem:s5] =	stream.indirect.scatter.add.f32 [tilespmem:s1], [sflag:$0x6], $0x80, s12, s31, $0xb8;
	[tilespmem:$0x1F860] =	vst v63  }
0x351: {  	_ =	swait.ge [sflag:s24], $0x3E80  }
0x352: {  	[sflag:s24] =	ssyncset.done $0x0  }
0x353: {  	s12 =	simm.s32 $0x16C90;
	[sflag:s24] =	ssyncadd.s32 $0xFFFFC180  }
0x354: {  	[tilespmem:s1], [sflag:$0x1] =	stream.indirect.gather [hbm4b:s2+s31], $0x80, s12, s31, $0xb8;
	[tilespmem:$0x1F860] =	vst v63  }
0x355: {  	_ =	swait.ge [sflag:s10], $0x3E80  }
0x356: {  	[sflag:s10] =	ssyncset.done $0x0  }
0x357: {  	s12 =	simm.s32 $0x17110;
	[sflag:s10] =	ssyncadd.s32 $0xFFFFC180  }
0x358: {  	[spmem:s5] =	stream.indirect.scatter.add.f32 [tilespmem:s4], [sflag:$0x6], $0x80, s12, s31, $0xb8;
	[tilespmem:$0x1F860] =	vst v63  }
0x359: {  	_ =	swait.ge [sflag:s24], $0x3E80  }
0x35a: {  	[sflag:s24] =	ssyncset.done $0x0  }
0x35b: {  	s12 =	simm.s32 $0x16D10;
	[sflag:s24] =	ssyncadd.s32 $0xFFFFC180  }
0x35c: {  	[tilespmem:s4], [sflag:$0x2] =	stream.indirect.gather [hbm4b:s2+s31], $0x80, s12, s31, $0xb8;
	[tilespmem:$0x1F860] =	vst v63  }
0x35d: {  	_ =	swait.ge [sflag:s8], $0x3E80  }
0x35e: {  	[sflag:s8] =	ssyncset.done $0x0  }
0x35f: {  	s12 =	simm.s32 $0x17190;
	[sflag:s8] =	ssyncadd.s32 $0xFFFFC180  }
0x360: {  	[spmem:s5] =	stream.indirect.scatter.add.f32 [tilespmem:s1], [sflag:$0x6], $0x80, s12, s31, $0xb8;
	[tilespmem:$0x1F860] =	vst v63  }
0x361: {  	_ =	swait.ge [sflag:s24], $0x3E80  }
0x362: {  	[sflag:s24] =	ssyncset.done $0x0  }
0x363: {  	s12 =	simm.s32 $0x16D90;
	[sflag:s24] =	ssyncadd.s32 $0xFFFFC180  }
0x364: {  	[tilespmem:s1], [sflag:$0x1] =	stream.indirect.gather [hbm4b:s2+s31], $0x80, s12, s31, $0xb8;
	[tilespmem:$0x1F860] =	vst v63  }
0x365: {  	_ =	swait.ge [sflag:s10], $0x3E80  }
0x366: {  	[sflag:s10] =	ssyncset.done $0x0  }
0x367: {  	s12 =	simm.s32 $0x17210;
	[sflag:s10] =	ssyncadd.s32 $0xFFFFC180  }
0x368: {  	[spmem:s5] =	stream.indirect.scatter.add.f32 [tilespmem:s4], [sflag:$0x6], $0x80, s12, s31, $0xb8;
	[tilespmem:$0x1F860] =	vst v63  }
0x369: {  	_ =	swait.ge [sflag:s24], $0x3E80  }
0x36a: {  	[sflag:s24] =	ssyncset.done $0x0  }
0x36b: {  	[sflag:s24] =	ssyncadd.s32 $0xFFFFC180  }
0x36c: {  	[tilespmem:s4], [sflag:$0x2] =	stream.indirect.gather [hbm4b:s2+s31], $0x80, s21, s31, $0xb8;
	[tilespmem:$0x1F860] =	vst v63  }
0x36d: {  	_ =	swait.ge [sflag:s8], $0x3E80  }
0x36e: {  	[sflag:s8] =	ssyncset.done $0x0  }
0x36f: {  	s12 =	simm.s32 $0x17290;
	[sflag:s8] =	ssyncadd.s32 $0xFFFFC180  }
0x370: {  	[spmem:s5] =	stream.indirect.scatter.add.f32 [tilespmem:s1], [sflag:$0x6], $0x80, s12, s31, $0xb8;
	[tilespmem:$0x1F860] =	vst v63  }
0x371: {  	_ =	swait.ge [sflag:s24], $0x3E80  }
0x372: {  	s26 =	smov.u32 s18;
	s18 =	sadd.s32 $0x140, s18;
	[sflag:s24] =	ssyncset.done $0x0  }
0x373: {  	p0 =	sne.s32 s18, $0xA00;
	[sflag:s24] =	ssyncadd.s32 $0xFFFFC180  }
.Ltmp2:
0x374: {  	_ =	swait.ge [sflag:s10], $0x3E80;
	(pc) =	sbr.rel @p0 .LBB2_6-.Ltmp2, $4  }
0x375: {  	s3 =	smov.u32 s26;
	[sflag:s10] =	ssyncset.done $0x0  }
0x376: {  	s26 =	smov.u32 s28;
	s12 =	simm.s32 $0x17310;
	[sflag:s10] =	ssyncadd.s32 $0xFFFFC180  }
0x377: {  	[spmem:s5] =	stream.indirect.scatter.add.f32 [tilespmem:s4], [sflag:$0x6], $0x80, s12, s31, $0xb8;
	[tilespmem:$0x1F860] =	vst v63  }
0x378: {  	s17 =	simm.s32 $0x16190;
	s13 =	simm.s32 $0x16590;
	_ =	swait.ge [sflag:s24], $0x3E80  }
0x379: {  	[sflag:s24] =	ssyncset.done $0x0  }
0x37a: {  	s12 =	sadd.s32 s3, s26;
	s26 =	rddreg [dreg:$0x8];
	[sflag:s24] =	ssyncadd.s32 $0xFFFFC180  }
0x37b: {  	[tilespmem:s15], [sflag:$0x4] =	stream.linear.gather [hbm4b:s12+s19], $0x500, $0x38;
	[tilespmem:$0x1F860] =	vst v63  }
0x37c: {  	s12 =	sadd.s32 s3, s26  }
0x37d: {  	[tilespmem:s29], [sflag:$0x4] =	stream.linear.gather [hbm4b:s12+s19], $0x500, $0x38;
	[tilespmem:$0x1F860] =	vst v63  }
0x37e: {  	_ =	swait.ge [sflag:s30], $0x500  }
0x37f: {  	[sflag:s30] =	ssyncset.done $0x0  }
0x380: {  	[sflag:s30] =	ssyncadd.s32 $0xFFFFFB00  }
0x381: {  	_ =	swait.ge [sflag:s30], $0x500  }
0x382: {  	[sflag:s30] =	ssyncset.done $0x0  }
0x383: {  	s15 =	simm.s32 $0x15F90;
	[sflag:s30] =	ssyncadd.s32 $0xFFFFFB00  }
0x384: {  	[tilespmem:s1], [sflag:$0x1] =	stream.indirect.gather [hbm4b:s2+s31], $0x80, s15, s31, $0xb8;
	[tilespmem:$0x1F860] =	vst v63  }
0x385: {  	_ = 	snop  }
0x386: {  	[tilespmem:s4], [sflag:$0x2] =	stream.indirect.gather [hbm4b:s2+s31], $0x80, s9, s31, $0xb8;
	[tilespmem:$0x1F860] =	vst v63  }
0x387: {  	_ =	swait.ge [sflag:s8], $0x3E80  }
0x388: {  	[sflag:s8] =	ssyncset.done $0x0  }
0x389: {  	s18 =	simm.s32 $0x16490;
	[sflag:s8] =	ssyncadd.s32 $0xFFFFC180  }
0x38a: {  	[spmem:s5] =	stream.indirect.scatter.add.f32 [tilespmem:s1], [sflag:$0x6], $0x80, s18, s31, $0xb8;
	[tilespmem:$0x1F860] =	vst v63  }
0x38b: {  	_ =	swait.ge [sflag:s24], $0x3E80  }
0x38c: {  	[sflag:s24] =	ssyncset.done $0x0  }
0x38d: {  	s26 =	simm.s32 $0x16090;
	[sflag:s24] =	ssyncadd.s32 $0xFFFFC180  }
0x38e: {  	[tilespmem:s1], [sflag:$0x1] =	stream.indirect.gather [hbm4b:s2+s31], $0x80, s26, s31, $0xb8;
	[tilespmem:$0x1F860] =	vst v63  }
0x38f: {  	_ =	swait.ge [sflag:s10], $0x3E80  }
0x390: {  	[sflag:s10] =	ssyncset.done $0x0  }
0x391: {  	s12 =	simm.s32 $0x16510;
	[sflag:s10] =	ssyncadd.s32 $0xFFFFC180  }
0x392: {  	[spmem:s5] =	stream.indirect.scatter.add.f32 [tilespmem:s4], [sflag:$0x6], $0x80, s12, s31, $0xb8;
	[tilespmem:$0x1F860] =	vst v63  }
0x393: {  	_ =	swait.ge [sflag:s24], $0x3E80  }
0x394: {  	[sflag:s24] =	ssyncset.done $0x0  }
0x395: {  	s15 =	simm.s32 $0x16110;
	[sflag:s24] =	ssyncadd.s32 $0xFFFFC180  }
0x396: {  	[tilespmem:s4], [sflag:$0x2] =	stream.indirect.gather [hbm4b:s2+s31], $0x80, s15, s31, $0xb8;
	[tilespmem:$0x1F860] =	vst v63  }
0x397: {  	_ =	swait.ge [sflag:s8], $0x3E80  }
0x398: {  	[sflag:s8] =	ssyncset.done $0x0  }
0x399: {  	[sflag:s8] =	ssyncadd.s32 $0xFFFFC180  }
0x39a: {  	[spmem:s5] =	stream.indirect.scatter.add.f32 [tilespmem:s1], [sflag:$0x6], $0x80, s13, s31, $0xb8;
	[tilespmem:$0x1F860] =	vst v63  }
0x39b: {  	_ =	swait.ge [sflag:s24], $0x3E80  }
0x39c: {  	[sflag:s24] =	ssyncset.done $0x0  }
0x39d: {  	[sflag:s24] =	ssyncadd.s32 $0xFFFFC180  }
0x39e: {  	[tilespmem:s1], [sflag:$0x1] =	stream.indirect.gather [hbm4b:s2+s31], $0x80, s17, s31, $0xb8;
	[tilespmem:$0x1F860] =	vst v63  }
0x39f: {  	_ =	swait.ge [sflag:s10], $0x3E80  }
0x3a0: {  	[sflag:s10] =	ssyncset.done $0x0  }
0x3a1: {  	s18 =	simm.s32 $0x16610;
	[sflag:s10] =	ssyncadd.s32 $0xFFFFC180  }
0x3a2: {  	[spmem:s5] =	stream.indirect.scatter.add.f32 [tilespmem:s4], [sflag:$0x6], $0x80, s18, s31, $0xb8;
	[tilespmem:$0x1F860] =	vst v63  }
0x3a3: {  	_ =	swait.ge [sflag:s24], $0x3E80  }
0x3a4: {  	[sflag:s24] =	ssyncset.done $0x0  }
0x3a5: {  	s26 =	simm.s32 $0x16210;
	[sflag:s24] =	ssyncadd.s32 $0xFFFFC180  }
0x3a6: {  	[tilespmem:s4], [sflag:$0x2] =	stream.indirect.gather [hbm4b:s2+s31], $0x80, s26, s31, $0xb8;
	[tilespmem:$0x1F860] =	vst v63  }
0x3a7: {  	_ =	swait.ge [sflag:s8], $0x3E80  }
0x3a8: {  	[sflag:s8] =	ssyncset.done $0x0  }
0x3a9: {  	[sflag:s8] =	ssyncadd.s32 $0xFFFFC180  }
0x3aa: {  	[spmem:s5] =	stream.indirect.scatter.add.f32 [tilespmem:s1], [sflag:$0x6], $0x80, s11, s31, $0xb8;
	[tilespmem:$0x1F860] =	vst v63  }
0x3ab: {  	_ =	swait.ge [sflag:s24], $0x3E80  }
0x3ac: {  	[sflag:s24] =	ssyncset.done $0x0  }
0x3ad: {  	s12 =	simm.s32 $0x16290;
	[sflag:s24] =	ssyncadd.s32 $0xFFFFC180  }
0x3ae: {  	[tilespmem:s1], [sflag:$0x1] =	stream.indirect.gather [hbm4b:s2+s31], $0x80, s12, s31, $0xb8;
	[tilespmem:$0x1F860] =	vst v63  }
0x3af: {  	_ =	swait.ge [sflag:s10], $0x3E80  }
0x3b0: {  	[sflag:s10] =	ssyncset.done $0x0  }
0x3b1: {  	[sflag:s10] =	ssyncadd.s32 $0xFFFFC180  }
0x3b2: {  	[spmem:s5] =	stream.indirect.scatter.add.f32 [tilespmem:s4], [sflag:$0x6], $0x80, s16, s31, $0xb8;
	[tilespmem:$0x1F860] =	vst v63  }
0x3b3: {  	_ =	swait.ge [sflag:s24], $0x3E80  }
0x3b4: {  	[sflag:s24] =	ssyncset.done $0x0  }
0x3b5: {  	s13 =	simm.s32 $0x16310;
	[sflag:s24] =	ssyncadd.s32 $0xFFFFC180  }
0x3b6: {  	[tilespmem:s4], [sflag:$0x2] =	stream.indirect.gather [hbm4b:s2+s31], $0x80, s13, s31, $0xb8;
	[tilespmem:$0x1F860] =	vst v63  }
0x3b7: {  	_ =	swait.ge [sflag:s8], $0x3E80  }
0x3b8: {  	[sflag:s8] =	ssyncset.done $0x0  }
0x3b9: {  	[sflag:s8] =	ssyncadd.s32 $0xFFFFC180  }
0x3ba: {  	[spmem:s5] =	stream.indirect.scatter.add.f32 [tilespmem:s1], [sflag:$0x6], $0x80, s7, s31, $0xb8;
	[tilespmem:$0x1F860] =	vst v63  }
0x3bb: {  	_ =	swait.ge [sflag:s24], $0x3E80  }
0x3bc: {  	[sflag:s24] =	ssyncset.done $0x0  }
0x3bd: {  	s15 =	simm.s32 $0x16390;
	[sflag:s24] =	ssyncadd.s32 $0xFFFFC180  }
0x3be: {  	[tilespmem:s1], [sflag:$0x1] =	stream.indirect.gather [hbm4b:s2+s31], $0x80, s15, s31, $0xb8;
	[tilespmem:$0x1F860] =	vst v63  }
0x3bf: {  	_ =	swait.ge [sflag:s10], $0x3E80  }
0x3c0: {  	[sflag:s10] =	ssyncset.done $0x0  }
0x3c1: {  	[sflag:s10] =	ssyncadd.s32 $0xFFFFC180  }
0x3c2: {  	[spmem:s5] =	stream.indirect.scatter.add.f32 [tilespmem:s4], [sflag:$0x6], $0x80, s22, s31, $0xb8;
	[tilespmem:$0x1F860] =	vst v63  }
0x3c3: {  	_ =	swait.ge [sflag:s24], $0x3E80  }
0x3c4: {  	[sflag:s24] =	ssyncset.done $0x0  }
0x3c5: {  	s17 =	simm.s32 $0x16410;
	[sflag:s24] =	ssyncadd.s32 $0xFFFFC180  }
0x3c6: {  	[tilespmem:s4], [sflag:$0x2] =	stream.indirect.gather [hbm4b:s2+s31], $0x80, s17, s31, $0xb8;
	[tilespmem:$0x1F860] =	vst v63  }
0x3c7: {  	_ =	swait.ge [sflag:s8], $0x3E80  }
0x3c8: {  	[sflag:s8] =	ssyncset.done $0x0  }
0x3c9: {  	[sflag:s8] =	ssyncadd.s32 $0xFFFFC180  }
0x3ca: {  	[spmem:s5] =	stream.indirect.scatter.add.f32 [tilespmem:s1], [sflag:$0x6], $0x80, s25, s31, $0xb8;
	[tilespmem:$0x1F860] =	vst v63  }
0x3cb: {  	_ =	swait.ge [sflag:s24], $0x3E80  }
0x3cc: {  	[sflag:s24] =	ssyncset.done $0x0  }
0x3cd: {  	[sflag:s24] =	ssyncadd.s32 $0xFFFFC180  }
0x3ce: {  	_ =	swait.ge [sflag:s10], $0x3E80  }
0x3cf: {  	[sflag:s10] =	ssyncset.done $0x0  }
0x3d0: {  	[sflag:s10] =	ssyncadd.s32 $0xFFFFC180  }
0x3d1: {  	[spmem:s5] =	stream.indirect.scatter.add.f32 [tilespmem:s4], [sflag:$0x6], $0x80, s20, s31, $0xb8;
	[tilespmem:$0x1F860] =	vst v63  }
0x3d2: {  	p0 =	seq.s32 s3, $0x8C0;
	_ =	swait.ge [sflag:s24], $0x3E80  }
0x3d3: {  	s15 =	simm.s32 @!p0 $0x15F90;
	[sflag:s24] =	ssyncset.done $0x0;
	s9 =	rddreg [dreg:$0x9]  }
0x3d4: {  	s17 =	simm.s32 @!p0 $0x0;
	s12 =	sadd.s32 @!p0 s3, s9;
	[sflag:s24] =	ssyncadd.s32 $0xFFFFC180  }
0x3d5: {  	[tilespmem:s15], [sflag:$0x3] =	stream.linear.gather @!p0 [hbm4b:s12+s17], $0x500, $0x38;
	[tilespmem:$0x1F860] =	vst v63  }
0x3d6: {  	s12 =	rddreg [dreg:$0xa]  }
0x3d7: {  	s3 =	sadd.s32 @!p0 s3, s12;
	s12 =	simm.s32 @!p0 $0x16490  }
0x3d8: {  	[tilespmem:s12], [sflag:$0x3] =	stream.linear.gather @!p0 [hbm4b:s3+s17], $0x500, $0x38;
	[tilespmem:$0x1F860] =	vst v63  }
0x3d9: {  	_ =	swait.ge [sflag:s14], $0x500  }
0x3da: {  	[sflag:s14] =	ssyncset.done $0x0  }
0x3db: {  	[sflag:s14] =	ssyncadd.s32 $0xFFFFFB00  }
0x3dc: {  	_ =	swait.ge [sflag:s14], $0x500  }
0x3dd: {  	[sflag:s14] =	ssyncset.done $0x0  }
0x3de: {  	s28 =	simm.s32 $0x16990;
	[sflag:s14] =	ssyncadd.s32 $0xFFFFFB00  }
0x3df: {  	[tilespmem:s1], [sflag:$0x1] =	stream.indirect.gather [hbm4b:s2+s31], $0x80, s28, s31, $0xb8;
	[tilespmem:$0x1F860] =	vst v63  }
0x3e0: {  	s18 =	simm.s32 $0x16A10  }
0x3e1: {  	[tilespmem:s4], [sflag:$0x2] =	stream.indirect.gather [hbm4b:s2+s31], $0x80, s18, s31, $0xb8;
	[tilespmem:$0x1F860] =	vst v63  }
0x3e2: {  	_ =	swait.ge [sflag:s8], $0x3E80  }
0x3e3: {  	[sflag:s8] =	ssyncset.done $0x0  }
0x3e4: {  	[sflag:s8] =	ssyncadd.s32 $0xFFFFC180  }
0x3e5: {  	[spmem:s5] =	stream.indirect.scatter.add.f32 [tilespmem:s1], [sflag:$0x6], $0x80, s29, s31, $0xb8;
	[tilespmem:$0x1F860] =	vst v63  }
0x3e6: {  	_ =	swait.ge [sflag:s24], $0x3E80  }
0x3e7: {  	[sflag:s24] =	ssyncset.done $0x0  }
0x3e8: {  	s26 =	simm.s32 $0x16A90;
	[sflag:s24] =	ssyncadd.s32 $0xFFFFC180  }
0x3e9: {  	[tilespmem:s1], [sflag:$0x1] =	stream.indirect.gather [hbm4b:s2+s31], $0x80, s26, s31, $0xb8;
	[tilespmem:$0x1F860] =	vst v63  }
0x3ea: {  	_ =	swait.ge [sflag:s10], $0x3E80  }
0x3eb: {  	[sflag:s10] =	ssyncset.done $0x0  }
0x3ec: {  	s12 =	simm.s32 $0x16F10;
	[sflag:s10] =	ssyncadd.s32 $0xFFFFC180  }
0x3ed: {  	[spmem:s5] =	stream.indirect.scatter.add.f32 [tilespmem:s4], [sflag:$0x6], $0x80, s12, s31, $0xb8;
	[tilespmem:$0x1F860] =	vst v63  }
0x3ee: {  	_ =	swait.ge [sflag:s24], $0x3E80  }
0x3ef: {  	[sflag:s24] =	ssyncset.done $0x0  }
0x3f0: {  	s15 =	simm.s32 $0x16B10;
	[sflag:s24] =	ssyncadd.s32 $0xFFFFC180  }
0x3f1: {  	[tilespmem:s4], [sflag:$0x2] =	stream.indirect.gather [hbm4b:s2+s31], $0x80, s15, s31, $0xb8;
	[tilespmem:$0x1F860] =	vst v63  }
0x3f2: {  	_ =	swait.ge [sflag:s8], $0x3E80  }
0x3f3: {  	[sflag:s8] =	ssyncset.done $0x0  }
0x3f4: {  	s17 =	simm.s32 $0x16F90;
	[sflag:s8] =	ssyncadd.s32 $0xFFFFC180  }
0x3f5: {  	[spmem:s5] =	stream.indirect.scatter.add.f32 [tilespmem:s1], [sflag:$0x6], $0x80, s17, s31, $0xb8;
	[tilespmem:$0x1F860] =	vst v63  }
0x3f6: {  	_ =	swait.ge [sflag:s24], $0x3E80  }
0x3f7: {  	[sflag:s24] =	ssyncset.done $0x0  }
0x3f8: {  	s18 =	simm.s32 $0x16B90;
	[sflag:s24] =	ssyncadd.s32 $0xFFFFC180  }
0x3f9: {  	[tilespmem:s1], [sflag:$0x1] =	stream.indirect.gather [hbm4b:s2+s31], $0x80, s18, s31, $0xb8;
	[tilespmem:$0x1F860] =	vst v63  }
0x3fa: {  	_ =	swait.ge [sflag:s10], $0x3E80  }
0x3fb: {  	[sflag:s10] =	ssyncset.done $0x0  }
0x3fc: {  	s26 =	simm.s32 $0x17010;
	[sflag:s10] =	ssyncadd.s32 $0xFFFFC180  }
0x3fd: {  	[spmem:s5] =	stream.indirect.scatter.add.f32 [tilespmem:s4], [sflag:$0x6], $0x80, s26, s31, $0xb8;
	[tilespmem:$0x1F860] =	vst v63  }
0x3fe: {  	_ =	swait.ge [sflag:s24], $0x3E80  }
0x3ff: {  	[sflag:s24] =	ssyncset.done $0x0  }
0x400: {  	s12 =	simm.s32 $0x16C10;
	[sflag:s24] =	ssyncadd.s32 $0xFFFFC180  }
0x401: {  	[tilespmem:s4], [sflag:$0x2] =	stream.indirect.gather [hbm4b:s2+s31], $0x80, s12, s31, $0xb8;
	[tilespmem:$0x1F860] =	vst v63  }
0x402: {  	_ =	swait.ge [sflag:s8], $0x3E80  }
0x403: {  	[sflag:s8] =	ssyncset.done $0x0  }
0x404: {  	s15 =	simm.s32 $0x17090;
	[sflag:s8] =	ssyncadd.s32 $0xFFFFC180  }
0x405: {  	[spmem:s5] =	stream.indirect.scatter.add.f32 [tilespmem:s1], [sflag:$0x6], $0x80, s15, s31, $0xb8;
	[tilespmem:$0x1F860] =	vst v63  }
0x406: {  	_ =	swait.ge [sflag:s24], $0x3E80  }
0x407: {  	[sflag:s24] =	ssyncset.done $0x0  }
0x408: {  	s17 =	simm.s32 $0x16C90;
	[sflag:s24] =	ssyncadd.s32 $0xFFFFC180  }
0x409: {  	[tilespmem:s1], [sflag:$0x1] =	stream.indirect.gather [hbm4b:s2+s31], $0x80, s17, s31, $0xb8;
	[tilespmem:$0x1F860] =	vst v63  }
0x40a: {  	_ =	swait.ge [sflag:s10], $0x3E80  }
0x40b: {  	[sflag:s10] =	ssyncset.done $0x0  }
0x40c: {  	s18 =	simm.s32 $0x17110;
	[sflag:s10] =	ssyncadd.s32 $0xFFFFC180  }
0x40d: {  	[spmem:s5] =	stream.indirect.scatter.add.f32 [tilespmem:s4], [sflag:$0x6], $0x80, s18, s31, $0xb8;
	[tilespmem:$0x1F860] =	vst v63  }
0x40e: {  	_ =	swait.ge [sflag:s24], $0x3E80  }
0x40f: {  	[sflag:s24] =	ssyncset.done $0x0  }
0x410: {  	s26 =	simm.s32 $0x16D10;
	[sflag:s24] =	ssyncadd.s32 $0xFFFFC180  }
0x411: {  	[tilespmem:s4], [sflag:$0x2] =	stream.indirect.gather [hbm4b:s2+s31], $0x80, s26, s31, $0xb8;
	[tilespmem:$0x1F860] =	vst v63  }
0x412: {  	_ =	swait.ge [sflag:s8], $0x3E80  }
0x413: {  	[sflag:s8] =	ssyncset.done $0x0  }
0x414: {  	s12 =	simm.s32 $0x17190;
	[sflag:s8] =	ssyncadd.s32 $0xFFFFC180  }
0x415: {  	[spmem:s5] =	stream.indirect.scatter.add.f32 [tilespmem:s1], [sflag:$0x6], $0x80, s12, s31, $0xb8;
	[tilespmem:$0x1F860] =	vst v63  }
0x416: {  	_ =	swait.ge [sflag:s24], $0x3E80  }
0x417: {  	[sflag:s24] =	ssyncset.done $0x0  }
0x418: {  	s15 =	simm.s32 $0x16D90;
	[sflag:s24] =	ssyncadd.s32 $0xFFFFC180  }
0x419: {  	[tilespmem:s1], [sflag:$0x1] =	stream.indirect.gather [hbm4b:s2+s31], $0x80, s15, s31, $0xb8;
	[tilespmem:$0x1F860] =	vst v63  }
0x41a: {  	_ =	swait.ge [sflag:s10], $0x3E80  }
0x41b: {  	[sflag:s10] =	ssyncset.done $0x0  }
0x41c: {  	s17 =	simm.s32 $0x17210;
	[sflag:s10] =	ssyncadd.s32 $0xFFFFC180  }
0x41d: {  	[spmem:s5] =	stream.indirect.scatter.add.f32 [tilespmem:s4], [sflag:$0x6], $0x80, s17, s31, $0xb8;
	[tilespmem:$0x1F860] =	vst v63  }
0x41e: {  	_ =	swait.ge [sflag:s24], $0x3E80  }
0x41f: {  	[sflag:s24] =	ssyncset.done $0x0  }
0x420: {  	[sflag:s24] =	ssyncadd.s32 $0xFFFFC180  }
0x421: {  	[tilespmem:s4], [sflag:$0x2] =	stream.indirect.gather [hbm4b:s2+s31], $0x80, s21, s31, $0xb8;
	[tilespmem:$0x1F860] =	vst v63  }
0x422: {  	_ =	swait.ge [sflag:s8], $0x3E80  }
0x423: {  	[sflag:s8] =	ssyncset.done $0x0  }
0x424: {  	s18 =	simm.s32 $0x17290;
	[sflag:s8] =	ssyncadd.s32 $0xFFFFC180  }
0x425: {  	[spmem:s5] =	stream.indirect.scatter.add.f32 [tilespmem:s1], [sflag:$0x6], $0x80, s18, s31, $0xb8;
	[tilespmem:$0x1F860] =	vst v63  }
0x426: {  	_ =	swait.ge [sflag:s24], $0x3E80  }
0x427: {  	[sflag:s24] =	ssyncset.done $0x0  }
0x428: {  	[sflag:s24] =	ssyncadd.s32 $0xFFFFC180  }
0x429: {  	_ =	swait.ge [sflag:s10], $0x3E80  }
0x42a: {  	[sflag:s10] =	ssyncset.done $0x0  }
0x42b: {  	s26 =	simm.s32 $0x17310;
	[sflag:s10] =	ssyncadd.s32 $0xFFFFC180  }
0x42c: {  	[spmem:s5] =	stream.indirect.scatter.add.f32 [tilespmem:s4], [sflag:$0x6], $0x80, s26, s31, $0xb8;
	[tilespmem:$0x1F860] =	vst v63  }
0x42d: {  	_ =	swait.ge [sflag:s24], $0x3E80  }
0x42e: {  	[sflag:s24] =	ssyncset.done $0x0  }
0x42f: {  	[sflag:s24] =	ssyncadd.s32 $0xFFFFC180  }
0x430: {  	[bflag:$0x0] =	sbarrier.arrive $0xFFFF  }
0x431: {  	s12 =	rddreg [dreg:$0x15]  }
0x432: {  	s15 =	rddreg [dreg:$0x18]  }
0x433: {  	s17 =	rddreg [dreg:$0x19]  }
0x434: {  	[hbm:s12], [sflag:s15] =	dma.local [spmem:s17], $0x2710  }
0x435: {  	_ =	swait.ge [sflag:s24], $0x2710  }
0x436: {  	s18 =	rddreg [dreg:$0x17]  }
0x437: {  	s26 =	rddreg [dreg:$0x16];
	s12 =	sadd.s32 $0x1, s18  }
0x438: {  	p0 =	sne.s32 s12, s26  }
.Ltmp3:
0x439: {  	_ = 	snop;
	(pc) =	sbr.rel @p0 .LBB2_1-.Ltmp3, $4  }
0x43a: {  	_ = 	snop  }
0x43b: {  	s11 =	simm.s32 $0x16690;
	s13 =	simm.s32 $0x16590;
	s9 =	simm.s32 $0x16610  }
0x43c: {  	s15 =	simm.s32 $0x16490;
	[sflag:s24] =	ssyncset.done $0x0;
	s17 =	rddreg [dreg:$0xf]  }
0x43d: {  	[sflag:s24] =	ssyncadd.s32 $0xFFFFD8F0;
	[dreg:$0x17] =	wrdreg s12;
	s12 =	simm.s32 $0x15F90  }
0x43e: {  	_ =	sfence.sel $0x180000  }
0x43f: {  	[bflag:$0x0] =	sbarrier.arrive $0xFFFF  }
0x440: {  	_ =	strace $0x90000047  }
0x441: {  	s0 =	stileid.u32;
	[bflag:$0x2] =	sbarrier.arrive $0xFFFF  }
0x442: {  	p0 =	sne.s32 s0, $0x0;
	s0 =	rddreg [dreg:$0x7]  }
0x443: {  	s0 =	sadd.s32 @!p0 $0x100000, s0  }
0x444: {  	[sflag:s0] =	ssyncadd.tile.s32 @!p0 $0x1;
	_ =	shalt  }
.Lfunc_end2:
_tile_overlayer_lowered:
.L_overlay_start_2:
0x445: {  	(tag) =	ssettag $0x2  }
0x446: {  	s0 =	rddreg [dreg:$0x0];
	s2 =	stileid.u32  }
0x447: {  	s1 =	rddreg [dreg:$0x1];
	p0 =	sne.s32 s2, $0x0  }
0x448: {  	s3 =	rddreg [dreg:$0x2];
	[bflag:$0x3] =	sbarrier.arrive $0xFFFF;
	s2 =	simm.s32 @!p0 $0x1C06  }
0x449: {  	[timem:s3], [sflag:s2] =	dma.local @!p0 [hbm:s0], s1  }
0x44a: {  	s0 =	simm.s32 @!p0 $0x6  }
0x44b: {  	_ =	swait.ge @!p0 [sflag:s0], s1  }
0x44c: {  	s1 =	ssub.s32 @!p0 $0x0, s1;
	[sflag:s0] =	ssyncset.done @!p0 $0x0  }
0x44d: {  	[sflag:s0] =	ssyncadd.s32 @!p0 s1  }
0x44e: {  	[bflag:$0x3] =	sbarrier.arrive $0xFFFF  }
0x44f: {  	_ =	shalt  }

</sc_bundles>
